<compile_context>
chip_gen: v7x
topology: tpu7x:2x2x1
jax: 0.10.2.dev20260603
libtpu: 0.0.44.dev20260713+nightly
codegen_flags: <defaults>
</compile_context>

<pallas_src>
import jax
import jax.numpy as jnp
from jax import lax
from jax.experimental import pallas as pl
from jax.experimental.pallas import tpu as pltpu
from jax.experimental.pallas import tpu_sc as plsc

NC, NS, L = 2, 16, 16
NW = NC * NS
B, S, J = 8, 16384, 200
JT, JR = 25, 8
ST, SR = 128, 128
PAIRS = JR // 2
M2_PAD = 704
INV_LEN = 1.0 / J

ST_SC = 68
ST_PER_W = ST_SC // 4
ROWS_PER_W = ST_PER_W * SR
SC_ROWS = B * ST_SC * SR
CHUNK_WORDS = ST_PER_W * JR * SR

TC_LANES = 512
TC_S0 = ST_SC * SR
TC_NSB = (S - TC_S0) // TC_LANES


def _sc_body(mask2_hbm, seq_hbm, out_hbm, mask2_v, buf0, buf1, acc_v, sem0, sem1):
    wid = lax.axis_index("s") * NC + lax.axis_index("c")
    b = wid // 4
    st0 = (wid % 4) * ST_PER_W
    pltpu.sync_copy(mask2_hbm, mask2_v)
    lane = lax.iota(jnp.int32, L)
    zeros = jnp.zeros((L,), jnp.float32)

    def zero_body(i, tok):
        acc_v[pl.ds(pl.multiple_of(i * L, 8), L)] = zeros
        return tok

    lax.fori_loop(0, ROWS_PER_W // L, zero_body, 0)

    def start(jt, buf, sem):
        src = pl.multiple_of(((b * JT + jt) * ST + st0) * (JR * SR), 8)
        pltpu.async_copy(seq_hbm.at[pl.ds(src, CHUNK_WORDS)], buf, sem)

    def wait(buf, sem):
        pltpu.make_async_copy(
            seq_hbm.at[pl.ds(0, CHUNK_WORDS)], buf, sem
        ).wait()

    def compute(buf):
        def st_body(st, tok):
            sbase = st * (JR * SR)
            abase = st * SR
            for q in range(JR):
                aoff = pl.multiple_of(abase + q * L, 8)
                acc = acc_v[pl.ds(aoff, L)]
                for p in range(PAIRS):
                    offa = pl.multiple_of(sbase + (2 * p) * SR + q * L, 8)
                    offb = pl.multiple_of(sbase + (2 * p + 1) * SR + q * L, 8)
                    a = buf[pl.ds(offa, L)]
                    bb = buf[pl.ds(offb, L)]
                    addr = ((a << 5) + bb) * L + lane
                    acc = acc + plsc.load_gather(mask2_v, [addr])
                acc_v[pl.ds(aoff, L)] = acc
            return tok

        lax.fori_loop(0, ST_PER_W, st_body, 0)

    start(0, buf0, sem0)
    start(1, buf1, sem1)

    def outer(cc, tok):
        jt = cc * 2
        wait(buf0, sem0)
        compute(buf0)

        @pl.when(cc < JT // 2)
        def _():
            start(jt + 2, buf0, sem0)

        wait(buf1, sem1)
        compute(buf1)

        @pl.when(cc < JT // 2 - 1)
        def _():
            start(jt + 3, buf1, sem1)

        return tok

    lax.fori_loop(0, JT // 2, outer, 0)
    wait(buf0, sem0)
    compute(buf0)

    def scale_body(i, tok):
        off = pl.multiple_of(i * L, 8)
        acc_v[pl.ds(off, L)] = acc_v[pl.ds(off, L)] * INV_LEN
        return tok

    lax.fori_loop(0, ROWS_PER_W // L, scale_body, 0)
    pltpu.sync_copy(acc_v, out_hbm.at[pl.ds(wid * ROWS_PER_W, ROWS_PER_W)])


def _tc_body(mask_ref, x_ref, o_ref):
    tbl = jnp.broadcast_to(mask_ref[...].reshape(1, 21), (J, 21))
    hits = jnp.take_along_axis(
        tbl, x_ref[0], axis=1, mode=lax.GatherScatterMode.PROMISE_IN_BOUNDS
    )
    o_ref[...] = (jnp.sum(hits, axis=0) * INV_LEN).reshape(1, 1, TC_LANES)


def kernel(seq_samples, reward_mask):
    seq_t = seq_samples.transpose(0, 2, 1)
    seq_view = (
        seq_t.reshape(B, JT, JR, ST, SR)
        .transpose(0, 1, 3, 2, 4)
        .reshape(-1)
    )
    m2 = reward_mask[:, None] + reward_mask[None, :]
    m2 = jnp.pad(m2, ((0, 1), (0, 32 - m2.shape[1])))
    mask2 = jnp.repeat(m2.reshape(-1), L)

    mesh = plsc.VectorSubcoreMesh(
        core_axis_name="c", subcore_axis_name="s", num_cores=NC, num_subcores=NS
    )
    sc_out = pl.kernel(
        _sc_body,
        out_type=jax.ShapeDtypeStruct((SC_ROWS,), jnp.float32),
        mesh=mesh,
        compiler_params=pltpu.CompilerParams(needs_layout_passes=False),
        scratch_types=[
            pltpu.VMEM((M2_PAD * L,), jnp.float32),
            pltpu.VMEM((CHUNK_WORDS,), jnp.int32),
            pltpu.VMEM((CHUNK_WORDS,), jnp.int32),
            pltpu.VMEM((ROWS_PER_W,), jnp.float32),
            pltpu.SemaphoreType.DMA,
            pltpu.SemaphoreType.DMA,
        ],
    )(mask2, seq_view)

    tc_out = pl.pallas_call(
        _tc_body,
        out_shape=jax.ShapeDtypeStruct((B * TC_NSB, 1, TC_LANES), jnp.float32),
        grid=(B, TC_NSB),
        in_specs=[
            pl.BlockSpec((1, 21), lambda b, sb: (0, 0)),
            pl.BlockSpec(
                (1, J, TC_LANES),
                lambda b, sb: (b, 0, sb + TC_S0 // TC_LANES),
            ),
        ],
        out_specs=pl.BlockSpec(
            (1, 1, TC_LANES), lambda b, sb: (b * TC_NSB + sb, 0, 0)
        ),
    )(reward_mask.reshape(1, 21), seq_t)

    return jnp.concatenate(
        [sc_out.reshape(B, ST_SC * SR), tc_out.reshape(B, S - TC_S0)], axis=1
    )

# --- scband reference (transcript-rebuilt; emitter-appended) ---
"""Pipeline reference for scband-target-reward-41815801593965 (READ-ONLY COPY).

The authoritative reference and input builder live on the scoring server;
editing this copy changes nothing except your own understanding.
"""

import jax, jax.numpy as jnp
import numpy as np

RESTYPES = 'ACDEFGHIKLMNPQRSTVWY'
TARGET_CHARS = ['A', 'L']
VOCAB_SIZE = len(RESTYPES) + 1


def _build_reward_mask():
    mask = np.zeros(VOCAB_SIZE, dtype=np.float32)
    for ch in TARGET_CHARS:
        if ch in RESTYPES:
            mask[RESTYPES.index(ch)] = 1.0
    return jnp.asarray(mask)


def setup_inputs(seed: int = 0) -> dict:
    key = jax.random.key(seed)
    seq_samples = jax.random.randint(key, (8, 16384, 200), 0, 21, dtype=jnp.int32)
    reward_mask = _build_reward_mask()
    return {"seq_samples": seq_samples, "reward_mask": reward_mask}


def reference(seq_samples, reward_mask):
    # hits = self.reward_mask[seq_samples.long()]  -> gather from 21-entry table
    hits = jnp.take(reward_mask, seq_samples, axis=0)
    # return hits.mean(dim=-1)
    return jnp.mean(hits, axis=-1)

if __name__ == "__main__":
    import jax
    _d = setup_inputs()
    print(jax.jit(kernel)(*tuple(_d.values())))

</pallas_src>

<mosaic_0001>
#map = affine_map<(d0, d1) -> (0)>
module attributes {stable_mosaic.version = 14 : i64} {
  func.func @_sc_body(%arg0: i32, %arg1: i32, %arg2: memref<11264xf32, #tpu.memory_space<hbm>>, %arg3: memref<26214400xi32, #tpu.memory_space<hbm>>, %arg4: memref<69632xf32, #tpu.memory_space<hbm>>, %arg5: memref<11264xf32, #tpu.memory_space<vmem>>, %arg6: memref<17408xi32, #tpu.memory_space<vmem>>, %arg7: memref<17408xi32, #tpu.memory_space<vmem>>, %arg8: memref<2176xf32, #tpu.memory_space<vmem>>, %arg9: memref<!tpu.dma_semaphore, #tpu.memory_space<semaphore_mem>>, %arg10: memref<!tpu.dma_semaphore, #tpu.memory_space<semaphore_mem>>) attributes {dimension_semantics = [#tpu.dimension_semantics<core_parallel>, #tpu.dimension_semantics<subcore_parallel>], iteration_bounds = array<i64: 2, 16>, scalar_prefetch = 0 : i64, scratch_operands = 6 : i64, tpu.core_type = #tpu.core_type<sc_vector_subcore>, window_params = [{transform_indices = #map}, {transform_indices = #map}, {transform_indices = #map}]} {
    %mul3A = arith.constant 2 : i32
    %mul3A_0 = arith.muli %arg1, %mul3A : i32
    %add3A = arith.addi %mul3A_0, %arg0 : i32
    %jit3A = arith.constant 4 : i32
    %div3A = arith.divsi %add3A, %jit3A : i32
    %sign3A = arith.constant 0 : i32
    %sign3A_1 = arith.cmpi sgt, %add3A, %sign3A : i32
    %sign3A_2 = arith.extui %sign3A_1 : i1 to i32
    %sign3A_3 = arith.constant 0 : i32
    %sign3A_4 = arith.cmpi slt, %add3A, %sign3A_3 : i32
    %sign3A_5 = arith.extui %sign3A_4 : i1 to i32
    %sign3A_6 = arith.subi %sign3A_2, %sign3A_5 : i32
    %sign3A_7 = arith.constant 0 : i32
    %sign3A_8 = arith.cmpi sgt, %jit3A, %sign3A_7 : i32
    %sign3A_9 = arith.extui %sign3A_8 : i1 to i32
    %sign3A_10 = arith.constant 0 : i32
    %sign3A_11 = arith.cmpi slt, %jit3A, %sign3A_10 : i32
    %sign3A_12 = arith.extui %sign3A_11 : i1 to i32
    %sign3A_13 = arith.subi %sign3A_9, %sign3A_12 : i32
    %ne3A = arith.cmpi ne, %sign3A_6, %sign3A_13 : i32
    %rem3A = arith.remsi %add3A, %jit3A : i32
    %ne3A_14 = arith.constant 0 : i32
    %ne3A_15 = arith.cmpi ne, %rem3A, %ne3A_14 : i32
    %and3A = arith.andi %ne3A, %ne3A_15 : i1
    %sub3A = arith.constant 1 : i32
    %sub3A_16 = arith.subi %div3A, %sub3A : i32
    %select_n3A = arith.select %and3A, %sub3A_16, %div3A : i32
    %jit3A_17 = arith.constant 4 : i32
    %eq3A = arith.constant 0 : i32
    %eq3A_18 = arith.cmpi eq, %jit3A_17, %eq3A : i32
    %jit3A_19 = arith.constant 1 : i32
    %select_n3A_20 = arith.select %eq3A_18, %jit3A_19, %jit3A_17 : i32
    %rem3A_21 = arith.remsi %add3A, %select_n3A_20 : i32
    %ne3A_22 = arith.constant 0 : i32
    %ne3A_23 = arith.cmpi ne, %rem3A_21, %ne3A_22 : i32
    %lt3A = arith.constant 0 : i32
    %lt3A_24 = arith.cmpi slt, %rem3A_21, %lt3A : i32
    %lt3A_25 = arith.constant 0 : i32
    %lt3A_26 = arith.cmpi slt, %select_n3A_20, %lt3A_25 : i32
    %ne3A_27 = arith.xori %lt3A_24, %lt3A_26 : i1
    %and3A_28 = arith.andi %ne3A_27, %ne3A_23 : i1
    %add3A_29 = arith.addi %rem3A_21, %select_n3A_20 : i32
    %select_n3A_30 = arith.select %and3A_28, %add3A_29, %rem3A_21 : i32
    %mul3A_31 = arith.constant 17 : i32
    %mul3A_32 = arith.muli %select_n3A_30, %mul3A_31 : i32
    "tpu.region"() ({
      %run_scoped3A = tpu.sem_alloc : memref<!tpu.dma_semaphore, #tpu.memory_space<semaphore_mem>>
      tpu.enqueue_dma source(%arg2 : memref<11264xf32, #tpu.memory_space<hbm>>) target(%arg5 : memref<11264xf32, #tpu.memory_space<vmem>>) target_semaphore(%run_scoped3A : memref<!tpu.dma_semaphore, #tpu.memory_space<semaphore_mem>>)
      tpu.wait_dma2 semaphore(%run_scoped3A : memref<!tpu.dma_semaphore, #tpu.memory_space<semaphore_mem>>) src(%arg2 : memref<11264xf32, #tpu.memory_space<hbm>>) dst(%arg5 : memref<11264xf32, #tpu.memory_space<vmem>>)
      tpu.yield
    }) : () -> ()
    %iota3A = tpu.iota {dimensions = array<i32: 0>} : vector<16xi32>
    %broadcast_in_dim3A = arith.constant 0.000000e+00 : f32
    %broadcast_in_dim3A_33 = vector.broadcast %broadcast_in_dim3A : f32 to vector<16xf32>
    %scan3A = arith.constant 0 : i32
    %scan3A_34 = arith.constant 0 : i32
    %scan3A_35 = arith.constant 136 : i32
    %scan3A_36 = arith.addi %scan3A_34, %scan3A_35 : i32
    %scan3A_37 = arith.constant 1 : i32
    scf.for %scan3A_84 = %scan3A_34 to %scan3A_36 step %scan3A_37  : i32 {
      %mul3A_85 = arith.constant 16 : i32
      %mul3A_86 = arith.muli %scan3A_84, %mul3A_85 : i32
      %multiple_of3A_87 = tpu.assume_multiple %mul3A_86, 8 : i32
      %swap3A = arith.index_cast %multiple_of3A_87 : i32 to index
      %swap3A_88 = tpu.vector_load %arg8[%swap3A] {strides = array<i32>} : memref<2176xf32, #tpu.memory_space<vmem>>, vector<16xf32>,
      tpu.vector_store %arg8[%swap3A], %broadcast_in_dim3A_33 {strides = array<i32>} : memref<2176xf32, #tpu.memory_space<vmem>>, vector<16xf32>,
    }
    %scan3A_38 = arith.constant 136 : i32
    %mul3A_39 = arith.constant 25 : i32
    %mul3A_40 = arith.muli %select_n3A, %mul3A_39 : i32
    %add3A_41 = arith.constant 0 : i32
    %add3A_42 = arith.addi %mul3A_40, %add3A_41 : i32
    %mul3A_43 = arith.constant 128 : i32
    %mul3A_44 = arith.muli %add3A_42, %mul3A_43 : i32
    %add3A_45 = arith.addi %mul3A_44, %mul3A_32 : i32
    %mul3A_46 = arith.constant 1024 : i32
    %mul3A_47 = arith.muli %add3A_45, %mul3A_46 : i32
    %multiple_of3A = tpu.assume_multiple %mul3A_47, 8 : i32
    %dma_start3A = tpu.memref_slice %arg3[%multiple_of3A] : memref<26214400xi32, #tpu.memory_space<hbm>> -> memref<17408xi32, #tpu.memory_space<hbm>>
    %dma_start3A_48 = tpu.memref_slice %arg3[%multiple_of3A] : memref<26214400xi32, #tpu.memory_space<hbm>> -> memref<17408xi32, #tpu.memory_space<hbm>>
    tpu.enqueue_dma source(%dma_start3A_48 : memref<17408xi32, #tpu.memory_space<hbm>>) target(%arg6 : memref<17408xi32, #tpu.memory_space<vmem>>) target_semaphore(%arg9 : memref<!tpu.dma_semaphore, #tpu.memory_space<semaphore_mem>>)
    %mul3A_49 = arith.constant 25 : i32
    %mul3A_50 = arith.muli %select_n3A, %mul3A_49 : i32
    %add3A_51 = arith.constant 1 : i32
    %add3A_52 = arith.addi %mul3A_50, %add3A_51 : i32
    %mul3A_53 = arith.constant 128 : i32
    %mul3A_54 = arith.muli %add3A_52, %mul3A_53 : i32
    %add3A_55 = arith.addi %mul3A_54, %mul3A_32 : i32
    %mul3A_56 = arith.constant 1024 : i32
    %mul3A_57 = arith.muli %add3A_55, %mul3A_56 : i32
    %multiple_of3A_58 = tpu.assume_multiple %mul3A_57, 8 : i32
    %dma_start3A_59 = tpu.memref_slice %arg3[%multiple_of3A_58] : memref<26214400xi32, #tpu.memory_space<hbm>> -> memref<17408xi32, #tpu.memory_space<hbm>>
    %dma_start3A_60 = tpu.memref_slice %arg3[%multiple_of3A_58] : memref<26214400xi32, #tpu.memory_space<hbm>> -> memref<17408xi32, #tpu.memory_space<hbm>>
    tpu.enqueue_dma source(%dma_start3A_60 : memref<17408xi32, #tpu.memory_space<hbm>>) target(%arg7 : memref<17408xi32, #tpu.memory_space<vmem>>) target_semaphore(%arg10 : memref<!tpu.dma_semaphore, #tpu.memory_space<semaphore_mem>>)
    %scan3A_61 = arith.constant 0 : i32
    %scan3A_62 = arith.constant 0 : i32
    %scan3A_63 = arith.constant 12 : i32
    %scan3A_64 = arith.addi %scan3A_62, %scan3A_63 : i32
    %scan3A_65 = arith.constant 1 : i32
    scf.for %scan3A_84 = %scan3A_62 to %scan3A_64 step %scan3A_65  : i32 {
      %mul3A_85 = arith.constant 2 : i32
      %mul3A_86 = arith.muli %scan3A_84, %mul3A_85 : i32
      %dma_wait3A_87 = arith.constant 0 : i32
      %dma_wait3A_88 = tpu.memref_slice %arg3[%dma_wait3A_87] : memref<26214400xi32, #tpu.memory_space<hbm>> -> memref<17408xi32, #tpu.memory_space<hbm>>
      %dma_wait3A_89 = arith.constant 0 : i32
      %dma_wait3A_90 = tpu.memref_slice %arg3[%dma_wait3A_89] : memref<26214400xi32, #tpu.memory_space<hbm>> -> memref<17408xi32, #tpu.memory_space<hbm>>
      tpu.wait_dma2 semaphore(%arg9 : memref<!tpu.dma_semaphore, #tpu.memory_space<semaphore_mem>>) src(%dma_wait3A_90 : memref<17408xi32, #tpu.memory_space<hbm>>) dst(%arg6 : memref<17408xi32, #tpu.memory_space<vmem>>)
      %scan3A_91 = arith.constant 0 : i32
      %scan3A_92 = arith.constant 0 : i32
      %scan3A_93 = arith.constant 17 : i32
      %scan3A_94 = arith.addi %scan3A_92, %scan3A_93 : i32
      %scan3A_95 = arith.constant 1 : i32
      scf.for %scan3A_115 = %scan3A_92 to %scan3A_94 step %scan3A_95  : i32 {
        %mul3A_116 = arith.constant 1024 : i32
        %mul3A_117 = arith.muli %scan3A_115, %mul3A_116 : i32
        %mul3A_118 = arith.constant 128 : i32
        %mul3A_119 = arith.muli %scan3A_115, %mul3A_118 : i32
        %add3A_120 = arith.constant 0 : i32
        %add3A_121 = arith.addi %mul3A_119, %add3A_120 : i32
        %multiple_of3A_122 = tpu.assume_multiple %add3A_121, 8 : i32
        %get3A = arith.index_cast %multiple_of3A_122 : i32 to index
        %get3A_123 = tpu.vector_load %arg8[%get3A] {strides = array<i32>} : memref<2176xf32, #tpu.memory_space<vmem>>, vector<16xf32>,
        %add3A_124 = arith.constant 0 : i32
        %add3A_125 = arith.addi %mul3A_117, %add3A_124 : i32
        %add3A_126 = arith.constant 0 : i32
        %add3A_127 = arith.addi %add3A_125, %add3A_126 : i32
        %multiple_of3A_128 = tpu.assume_multiple %add3A_127, 8 : i32
        %add3A_129 = arith.constant 128 : i32
        %add3A_130 = arith.addi %mul3A_117, %add3A_129 : i32
        %add3A_131 = arith.constant 0 : i32
        %add3A_132 = arith.addi %add3A_130, %add3A_131 : i32
        %multiple_of3A_133 = tpu.assume_multiple %add3A_132, 8 : i32
        %get3A_134 = arith.index_cast %multiple_of3A_128 : i32 to index
        %get3A_135 = tpu.vector_load %arg6[%get3A_134] {strides = array<i32>} : memref<17408xi32, #tpu.memory_space<vmem>>, vector<16xi32>,
        %get3A_136 = arith.index_cast %multiple_of3A_133 : i32 to index
        %get3A_137 = tpu.vector_load %arg6[%get3A_136] {strides = array<i32>} : memref<17408xi32, #tpu.memory_space<vmem>>, vector<16xi32>,
        %shift_left3A = arith.constant 5 : i32
        %shift_left3A_138 = vector.broadcast %shift_left3A : i32 to vector<16xi32>
        %shift_left3A_139 = arith.shli %get3A_135, %shift_left3A_138 : vector<16xi32>
        %add3A_140 = arith.addi %shift_left3A_139, %get3A_137 : vector<16xi32>
        %mul3A_141 = arith.constant 16 : i32
        %mul3A_142 = vector.broadcast %mul3A_141 : i32 to vector<16xi32>
        %mul3A_143 = arith.muli %add3A_140, %mul3A_142 : vector<16xi32>
        %add3A_144 = arith.addi %mul3A_143, %iota3A : vector<16xi32>
        %gather3A = tpu.vector_load_idx %arg5[%add3A_144] : memref<11264xf32, #tpu.memory_space<vmem>>[vector<16xi32>], vector<16xf32>,
        %add3A_145 = arith.addf %get3A_123, %gather3A : vector<16xf32>
        %add3A_146 = arith.constant 256 : i32
        %add3A_147 = arith.addi %mul3A_117, %add3A_146 : i32
        %add3A_148 = arith.constant 0 : i32
        %add3A_149 = arith.addi %add3A_147, %add3A_148 : i32
        %multiple_of3A_150 = tpu.assume_multiple %add3A_149, 8 : i32
        %add3A_151 = arith.constant 384 : i32
        %add3A_152 = arith.addi %mul3A_117, %add3A_151 : i32
        %add3A_153 = arith.constant 0 : i32
        %add3A_154 = arith.addi %add3A_152, %add3A_153 : i32
        %multiple_of3A_155 = tpu.assume_multiple %add3A_154, 8 : i32
        %get3A_156 = arith.index_cast %multiple_of3A_150 : i32 to index
        %get3A_157 = tpu.vector_load %arg6[%get3A_156] {strides = array<i32>} : memref<17408xi32, #tpu.memory_space<vmem>>, vector<16xi32>,
        %get3A_158 = arith.index_cast %multiple_of3A_155 : i32 to index
        %get3A_159 = tpu.vector_load %arg6[%get3A_158] {strides = array<i32>} : memref<17408xi32, #tpu.memory_space<vmem>>, vector<16xi32>,
        %shift_left3A_160 = arith.constant 5 : i32
        %shift_left3A_161 = vector.broadcast %shift_left3A_160 : i32 to vector<16xi32>
        %shift_left3A_162 = arith.shli %get3A_157, %shift_left3A_161 : vector<16xi32>
        %add3A_163 = arith.addi %shift_left3A_162, %get3A_159 : vector<16xi32>
        %mul3A_164 = arith.constant 16 : i32
        %mul3A_165 = vector.broadcast %mul3A_164 : i32 to vector<16xi32>
        %mul3A_166 = arith.muli %add3A_163, %mul3A_165 : vector<16xi32>
        %add3A_167 = arith.addi %mul3A_166, %iota3A : vector<16xi32>
        %gather3A_168 = tpu.vector_load_idx %arg5[%add3A_167] : memref<11264xf32, #tpu.memory_space<vmem>>[vector<16xi32>], vector<16xf32>,
        %add3A_169 = arith.addf %add3A_145, %gather3A_168 : vector<16xf32>
        %add3A_170 = arith.constant 512 : i32
        %add3A_171 = arith.addi %mul3A_117, %add3A_170 : i32
        %add3A_172 = arith.constant 0 : i32
        %add3A_173 = arith.addi %add3A_171, %add3A_172 : i32
        %multiple_of3A_174 = tpu.assume_multiple %add3A_173, 8 : i32
        %add3A_175 = arith.constant 640 : i32
        %add3A_176 = arith.addi %mul3A_117, %add3A_175 : i32
        %add3A_177 = arith.constant 0 : i32
        %add3A_178 = arith.addi %add3A_176, %add3A_177 : i32
        %multiple_of3A_179 = tpu.assume_multiple %add3A_178, 8 : i32
        %get3A_180 = arith.index_cast %multiple_of3A_174 : i32 to index
        %get3A_181 = tpu.vector_load %arg6[%get3A_180] {strides = array<i32>} : memref<17408xi32, #tpu.memory_space<vmem>>, vector<16xi32>,
        %get3A_182 = arith.index_cast %multiple_of3A_179 : i32 to index
        %get3A_183 = tpu.vector_load %arg6[%get3A_182] {strides = array<i32>} : memref<17408xi32, #tpu.memory_space<vmem>>, vector<16xi32>,
        %shift_left3A_184 = arith.constant 5 : i32
        %shift_left3A_185 = vector.broadcast %shift_left3A_184 : i32 to vector<16xi32>
        %shift_left3A_186 = arith.shli %get3A_181, %shift_left3A_185 : vector<16xi32>
        %add3A_187 = arith.addi %shift_left3A_186, %get3A_183 : vector<16xi32>
        %mul3A_188 = arith.constant 16 : i32
        %mul3A_189 = vector.broadcast %mul3A_188 : i32 to vector<16xi32>
        %mul3A_190 = arith.muli %add3A_187, %mul3A_189 : vector<16xi32>
        %add3A_191 = arith.addi %mul3A_190, %iota3A : vector<16xi32>
        %gather3A_192 = tpu.vector_load_idx %arg5[%add3A_191] : memref<11264xf32, #tpu.memory_space<vmem>>[vector<16xi32>], vector<16xf32>,
        %add3A_193 = arith.addf %add3A_169, %gather3A_192 : vector<16xf32>
        %add3A_194 = arith.constant 768 : i32
        %add3A_195 = arith.addi %mul3A_117, %add3A_194 : i32
        %add3A_196 = arith.constant 0 : i32
        %add3A_197 = arith.addi %add3A_195, %add3A_196 : i32
        %multiple_of3A_198 = tpu.assume_multiple %add3A_197, 8 : i32
        %add3A_199 = arith.constant 896 : i32
        %add3A_200 = arith.addi %mul3A_117, %add3A_199 : i32
        %add3A_201 = arith.constant 0 : i32
        %add3A_202 = arith.addi %add3A_200, %add3A_201 : i32
        %multiple_of3A_203 = tpu.assume_multiple %add3A_202, 8 : i32
        %get3A_204 = arith.index_cast %multiple_of3A_198 : i32 to index
        %get3A_205 = tpu.vector_load %arg6[%get3A_204] {strides = array<i32>} : memref<17408xi32, #tpu.memory_space<vmem>>, vector<16xi32>,
        %get3A_206 = arith.index_cast %multiple_of3A_203 : i32 to index
        %get3A_207 = tpu.vector_load %arg6[%get3A_206] {strides = array<i32>} : memref<17408xi32, #tpu.memory_space<vmem>>, vector<16xi32>,
        %shift_left3A_208 = arith.constant 5 : i32
        %shift_left3A_209 = vector.broadcast %shift_left3A_208 : i32 to vector<16xi32>
        %shift_left3A_210 = arith.shli %get3A_205, %shift_left3A_209 : vector<16xi32>
        %add3A_211 = arith.addi %shift_left3A_210, %get3A_207 : vector<16xi32>
        %mul3A_212 = arith.constant 16 : i32
        %mul3A_213 = vector.broadcast %mul3A_212 : i32 to vector<16xi32>
        %mul3A_214 = arith.muli %add3A_211, %mul3A_213 : vector<16xi32>
        %add3A_215 = arith.addi %mul3A_214, %iota3A : vector<16xi32>
        %gather3A_216 = tpu.vector_load_idx %arg5[%add3A_215] : memref<11264xf32, #tpu.memory_space<vmem>>[vector<16xi32>], vector<16xf32>,
        %add3A_217 = arith.addf %add3A_193, %gather3A_216 : vector<16xf32>
        %swap3A = arith.index_cast %multiple_of3A_122 : i32 to index
        %swap3A_218 = tpu.vector_load %arg8[%swap3A] {strides = array<i32>} : memref<2176xf32, #tpu.memory_space<vmem>>, vector<16xf32>,
        tpu.vector_store %arg8[%swap3A], %add3A_217 {strides = array<i32>} : memref<2176xf32, #tpu.memory_space<vmem>>, vector<16xf32>,
        %add3A_219 = arith.constant 16 : i32
        %add3A_220 = arith.addi %mul3A_119, %add3A_219 : i32
        %multiple_of3A_221 = tpu.assume_multiple %add3A_220, 8 : i32
        %get3A_222 = arith.index_cast %multiple_of3A_221 : i32 to index
        %get3A_223 = tpu.vector_load %arg8[%get3A_222] {strides = array<i32>} : memref<2176xf32, #tpu.memory_space<vmem>>, vector<16xf32>,
        %add3A_224 = arith.constant 0 : i32
        %add3A_225 = arith.addi %mul3A_117, %add3A_224 : i32
        %add3A_226 = arith.constant 16 : i32
        %add3A_227 = arith.addi %add3A_225, %add3A_226 : i32
        %multiple_of3A_228 = tpu.assume_multiple %add3A_227, 8 : i32
        %add3A_229 = arith.constant 128 : i32
        %add3A_230 = arith.addi %mul3A_117, %add3A_229 : i32
        %add3A_231 = arith.constant 16 : i32
        %add3A_232 = arith.addi %add3A_230, %add3A_231 : i32
        %multiple_of3A_233 = tpu.assume_multiple %add3A_232, 8 : i32
        %get3A_234 = arith.index_cast %multiple_of3A_228 : i32 to index
        %get3A_235 = tpu.vector_load %arg6[%get3A_234] {strides = array<i32>} : memref<17408xi32, #tpu.memory_space<vmem>>, vector<16xi32>,
        %get3A_236 = arith.index_cast %multiple_of3A_233 : i32 to index
        %get3A_237 = tpu.vector_load %arg6[%get3A_236] {strides = array<i32>} : memref<17408xi32, #tpu.memory_space<vmem>>, vector<16xi32>,
        %shift_left3A_238 = arith.constant 5 : i32
        %shift_left3A_239 = vector.broadcast %shift_left3A_238 : i32 to vector<16xi32>
        %shift_left3A_240 = arith.shli %get3A_235, %shift_left3A_239 : vector<16xi32>
        %add3A_241 = arith.addi %shift_left3A_240, %get3A_237 : vector<16xi32>
        %mul3A_242 = arith.constant 16 : i32
        %mul3A_243 = vector.broadcast %mul3A_242 : i32 to vector<16xi32>
        %mul3A_244 = arith.muli %add3A_241, %mul3A_243 : vector<16xi32>
        %add3A_245 = arith.addi %mul3A_244, %iota3A : vector<16xi32>
        %gather3A_246 = tpu.vector_load_idx %arg5[%add3A_245] : memref<11264xf32, #tpu.memory_space<vmem>>[vector<16xi32>], vector<16xf32>,
        %add3A_247 = arith.addf %get3A_223, %gather3A_246 : vector<16xf32>
        %add3A_248 = arith.constant 256 : i32
        %add3A_249 = arith.addi %mul3A_117, %add3A_248 : i32
        %add3A_250 = arith.constant 16 : i32
        %add3A_251 = arith.addi %add3A_249, %add3A_250 : i32
        %multiple_of3A_252 = tpu.assume_multiple %add3A_251, 8 : i32
        %add3A_253 = arith.constant 384 : i32
        %add3A_254 = arith.addi %mul3A_117, %add3A_253 : i32
        %add3A_255 = arith.constant 16 : i32
        %add3A_256 = arith.addi %add3A_254, %add3A_255 : i32
        %multiple_of3A_257 = tpu.assume_multiple %add3A_256, 8 : i32
        %get3A_258 = arith.index_cast %multiple_of3A_252 : i32 to index
        %get3A_259 = tpu.vector_load %arg6[%get3A_258] {strides = array<i32>} : memref<17408xi32, #tpu.memory_space<vmem>>, vector<16xi32>,
        %get3A_260 = arith.index_cast %multiple_of3A_257 : i32 to index
        %get3A_261 = tpu.vector_load %arg6[%get3A_260] {strides = array<i32>} : memref<17408xi32, #tpu.memory_space<vmem>>, vector<16xi32>,
        %shift_left3A_262 = arith.constant 5 : i32
        %shift_left3A_263 = vector.broadcast %shift_left3A_262 : i32 to vector<16xi32>
        %shift_left3A_264 = arith.shli %get3A_259, %shift_left3A_263 : vector<16xi32>
        %add3A_265 = arith.addi %shift_left3A_264, %get3A_261 : vector<16xi32>
        %mul3A_266 = arith.constant 16 : i32
        %mul3A_267 = vector.broadcast %mul3A_266 : i32 to vector<16xi32>
        %mul3A_268 = arith.muli %add3A_265, %mul3A_267 : vector<16xi32>
        %add3A_269 = arith.addi %mul3A_268, %iota3A : vector<16xi32>
        %gather3A_270 = tpu.vector_load_idx %arg5[%add3A_269] : memref<11264xf32, #tpu.memory_space<vmem>>[vector<16xi32>], vector<16xf32>,
        %add3A_271 = arith.addf %add3A_247, %gather3A_270 : vector<16xf32>
        %add3A_272 = arith.constant 512 : i32
        %add3A_273 = arith.addi %mul3A_117, %add3A_272 : i32
        %add3A_274 = arith.constant 16 : i32
        %add3A_275 = arith.addi %add3A_273, %add3A_274 : i32
        %multiple_of3A_276 = tpu.assume_multiple %add3A_275, 8 : i32
        %add3A_277 = arith.constant 640 : i32
        %add3A_278 = arith.addi %mul3A_117, %add3A_277 : i32
        %add3A_279 = arith.constant 16 : i32
        %add3A_280 = arith.addi %add3A_278, %add3A_279 : i32
        %multiple_of3A_281 = tpu.assume_multiple %add3A_280, 8 : i32
        %get3A_282 = arith.index_cast %multiple_of3A_276 : i32 to index
        %get3A_283 = tpu.vector_load %arg6[%get3A_282] {strides = array<i32>} : memref<17408xi32, #tpu.memory_space<vmem>>, vector<16xi32>,
        %get3A_284 = arith.index_cast %multiple_of3A_281 : i32 to index
        %get3A_285 = tpu.vector_load %arg6[%get3A_284] {strides = array<i32>} : memref<17408xi32, #tpu.memory_space<vmem>>, vector<16xi32>,
        %shift_left3A_286 = arith.constant 5 : i32
        %shift_left3A_287 = vector.broadcast %shift_left3A_286 : i32 to vector<16xi32>
        %shift_left3A_288 = arith.shli %get3A_283, %shift_left3A_287 : vector<16xi32>
        %add3A_289 = arith.addi %shift_left3A_288, %get3A_285 : vector<16xi32>
        %mul3A_290 = arith.constant 16 : i32
        %mul3A_291 = vector.broadcast %mul3A_290 : i32 to vector<16xi32>
        %mul3A_292 = arith.muli %add3A_289, %mul3A_291 : vector<16xi32>
        %add3A_293 = arith.addi %mul3A_292, %iota3A : vector<16xi32>
        %gather3A_294 = tpu.vector_load_idx %arg5[%add3A_293] : memref<11264xf32, #tpu.memory_space<vmem>>[vector<16xi32>], vector<16xf32>,
        %add3A_295 = arith.addf %add3A_271, %gather3A_294 : vector<16xf32>
        %add3A_296 = arith.constant 768 : i32
        %add3A_297 = arith.addi %mul3A_117, %add3A_296 : i32
        %add3A_298 = arith.constant 16 : i32
        %add3A_299 = arith.addi %add3A_297, %add3A_298 : i32
        %multiple_of3A_300 = tpu.assume_multiple %add3A_299, 8 : i32
        %add3A_301 = arith.constant 896 : i32
        %add3A_302 = arith.addi %mul3A_117, %add3A_301 : i32
        %add3A_303 = arith.constant 16 : i32
        %add3A_304 = arith.addi %add3A_302, %add3A_303 : i32
        %multiple_of3A_305 = tpu.assume_multiple %add3A_304, 8 : i32
        %get3A_306 = arith.index_cast %multiple_of3A_300 : i32 to index
        %get3A_307 = tpu.vector_load %arg6[%get3A_306] {strides = array<i32>} : memref<17408xi32, #tpu.memory_space<vmem>>, vector<16xi32>,
        %get3A_308 = arith.index_cast %multiple_of3A_305 : i32 to index
        %get3A_309 = tpu.vector_load %arg6[%get3A_308] {strides = array<i32>} : memref<17408xi32, #tpu.memory_space<vmem>>, vector<16xi32>,
        %shift_left3A_310 = arith.constant 5 : i32
        %shift_left3A_311 = vector.broadcast %shift_left3A_310 : i32 to vector<16xi32>
        %shift_left3A_312 = arith.shli %get3A_307, %shift_left3A_311 : vector<16xi32>
        %add3A_313 = arith.addi %shift_left3A_312, %get3A_309 : vector<16xi32>
        %mul3A_314 = arith.constant 16 : i32
        %mul3A_315 = vector.broadcast %mul3A_314 : i32 to vector<16xi32>
        %mul3A_316 = arith.muli %add3A_313, %mul3A_315 : vector<16xi32>
        %add3A_317 = arith.addi %mul3A_316, %iota3A : vector<16xi32>
        %gather3A_318 = tpu.vector_load_idx %arg5[%add3A_317] : memref<11264xf32, #tpu.memory_space<vmem>>[vector<16xi32>], vector<16xf32>,
        %add3A_319 = arith.addf %add3A_295, %gather3A_318 : vector<16xf32>
        %swap3A_320 = arith.index_cast %multiple_of3A_221 : i32 to index
        %swap3A_321 = tpu.vector_load %arg8[%swap3A_320] {strides = array<i32>} : memref<2176xf32, #tpu.memory_space<vmem>>, vector<16xf32>,
        tpu.vector_store %arg8[%swap3A_320], %add3A_319 {strides = array<i32>} : memref<2176xf32, #tpu.memory_space<vmem>>, vector<16xf32>,
        %add3A_322 = arith.constant 32 : i32
        %add3A_323 = arith.addi %mul3A_119, %add3A_322 : i32
        %multiple_of3A_324 = tpu.assume_multiple %add3A_323, 8 : i32
        %get3A_325 = arith.index_cast %multiple_of3A_324 : i32 to index
        %get3A_326 = tpu.vector_load %arg8[%get3A_325] {strides = array<i32>} : memref<2176xf32, #tpu.memory_space<vmem>>, vector<16xf32>,
        %add3A_327 = arith.constant 0 : i32
        %add3A_328 = arith.addi %mul3A_117, %add3A_327 : i32
        %add3A_329 = arith.constant 32 : i32
        %add3A_330 = arith.addi %add3A_328, %add3A_329 : i32
        %multiple_of3A_331 = tpu.assume_multiple %add3A_330, 8 : i32
        %add3A_332 = arith.constant 128 : i32
        %add3A_333 = arith.addi %mul3A_117, %add3A_332 : i32
        %add3A_334 = arith.constant 32 : i32
        %add3A_335 = arith.addi %add3A_333, %add3A_334 : i32
        %multiple_of3A_336 = tpu.assume_multiple %add3A_335, 8 : i32
        %get3A_337 = arith.index_cast %multiple_of3A_331 : i32 to index
        %get3A_338 = tpu.vector_load %arg6[%get3A_337] {strides = array<i32>} : memref<17408xi32, #tpu.memory_space<vmem>>, vector<16xi32>,
        %get3A_339 = arith.index_cast %multiple_of3A_336 : i32 to index
        %get3A_340 = tpu.vector_load %arg6[%get3A_339] {strides = array<i32>} : memref<17408xi32, #tpu.memory_space<vmem>>, vector<16xi32>,
        %shift_left3A_341 = arith.constant 5 : i32
        %shift_left3A_342 = vector.broadcast %shift_left3A_341 : i32 to vector<16xi32>
        %shift_left3A_343 = arith.shli %get3A_338, %shift_left3A_342 : vector<16xi32>
        %add3A_344 = arith.addi %shift_left3A_343, %get3A_340 : vector<16xi32>
        %mul3A_345 = arith.constant 16 : i32
        %mul3A_346 = vector.broadcast %mul3A_345 : i32 to vector<16xi32>
        %mul3A_347 = arith.muli %add3A_344, %mul3A_346 : vector<16xi32>
        %add3A_348 = arith.addi %mul3A_347, %iota3A : vector<16xi32>
        %gather3A_349 = tpu.vector_load_idx %arg5[%add3A_348] : memref<11264xf32, #tpu.memory_space<vmem>>[vector<16xi32>], vector<16xf32>,
        %add3A_350 = arith.addf %get3A_326, %gather3A_349 : vector<16xf32>
        %add3A_351 = arith.constant 256 : i32
        %add3A_352 = arith.addi %mul3A_117, %add3A_351 : i32
        %add3A_353 = arith.constant 32 : i32
        %add3A_354 = arith.addi %add3A_352, %add3A_353 : i32
        %multiple_of3A_355 = tpu.assume_multiple %add3A_354, 8 : i32
        %add3A_356 = arith.constant 384 : i32
        %add3A_357 = arith.addi %mul3A_117, %add3A_356 : i32
        %add3A_358 = arith.constant 32 : i32
        %add3A_359 = arith.addi %add3A_357, %add3A_358 : i32
        %multiple_of3A_360 = tpu.assume_multiple %add3A_359, 8 : i32
        %get3A_361 = arith.index_cast %multiple_of3A_355 : i32 to index
        %get3A_362 = tpu.vector_load %arg6[%get3A_361] {strides = array<i32>} : memref<17408xi32, #tpu.memory_space<vmem>>, vector<16xi32>,
        %get3A_363 = arith.index_cast %multiple_of3A_360 : i32 to index
        %get3A_364 = tpu.vector_load %arg6[%get3A_363] {strides = array<i32>} : memref<17408xi32, #tpu.memory_space<vmem>>, vector<16xi32>,
        %shift_left3A_365 = arith.constant 5 : i32
        %shift_left3A_366 = vector.broadcast %shift_left3A_365 : i32 to vector<16xi32>
        %shift_left3A_367 = arith.shli %get3A_362, %shift_left3A_366 : vector<16xi32>
        %add3A_368 = arith.addi %shift_left3A_367, %get3A_364 : vector<16xi32>
        %mul3A_369 = arith.constant 16 : i32
        %mul3A_370 = vector.broadcast %mul3A_369 : i32 to vector<16xi32>
        %mul3A_371 = arith.muli %add3A_368, %mul3A_370 : vector<16xi32>
        %add3A_372 = arith.addi %mul3A_371, %iota3A : vector<16xi32>
        %gather3A_373 = tpu.vector_load_idx %arg5[%add3A_372] : memref<11264xf32, #tpu.memory_space<vmem>>[vector<16xi32>], vector<16xf32>,
        %add3A_374 = arith.addf %add3A_350, %gather3A_373 : vector<16xf32>
        %add3A_375 = arith.constant 512 : i32
        %add3A_376 = arith.addi %mul3A_117, %add3A_375 : i32
        %add3A_377 = arith.constant 32 : i32
        %add3A_378 = arith.addi %add3A_376, %add3A_377 : i32
        %multiple_of3A_379 = tpu.assume_multiple %add3A_378, 8 : i32
        %add3A_380 = arith.constant 640 : i32
        %add3A_381 = arith.addi %mul3A_117, %add3A_380 : i32
        %add3A_382 = arith.constant 32 : i32
        %add3A_383 = arith.addi %add3A_381, %add3A_382 : i32
        %multiple_of3A_384 = tpu.assume_multiple %add3A_383, 8 : i32
        %get3A_385 = arith.index_cast %multiple_of3A_379 : i32 to index
        %get3A_386 = tpu.vector_load %arg6[%get3A_385] {strides = array<i32>} : memref<17408xi32, #tpu.memory_space<vmem>>, vector<16xi32>,
        %get3A_387 = arith.index_cast %multiple_of3A_384 : i32 to index
        %get3A_388 = tpu.vector_load %arg6[%get3A_387] {strides = array<i32>} : memref<17408xi32, #tpu.memory_space<vmem>>, vector<16xi32>,
        %shift_left3A_389 = arith.constant 5 : i32
        %shift_left3A_390 = vector.broadcast %shift_left3A_389 : i32 to vector<16xi32>
        %shift_left3A_391 = arith.shli %get3A_386, %shift_left3A_390 : vector<16xi32>
        %add3A_392 = arith.addi %shift_left3A_391, %get3A_388 : vector<16xi32>
        %mul3A_393 = arith.constant 16 : i32
        %mul3A_394 = vector.broadcast %mul3A_393 : i32 to vector<16xi32>
        %mul3A_395 = arith.muli %add3A_392, %mul3A_394 : vector<16xi32>
        %add3A_396 = arith.addi %mul3A_395, %iota3A : vector<16xi32>
        %gather3A_397 = tpu.vector_load_idx %arg5[%add3A_396] : memref<11264xf32, #tpu.memory_space<vmem>>[vector<16xi32>], vector<16xf32>,
        %add3A_398 = arith.addf %add3A_374, %gather3A_397 : vector<16xf32>
        %add3A_399 = arith.constant 768 : i32
        %add3A_400 = arith.addi %mul3A_117, %add3A_399 : i32
        %add3A_401 = arith.constant 32 : i32
        %add3A_402 = arith.addi %add3A_400, %add3A_401 : i32
        %multiple_of3A_403 = tpu.assume_multiple %add3A_402, 8 : i32
        %add3A_404 = arith.constant 896 : i32
        %add3A_405 = arith.addi %mul3A_117, %add3A_404 : i32
        %add3A_406 = arith.constant 32 : i32
        %add3A_407 = arith.addi %add3A_405, %add3A_406 : i32
        %multiple_of3A_408 = tpu.assume_multiple %add3A_407, 8 : i32
        %get3A_409 = arith.index_cast %multiple_of3A_403 : i32 to index
        %get3A_410 = tpu.vector_load %arg6[%get3A_409] {strides = array<i32>} : memref<17408xi32, #tpu.memory_space<vmem>>, vector<16xi32>,
        %get3A_411 = arith.index_cast %multiple_of3A_408 : i32 to index
        %get3A_412 = tpu.vector_load %arg6[%get3A_411] {strides = array<i32>} : memref<17408xi32, #tpu.memory_space<vmem>>, vector<16xi32>,
        %shift_left3A_413 = arith.constant 5 : i32
        %shift_left3A_414 = vector.broadcast %shift_left3A_413 : i32 to vector<16xi32>
        %shift_left3A_415 = arith.shli %get3A_410, %shift_left3A_414 : vector<16xi32>
        %add3A_416 = arith.addi %shift_left3A_415, %get3A_412 : vector<16xi32>
        %mul3A_417 = arith.constant 16 : i32
        %mul3A_418 = vector.broadcast %mul3A_417 : i32 to vector<16xi32>
        %mul3A_419 = arith.muli %add3A_416, %mul3A_418 : vector<16xi32>
        %add3A_420 = arith.addi %mul3A_419, %iota3A : vector<16xi32>
        %gather3A_421 = tpu.vector_load_idx %arg5[%add3A_420] : memref<11264xf32, #tpu.memory_space<vmem>>[vector<16xi32>], vector<16xf32>,
        %add3A_422 = arith.addf %add3A_398, %gather3A_421 : vector<16xf32>
        %swap3A_423 = arith.index_cast %multiple_of3A_324 : i32 to index
        %swap3A_424 = tpu.vector_load %arg8[%swap3A_423] {strides = array<i32>} : memref<2176xf32, #tpu.memory_space<vmem>>, vector<16xf32>,
        tpu.vector_store %arg8[%swap3A_423], %add3A_422 {strides = array<i32>} : memref<2176xf32, #tpu.memory_space<vmem>>, vector<16xf32>,
        %add3A_425 = arith.constant 48 : i32
        %add3A_426 = arith.addi %mul3A_119, %add3A_425 : i32
        %multiple_of3A_427 = tpu.assume_multiple %add3A_426, 8 : i32
        %get3A_428 = arith.index_cast %multiple_of3A_427 : i32 to index
        %get3A_429 = tpu.vector_load %arg8[%get3A_428] {strides = array<i32>} : memref<2176xf32, #tpu.memory_space<vmem>>, vector<16xf32>,
        %add3A_430 = arith.constant 0 : i32
        %add3A_431 = arith.addi %mul3A_117, %add3A_430 : i32
        %add3A_432 = arith.constant 48 : i32
        %add3A_433 = arith.addi %add3A_431, %add3A_432 : i32
        %multiple_of3A_434 = tpu.assume_multiple %add3A_433, 8 : i32
        %add3A_435 = arith.constant 128 : i32
        %add3A_436 = arith.addi %mul3A_117, %add3A_435 : i32
        %add3A_437 = arith.constant 48 : i32
        %add3A_438 = arith.addi %add3A_436, %add3A_437 : i32
        %multiple_of3A_439 = tpu.assume_multiple %add3A_438, 8 : i32
        %get3A_440 = arith.index_cast %multiple_of3A_434 : i32 to index
        %get3A_441 = tpu.vector_load %arg6[%get3A_440] {strides = array<i32>} : memref<17408xi32, #tpu.memory_space<vmem>>, vector<16xi32>,
        %get3A_442 = arith.index_cast %multiple_of3A_439 : i32 to index
        %get3A_443 = tpu.vector_load %arg6[%get3A_442] {strides = array<i32>} : memref<17408xi32, #tpu.memory_space<vmem>>, vector<16xi32>,
        %shift_left3A_444 = arith.constant 5 : i32
        %shift_left3A_445 = vector.broadcast %shift_left3A_444 : i32 to vector<16xi32>
        %shift_left3A_446 = arith.shli %get3A_441, %shift_left3A_445 : vector<16xi32>
        %add3A_447 = arith.addi %shift_left3A_446, %get3A_443 : vector<16xi32>
        %mul3A_448 = arith.constant 16 : i32
        %mul3A_449 = vector.broadcast %mul3A_448 : i32 to vector<16xi32>
        %mul3A_450 = arith.muli %add3A_447, %mul3A_449 : vector<16xi32>
        %add3A_451 = arith.addi %mul3A_450, %iota3A : vector<16xi32>
        %gather3A_452 = tpu.vector_load_idx %arg5[%add3A_451] : memref<11264xf32, #tpu.memory_space<vmem>>[vector<16xi32>], vector<16xf32>,
        %add3A_453 = arith.addf %get3A_429, %gather3A_452 : vector<16xf32>
        %add3A_454 = arith.constant 256 : i32
        %add3A_455 = arith.addi %mul3A_117, %add3A_454 : i32
        %add3A_456 = arith.constant 48 : i32
        %add3A_457 = arith.addi %add3A_455, %add3A_456 : i32
        %multiple_of3A_458 = tpu.assume_multiple %add3A_457, 8 : i32
        %add3A_459 = arith.constant 384 : i32
        %add3A_460 = arith.addi %mul3A_117, %add3A_459 : i32
        %add3A_461 = arith.constant 48 : i32
        %add3A_462 = arith.addi %add3A_460, %add3A_461 : i32
        %multiple_of3A_463 = tpu.assume_multiple %add3A_462, 8 : i32
        %get3A_464 = arith.index_cast %multiple_of3A_458 : i32 to index
        %get3A_465 = tpu.vector_load %arg6[%get3A_464] {strides = array<i32>} : memref<17408xi32, #tpu.memory_space<vmem>>, vector<16xi32>,
        %get3A_466 = arith.index_cast %multiple_of3A_463 : i32 to index
        %get3A_467 = tpu.vector_load %arg6[%get3A_466] {strides = array<i32>} : memref<17408xi32, #tpu.memory_space<vmem>>, vector<16xi32>,
        %shift_left3A_468 = arith.constant 5 : i32
        %shift_left3A_469 = vector.broadcast %shift_left3A_468 : i32 to vector<16xi32>
        %shift_left3A_470 = arith.shli %get3A_465, %shift_left3A_469 : vector<16xi32>
        %add3A_471 = arith.addi %shift_left3A_470, %get3A_467 : vector<16xi32>
        %mul3A_472 = arith.constant 16 : i32
        %mul3A_473 = vector.broadcast %mul3A_472 : i32 to vector<16xi32>
        %mul3A_474 = arith.muli %add3A_471, %mul3A_473 : vector<16xi32>
        %add3A_475 = arith.addi %mul3A_474, %iota3A : vector<16xi32>
        %gather3A_476 = tpu.vector_load_idx %arg5[%add3A_475] : memref<11264xf32, #tpu.memory_space<vmem>>[vector<16xi32>], vector<16xf32>,
        %add3A_477 = arith.addf %add3A_453, %gather3A_476 : vector<16xf32>
        %add3A_478 = arith.constant 512 : i32
        %add3A_479 = arith.addi %mul3A_117, %add3A_478 : i32
        %add3A_480 = arith.constant 48 : i32
        %add3A_481 = arith.addi %add3A_479, %add3A_480 : i32
        %multiple_of3A_482 = tpu.assume_multiple %add3A_481, 8 : i32
        %add3A_483 = arith.constant 640 : i32
        %add3A_484 = arith.addi %mul3A_117, %add3A_483 : i32
        %add3A_485 = arith.constant 48 : i32
        %add3A_486 = arith.addi %add3A_484, %add3A_485 : i32
        %multiple_of3A_487 = tpu.assume_multiple %add3A_486, 8 : i32
        %get3A_488 = arith.index_cast %multiple_of3A_482 : i32 to index
        %get3A_489 = tpu.vector_load %arg6[%get3A_488] {strides = array<i32>} : memref<17408xi32, #tpu.memory_space<vmem>>, vector<16xi32>,
        %get3A_490 = arith.index_cast %multiple_of3A_487 : i32 to index
        %get3A_491 = tpu.vector_load %arg6[%get3A_490] {strides = array<i32>} : memref<17408xi32, #tpu.memory_space<vmem>>, vector<16xi32>,
        %shift_left3A_492 = arith.constant 5 : i32
        %shift_left3A_493 = vector.broadcast %shift_left3A_492 : i32 to vector<16xi32>
        %shift_left3A_494 = arith.shli %get3A_489, %shift_left3A_493 : vector<16xi32>
        %add3A_495 = arith.addi %shift_left3A_494, %get3A_491 : vector<16xi32>
        %mul3A_496 = arith.constant 16 : i32
        %mul3A_497 = vector.broadcast %mul3A_496 : i32 to vector<16xi32>
        %mul3A_498 = arith.muli %add3A_495, %mul3A_497 : vector<16xi32>
        %add3A_499 = arith.addi %mul3A_498, %iota3A : vector<16xi32>
        %gather3A_500 = tpu.vector_load_idx %arg5[%add3A_499] : memref<11264xf32, #tpu.memory_space<vmem>>[vector<16xi32>], vector<16xf32>,
        %add3A_501 = arith.addf %add3A_477, %gather3A_500 : vector<16xf32>
        %add3A_502 = arith.constant 768 : i32
        %add3A_503 = arith.addi %mul3A_117, %add3A_502 : i32
        %add3A_504 = arith.constant 48 : i32
        %add3A_505 = arith.addi %add3A_503, %add3A_504 : i32
        %multiple_of3A_506 = tpu.assume_multiple %add3A_505, 8 : i32
        %add3A_507 = arith.constant 896 : i32
        %add3A_508 = arith.addi %mul3A_117, %add3A_507 : i32
        %add3A_509 = arith.constant 48 : i32
        %add3A_510 = arith.addi %add3A_508, %add3A_509 : i32
        %multiple_of3A_511 = tpu.assume_multiple %add3A_510, 8 : i32
        %get3A_512 = arith.index_cast %multiple_of3A_506 : i32 to index
        %get3A_513 = tpu.vector_load %arg6[%get3A_512] {strides = array<i32>} : memref<17408xi32, #tpu.memory_space<vmem>>, vector<16xi32>,
        %get3A_514 = arith.index_cast %multiple_of3A_511 : i32 to index
        %get3A_515 = tpu.vector_load %arg6[%get3A_514] {strides = array<i32>} : memref<17408xi32, #tpu.memory_space<vmem>>, vector<16xi32>,
        %shift_left3A_516 = arith.constant 5 : i32
        %shift_left3A_517 = vector.broadcast %shift_left3A_516 : i32 to vector<16xi32>
        %shift_left3A_518 = arith.shli %get3A_513, %shift_left3A_517 : vector<16xi32>
        %add3A_519 = arith.addi %shift_left3A_518, %get3A_515 : vector<16xi32>
        %mul3A_520 = arith.constant 16 : i32
        %mul3A_521 = vector.broadcast %mul3A_520 : i32 to vector<16xi32>
        %mul3A_522 = arith.muli %add3A_519, %mul3A_521 : vector<16xi32>
        %add3A_523 = arith.addi %mul3A_522, %iota3A : vector<16xi32>
        %gather3A_524 = tpu.vector_load_idx %arg5[%add3A_523] : memref<11264xf32, #tpu.memory_space<vmem>>[vector<16xi32>], vector<16xf32>,
        %add3A_525 = arith.addf %add3A_501, %gather3A_524 : vector<16xf32>
        %swap3A_526 = arith.index_cast %multiple_of3A_427 : i32 to index
        %swap3A_527 = tpu.vector_load %arg8[%swap3A_526] {strides = array<i32>} : memref<2176xf32, #tpu.memory_space<vmem>>, vector<16xf32>,
        tpu.vector_store %arg8[%swap3A_526], %add3A_525 {strides = array<i32>} : memref<2176xf32, #tpu.memory_space<vmem>>, vector<16xf32>,
        %add3A_528 = arith.constant 64 : i32
        %add3A_529 = arith.addi %mul3A_119, %add3A_528 : i32
        %multiple_of3A_530 = tpu.assume_multiple %add3A_529, 8 : i32
        %get3A_531 = arith.index_cast %multiple_of3A_530 : i32 to index
        %get3A_532 = tpu.vector_load %arg8[%get3A_531] {strides = array<i32>} : memref<2176xf32, #tpu.memory_space<vmem>>, vector<16xf32>,
        %add3A_533 = arith.constant 0 : i32
        %add3A_534 = arith.addi %mul3A_117, %add3A_533 : i32
        %add3A_535 = arith.constant 64 : i32
        %add3A_536 = arith.addi %add3A_534, %add3A_535 : i32
        %multiple_of3A_537 = tpu.assume_multiple %add3A_536, 8 : i32
        %add3A_538 = arith.constant 128 : i32
        %add3A_539 = arith.addi %mul3A_117, %add3A_538 : i32
        %add3A_540 = arith.constant 64 : i32
        %add3A_541 = arith.addi %add3A_539, %add3A_540 : i32
        %multiple_of3A_542 = tpu.assume_multiple %add3A_541, 8 : i32
        %get3A_543 = arith.index_cast %multiple_of3A_537 : i32 to index
        %get3A_544 = tpu.vector_load %arg6[%get3A_543] {strides = array<i32>} : memref<17408xi32, #tpu.memory_space<vmem>>, vector<16xi32>,
        %get3A_545 = arith.index_cast %multiple_of3A_542 : i32 to index
        %get3A_546 = tpu.vector_load %arg6[%get3A_545] {strides = array<i32>} : memref<17408xi32, #tpu.memory_space<vmem>>, vector<16xi32>,
        %shift_left3A_547 = arith.constant 5 : i32
        %shift_left3A_548 = vector.broadcast %shift_left3A_547 : i32 to vector<16xi32>
        %shift_left3A_549 = arith.shli %get3A_544, %shift_left3A_548 : vector<16xi32>
        %add3A_550 = arith.addi %shift_left3A_549, %get3A_546 : vector<16xi32>
        %mul3A_551 = arith.constant 16 : i32
        %mul3A_552 = vector.broadcast %mul3A_551 : i32 to vector<16xi32>
        %mul3A_553 = arith.muli %add3A_550, %mul3A_552 : vector<16xi32>
        %add3A_554 = arith.addi %mul3A_553, %iota3A : vector<16xi32>
        %gather3A_555 = tpu.vector_load_idx %arg5[%add3A_554] : memref<11264xf32, #tpu.memory_space<vmem>>[vector<16xi32>], vector<16xf32>,
        %add3A_556 = arith.addf %get3A_532, %gather3A_555 : vector<16xf32>
        %add3A_557 = arith.constant 256 : i32
        %add3A_558 = arith.addi %mul3A_117, %add3A_557 : i32
        %add3A_559 = arith.constant 64 : i32
        %add3A_560 = arith.addi %add3A_558, %add3A_559 : i32
        %multiple_of3A_561 = tpu.assume_multiple %add3A_560, 8 : i32
        %add3A_562 = arith.constant 384 : i32
        %add3A_563 = arith.addi %mul3A_117, %add3A_562 : i32
        %add3A_564 = arith.constant 64 : i32
        %add3A_565 = arith.addi %add3A_563, %add3A_564 : i32
        %multiple_of3A_566 = tpu.assume_multiple %add3A_565, 8 : i32
        %get3A_567 = arith.index_cast %multiple_of3A_561 : i32 to index
        %get3A_568 = tpu.vector_load %arg6[%get3A_567] {strides = array<i32>} : memref<17408xi32, #tpu.memory_space<vmem>>, vector<16xi32>,
        %get3A_569 = arith.index_cast %multiple_of3A_566 : i32 to index
        %get3A_570 = tpu.vector_load %arg6[%get3A_569] {strides = array<i32>} : memref<17408xi32, #tpu.memory_space<vmem>>, vector<16xi32>,
        %shift_left3A_571 = arith.constant 5 : i32
        %shift_left3A_572 = vector.broadcast %shift_left3A_571 : i32 to vector<16xi32>
        %shift_left3A_573 = arith.shli %get3A_568, %shift_left3A_572 : vector<16xi32>
        %add3A_574 = arith.addi %shift_left3A_573, %get3A_570 : vector<16xi32>
        %mul3A_575 = arith.constant 16 : i32
        %mul3A_576 = vector.broadcast %mul3A_575 : i32 to vector<16xi32>
        %mul3A_577 = arith.muli %add3A_574, %mul3A_576 : vector<16xi32>
        %add3A_578 = arith.addi %mul3A_577, %iota3A : vector<16xi32>
        %gather3A_579 = tpu.vector_load_idx %arg5[%add3A_578] : memref<11264xf32, #tpu.memory_space<vmem>>[vector<16xi32>], vector<16xf32>,
        %add3A_580 = arith.addf %add3A_556, %gather3A_579 : vector<16xf32>
        %add3A_581 = arith.constant 512 : i32
        %add3A_582 = arith.addi %mul3A_117, %add3A_581 : i32
        %add3A_583 = arith.constant 64 : i32
        %add3A_584 = arith.addi %add3A_582, %add3A_583 : i32
        %multiple_of3A_585 = tpu.assume_multiple %add3A_584, 8 : i32
        %add3A_586 = arith.constant 640 : i32
        %add3A_587 = arith.addi %mul3A_117, %add3A_586 : i32
        %add3A_588 = arith.constant 64 : i32
        %add3A_589 = arith.addi %add3A_587, %add3A_588 : i32
        %multiple_of3A_590 = tpu.assume_multiple %add3A_589, 8 : i32
        %get3A_591 = arith.index_cast %multiple_of3A_585 : i32 to index
        %get3A_592 = tpu.vector_load %arg6[%get3A_591] {strides = array<i32>} : memref<17408xi32, #tpu.memory_space<vmem>>, vector<16xi32>,
        %get3A_593 = arith.index_cast %multiple_of3A_590 : i32 to index
        %get3A_594 = tpu.vector_load %arg6[%get3A_593] {strides = array<i32>} : memref<17408xi32, #tpu.memory_space<vmem>>, vector<16xi32>,
        %shift_left3A_595 = arith.constant 5 : i32
        %shift_left3A_596 = vector.broadcast %shift_left3A_595 : i32 to vector<16xi32>
        %shift_left3A_597 = arith.shli %get3A_592, %shift_left3A_596 : vector<16xi32>
        %add3A_598 = arith.addi %shift_left3A_597, %get3A_594 : vector<16xi32>
        %mul3A_599 = arith.constant 16 : i32
        %mul3A_600 = vector.broadcast %mul3A_599 : i32 to vector<16xi32>
        %mul3A_601 = arith.muli %add3A_598, %mul3A_600 : vector<16xi32>
        %add3A_602 = arith.addi %mul3A_601, %iota3A : vector<16xi32>
        %gather3A_603 = tpu.vector_load_idx %arg5[%add3A_602] : memref<11264xf32, #tpu.memory_space<vmem>>[vector<16xi32>], vector<16xf32>,
        %add3A_604 = arith.addf %add3A_580, %gather3A_603 : vector<16xf32>
        %add3A_605 = arith.constant 768 : i32
        %add3A_606 = arith.addi %mul3A_117, %add3A_605 : i32
        %add3A_607 = arith.constant 64 : i32
        %add3A_608 = arith.addi %add3A_606, %add3A_607 : i32
        %multiple_of3A_609 = tpu.assume_multiple %add3A_608, 8 : i32
        %add3A_610 = arith.constant 896 : i32
        %add3A_611 = arith.addi %mul3A_117, %add3A_610 : i32
        %add3A_612 = arith.constant 64 : i32
        %add3A_613 = arith.addi %add3A_611, %add3A_612 : i32
        %multiple_of3A_614 = tpu.assume_multiple %add3A_613, 8 : i32
        %get3A_615 = arith.index_cast %multiple_of3A_609 : i32 to index
        %get3A_616 = tpu.vector_load %arg6[%get3A_615] {strides = array<i32>} : memref<17408xi32, #tpu.memory_space<vmem>>, vector<16xi32>,
        %get3A_617 = arith.index_cast %multiple_of3A_614 : i32 to index
        %get3A_618 = tpu.vector_load %arg6[%get3A_617] {strides = array<i32>} : memref<17408xi32, #tpu.memory_space<vmem>>, vector<16xi32>,
        %shift_left3A_619 = arith.constant 5 : i32
        %shift_left3A_620 = vector.broadcast %shift_left3A_619 : i32 to vector<16xi32>
        %shift_left3A_621 = arith.shli %get3A_616, %shift_left3A_620 : vector<16xi32>
        %add3A_622 = arith.addi %shift_left3A_621, %get3A_618 : vector<16xi32>
        %mul3A_623 = arith.constant 16 : i32
        %mul3A_624 = vector.broadcast %mul3A_623 : i32 to vector<16xi32>
        %mul3A_625 = arith.muli %add3A_622, %mul3A_624 : vector<16xi32>
        %add3A_626 = arith.addi %mul3A_625, %iota3A : vector<16xi32>
        %gather3A_627 = tpu.vector_load_idx %arg5[%add3A_626] : memref<11264xf32, #tpu.memory_space<vmem>>[vector<16xi32>], vector<16xf32>,
        %add3A_628 = arith.addf %add3A_604, %gather3A_627 : vector<16xf32>
        %swap3A_629 = arith.index_cast %multiple_of3A_530 : i32 to index
        %swap3A_630 = tpu.vector_load %arg8[%swap3A_629] {strides = array<i32>} : memref<2176xf32, #tpu.memory_space<vmem>>, vector<16xf32>,
        tpu.vector_store %arg8[%swap3A_629], %add3A_628 {strides = array<i32>} : memref<2176xf32, #tpu.memory_space<vmem>>, vector<16xf32>,
        %add3A_631 = arith.constant 80 : i32
        %add3A_632 = arith.addi %mul3A_119, %add3A_631 : i32
        %multiple_of3A_633 = tpu.assume_multiple %add3A_632, 8 : i32
        %get3A_634 = arith.index_cast %multiple_of3A_633 : i32 to index
        %get3A_635 = tpu.vector_load %arg8[%get3A_634] {strides = array<i32>} : memref<2176xf32, #tpu.memory_space<vmem>>, vector<16xf32>,
        %add3A_636 = arith.constant 0 : i32
        %add3A_637 = arith.addi %mul3A_117, %add3A_636 : i32
        %add3A_638 = arith.constant 80 : i32
        %add3A_639 = arith.addi %add3A_637, %add3A_638 : i32
        %multiple_of3A_640 = tpu.assume_multiple %add3A_639, 8 : i32
        %add3A_641 = arith.constant 128 : i32
        %add3A_642 = arith.addi %mul3A_117, %add3A_641 : i32
        %add3A_643 = arith.constant 80 : i32
        %add3A_644 = arith.addi %add3A_642, %add3A_643 : i32
        %multiple_of3A_645 = tpu.assume_multiple %add3A_644, 8 : i32
        %get3A_646 = arith.index_cast %multiple_of3A_640 : i32 to index
        %get3A_647 = tpu.vector_load %arg6[%get3A_646] {strides = array<i32>} : memref<17408xi32, #tpu.memory_space<vmem>>, vector<16xi32>,
        %get3A_648 = arith.index_cast %multiple_of3A_645 : i32 to index
        %get3A_649 = tpu.vector_load %arg6[%get3A_648] {strides = array<i32>} : memref<17408xi32, #tpu.memory_space<vmem>>, vector<16xi32>,
        %shift_left3A_650 = arith.constant 5 : i32
        %shift_left3A_651 = vector.broadcast %shift_left3A_650 : i32 to vector<16xi32>
        %shift_left3A_652 = arith.shli %get3A_647, %shift_left3A_651 : vector<16xi32>
        %add3A_653 = arith.addi %shift_left3A_652, %get3A_649 : vector<16xi32>
        %mul3A_654 = arith.constant 16 : i32
        %mul3A_655 = vector.broadcast %mul3A_654 : i32 to vector<16xi32>
        %mul3A_656 = arith.muli %add3A_653, %mul3A_655 : vector<16xi32>
        %add3A_657 = arith.addi %mul3A_656, %iota3A : vector<16xi32>
        %gather3A_658 = tpu.vector_load_idx %arg5[%add3A_657] : memref<11264xf32, #tpu.memory_space<vmem>>[vector<16xi32>], vector<16xf32>,
        %add3A_659 = arith.addf %get3A_635, %gather3A_658 : vector<16xf32>
        %add3A_660 = arith.constant 256 : i32
        %add3A_661 = arith.addi %mul3A_117, %add3A_660 : i32
        %add3A_662 = arith.constant 80 : i32
        %add3A_663 = arith.addi %add3A_661, %add3A_662 : i32
        %multiple_of3A_664 = tpu.assume_multiple %add3A_663, 8 : i32
        %add3A_665 = arith.constant 384 : i32
        %add3A_666 = arith.addi %mul3A_117, %add3A_665 : i32
        %add3A_667 = arith.constant 80 : i32
        %add3A_668 = arith.addi %add3A_666, %add3A_667 : i32
        %multiple_of3A_669 = tpu.assume_multiple %add3A_668, 8 : i32
        %get3A_670 = arith.index_cast %multiple_of3A_664 : i32 to index
        %get3A_671 = tpu.vector_load %arg6[%get3A_670] {strides = array<i32>} : memref<17408xi32, #tpu.memory_space<vmem>>, vector<16xi32>,
        %get3A_672 = arith.index_cast %multiple_of3A_669 : i32 to index
        %get3A_673 = tpu.vector_load %arg6[%get3A_672] {strides = array<i32>} : memref<17408xi32, #tpu.memory_space<vmem>>, vector<16xi32>,
        %shift_left3A_674 = arith.constant 5 : i32
        %shift_left3A_675 = vector.broadcast %shift_left3A_674 : i32 to vector<16xi32>
        %shift_left3A_676 = arith.shli %get3A_671, %shift_left3A_675 : vector<16xi32>
        %add3A_677 = arith.addi %shift_left3A_676, %get3A_673 : vector<16xi32>
        %mul3A_678 = arith.constant 16 : i32
        %mul3A_679 = vector.broadcast %mul3A_678 : i32 to vector<16xi32>
        %mul3A_680 = arith.muli %add3A_677, %mul3A_679 : vector<16xi32>
        %add3A_681 = arith.addi %mul3A_680, %iota3A : vector<16xi32>
        %gather3A_682 = tpu.vector_load_idx %arg5[%add3A_681] : memref<11264xf32, #tpu.memory_space<vmem>>[vector<16xi32>], vector<16xf32>,
        %add3A_683 = arith.addf %add3A_659, %gather3A_682 : vector<16xf32>
        %add3A_684 = arith.constant 512 : i32
        %add3A_685 = arith.addi %mul3A_117, %add3A_684 : i32
        %add3A_686 = arith.constant 80 : i32
        %add3A_687 = arith.addi %add3A_685, %add3A_686 : i32
        %multiple_of3A_688 = tpu.assume_multiple %add3A_687, 8 : i32
        %add3A_689 = arith.constant 640 : i32
        %add3A_690 = arith.addi %mul3A_117, %add3A_689 : i32
        %add3A_691 = arith.constant 80 : i32
        %add3A_692 = arith.addi %add3A_690, %add3A_691 : i32
        %multiple_of3A_693 = tpu.assume_multiple %add3A_692, 8 : i32
        %get3A_694 = arith.index_cast %multiple_of3A_688 : i32 to index
        %get3A_695 = tpu.vector_load %arg6[%get3A_694] {strides = array<i32>} : memref<17408xi32, #tpu.memory_space<vmem>>, vector<16xi32>,
        %get3A_696 = arith.index_cast %multiple_of3A_693 : i32 to index
        %get3A_697 = tpu.vector_load %arg6[%get3A_696] {strides = array<i32>} : memref<17408xi32, #tpu.memory_space<vmem>>, vector<16xi32>,
        %shift_left3A_698 = arith.constant 5 : i32
        %shift_left3A_699 = vector.broadcast %shift_left3A_698 : i32 to vector<16xi32>
        %shift_left3A_700 = arith.shli %get3A_695, %shift_left3A_699 : vector<16xi32>
        %add3A_701 = arith.addi %shift_left3A_700, %get3A_697 : vector<16xi32>
        %mul3A_702 = arith.constant 16 : i32
        %mul3A_703 = vector.broadcast %mul3A_702 : i32 to vector<16xi32>
        %mul3A_704 = arith.muli %add3A_701, %mul3A_703 : vector<16xi32>
        %add3A_705 = arith.addi %mul3A_704, %iota3A : vector<16xi32>
        %gather3A_706 = tpu.vector_load_idx %arg5[%add3A_705] : memref<11264xf32, #tpu.memory_space<vmem>>[vector<16xi32>], vector<16xf32>,
        %add3A_707 = arith.addf %add3A_683, %gather3A_706 : vector<16xf32>
        %add3A_708 = arith.constant 768 : i32
        %add3A_709 = arith.addi %mul3A_117, %add3A_708 : i32
        %add3A_710 = arith.constant 80 : i32
        %add3A_711 = arith.addi %add3A_709, %add3A_710 : i32
        %multiple_of3A_712 = tpu.assume_multiple %add3A_711, 8 : i32
        %add3A_713 = arith.constant 896 : i32
        %add3A_714 = arith.addi %mul3A_117, %add3A_713 : i32
        %add3A_715 = arith.constant 80 : i32
        %add3A_716 = arith.addi %add3A_714, %add3A_715 : i32
        %multiple_of3A_717 = tpu.assume_multiple %add3A_716, 8 : i32
        %get3A_718 = arith.index_cast %multiple_of3A_712 : i32 to index
        %get3A_719 = tpu.vector_load %arg6[%get3A_718] {strides = array<i32>} : memref<17408xi32, #tpu.memory_space<vmem>>, vector<16xi32>,
        %get3A_720 = arith.index_cast %multiple_of3A_717 : i32 to index
        %get3A_721 = tpu.vector_load %arg6[%get3A_720] {strides = array<i32>} : memref<17408xi32, #tpu.memory_space<vmem>>, vector<16xi32>,
        %shift_left3A_722 = arith.constant 5 : i32
        %shift_left3A_723 = vector.broadcast %shift_left3A_722 : i32 to vector<16xi32>
        %shift_left3A_724 = arith.shli %get3A_719, %shift_left3A_723 : vector<16xi32>
        %add3A_725 = arith.addi %shift_left3A_724, %get3A_721 : vector<16xi32>
        %mul3A_726 = arith.constant 16 : i32
        %mul3A_727 = vector.broadcast %mul3A_726 : i32 to vector<16xi32>
        %mul3A_728 = arith.muli %add3A_725, %mul3A_727 : vector<16xi32>
        %add3A_729 = arith.addi %mul3A_728, %iota3A : vector<16xi32>
        %gather3A_730 = tpu.vector_load_idx %arg5[%add3A_729] : memref<11264xf32, #tpu.memory_space<vmem>>[vector<16xi32>], vector<16xf32>,
        %add3A_731 = arith.addf %add3A_707, %gather3A_730 : vector<16xf32>
        %swap3A_732 = arith.index_cast %multiple_of3A_633 : i32 to index
        %swap3A_733 = tpu.vector_load %arg8[%swap3A_732] {strides = array<i32>} : memref<2176xf32, #tpu.memory_space<vmem>>, vector<16xf32>,
        tpu.vector_store %arg8[%swap3A_732], %add3A_731 {strides = array<i32>} : memref<2176xf32, #tpu.memory_space<vmem>>, vector<16xf32>,
        %add3A_734 = arith.constant 96 : i32
        %add3A_735 = arith.addi %mul3A_119, %add3A_734 : i32
        %multiple_of3A_736 = tpu.assume_multiple %add3A_735, 8 : i32
        %get3A_737 = arith.index_cast %multiple_of3A_736 : i32 to index
        %get3A_738 = tpu.vector_load %arg8[%get3A_737] {strides = array<i32>} : memref<2176xf32, #tpu.memory_space<vmem>>, vector<16xf32>,
        %add3A_739 = arith.constant 0 : i32
        %add3A_740 = arith.addi %mul3A_117, %add3A_739 : i32
        %add3A_741 = arith.constant 96 : i32
        %add3A_742 = arith.addi %add3A_740, %add3A_741 : i32
        %multiple_of3A_743 = tpu.assume_multiple %add3A_742, 8 : i32
        %add3A_744 = arith.constant 128 : i32
        %add3A_745 = arith.addi %mul3A_117, %add3A_744 : i32
        %add3A_746 = arith.constant 96 : i32
        %add3A_747 = arith.addi %add3A_745, %add3A_746 : i32
        %multiple_of3A_748 = tpu.assume_multiple %add3A_747, 8 : i32
        %get3A_749 = arith.index_cast %multiple_of3A_743 : i32 to index
        %get3A_750 = tpu.vector_load %arg6[%get3A_749] {strides = array<i32>} : memref<17408xi32, #tpu.memory_space<vmem>>, vector<16xi32>,
        %get3A_751 = arith.index_cast %multiple_of3A_748 : i32 to index
        %get3A_752 = tpu.vector_load %arg6[%get3A_751] {strides = array<i32>} : memref<17408xi32, #tpu.memory_space<vmem>>, vector<16xi32>,
        %shift_left3A_753 = arith.constant 5 : i32
        %shift_left3A_754 = vector.broadcast %shift_left3A_753 : i32 to vector<16xi32>
        %shift_left3A_755 = arith.shli %get3A_750, %shift_left3A_754 : vector<16xi32>
        %add3A_756 = arith.addi %shift_left3A_755, %get3A_752 : vector<16xi32>
        %mul3A_757 = arith.constant 16 : i32
        %mul3A_758 = vector.broadcast %mul3A_757 : i32 to vector<16xi32>
        %mul3A_759 = arith.muli %add3A_756, %mul3A_758 : vector<16xi32>
        %add3A_760 = arith.addi %mul3A_759, %iota3A : vector<16xi32>
        %gather3A_761 = tpu.vector_load_idx %arg5[%add3A_760] : memref<11264xf32, #tpu.memory_space<vmem>>[vector<16xi32>], vector<16xf32>,
        %add3A_762 = arith.addf %get3A_738, %gather3A_761 : vector<16xf32>
        %add3A_763 = arith.constant 256 : i32
        %add3A_764 = arith.addi %mul3A_117, %add3A_763 : i32
        %add3A_765 = arith.constant 96 : i32
        %add3A_766 = arith.addi %add3A_764, %add3A_765 : i32
        %multiple_of3A_767 = tpu.assume_multiple %add3A_766, 8 : i32
        %add3A_768 = arith.constant 384 : i32
        %add3A_769 = arith.addi %mul3A_117, %add3A_768 : i32
        %add3A_770 = arith.constant 96 : i32
        %add3A_771 = arith.addi %add3A_769, %add3A_770 : i32
        %multiple_of3A_772 = tpu.assume_multiple %add3A_771, 8 : i32
        %get3A_773 = arith.index_cast %multiple_of3A_767 : i32 to index
        %get3A_774 = tpu.vector_load %arg6[%get3A_773] {strides = array<i32>} : memref<17408xi32, #tpu.memory_space<vmem>>, vector<16xi32>,
        %get3A_775 = arith.index_cast %multiple_of3A_772 : i32 to index
        %get3A_776 = tpu.vector_load %arg6[%get3A_775] {strides = array<i32>} : memref<17408xi32, #tpu.memory_space<vmem>>, vector<16xi32>,
        %shift_left3A_777 = arith.constant 5 : i32
        %shift_left3A_778 = vector.broadcast %shift_left3A_777 : i32 to vector<16xi32>
        %shift_left3A_779 = arith.shli %get3A_774, %shift_left3A_778 : vector<16xi32>
        %add3A_780 = arith.addi %shift_left3A_779, %get3A_776 : vector<16xi32>
        %mul3A_781 = arith.constant 16 : i32
        %mul3A_782 = vector.broadcast %mul3A_781 : i32 to vector<16xi32>
        %mul3A_783 = arith.muli %add3A_780, %mul3A_782 : vector<16xi32>
        %add3A_784 = arith.addi %mul3A_783, %iota3A : vector<16xi32>
        %gather3A_785 = tpu.vector_load_idx %arg5[%add3A_784] : memref<11264xf32, #tpu.memory_space<vmem>>[vector<16xi32>], vector<16xf32>,
        %add3A_786 = arith.addf %add3A_762, %gather3A_785 : vector<16xf32>
        %add3A_787 = arith.constant 512 : i32
        %add3A_788 = arith.addi %mul3A_117, %add3A_787 : i32
        %add3A_789 = arith.constant 96 : i32
        %add3A_790 = arith.addi %add3A_788, %add3A_789 : i32
        %multiple_of3A_791 = tpu.assume_multiple %add3A_790, 8 : i32
        %add3A_792 = arith.constant 640 : i32
        %add3A_793 = arith.addi %mul3A_117, %add3A_792 : i32
        %add3A_794 = arith.constant 96 : i32
        %add3A_795 = arith.addi %add3A_793, %add3A_794 : i32
        %multiple_of3A_796 = tpu.assume_multiple %add3A_795, 8 : i32
        %get3A_797 = arith.index_cast %multiple_of3A_791 : i32 to index
        %get3A_798 = tpu.vector_load %arg6[%get3A_797] {strides = array<i32>} : memref<17408xi32, #tpu.memory_space<vmem>>, vector<16xi32>,
        %get3A_799 = arith.index_cast %multiple_of3A_796 : i32 to index
        %get3A_800 = tpu.vector_load %arg6[%get3A_799] {strides = array<i32>} : memref<17408xi32, #tpu.memory_space<vmem>>, vector<16xi32>,
        %shift_left3A_801 = arith.constant 5 : i32
        %shift_left3A_802 = vector.broadcast %shift_left3A_801 : i32 to vector<16xi32>
        %shift_left3A_803 = arith.shli %get3A_798, %shift_left3A_802 : vector<16xi32>
        %add3A_804 = arith.addi %shift_left3A_803, %get3A_800 : vector<16xi32>
        %mul3A_805 = arith.constant 16 : i32
        %mul3A_806 = vector.broadcast %mul3A_805 : i32 to vector<16xi32>
        %mul3A_807 = arith.muli %add3A_804, %mul3A_806 : vector<16xi32>
        %add3A_808 = arith.addi %mul3A_807, %iota3A : vector<16xi32>
        %gather3A_809 = tpu.vector_load_idx %arg5[%add3A_808] : memref<11264xf32, #tpu.memory_space<vmem>>[vector<16xi32>], vector<16xf32>,
        %add3A_810 = arith.addf %add3A_786, %gather3A_809 : vector<16xf32>
        %add3A_811 = arith.constant 768 : i32
        %add3A_812 = arith.addi %mul3A_117, %add3A_811 : i32
        %add3A_813 = arith.constant 96 : i32
        %add3A_814 = arith.addi %add3A_812, %add3A_813 : i32
        %multiple_of3A_815 = tpu.assume_multiple %add3A_814, 8 : i32
        %add3A_816 = arith.constant 896 : i32
        %add3A_817 = arith.addi %mul3A_117, %add3A_816 : i32
        %add3A_818 = arith.constant 96 : i32
        %add3A_819 = arith.addi %add3A_817, %add3A_818 : i32
        %multiple_of3A_820 = tpu.assume_multiple %add3A_819, 8 : i32
        %get3A_821 = arith.index_cast %multiple_of3A_815 : i32 to index
        %get3A_822 = tpu.vector_load %arg6[%get3A_821] {strides = array<i32>} : memref<17408xi32, #tpu.memory_space<vmem>>, vector<16xi32>,
        %get3A_823 = arith.index_cast %multiple_of3A_820 : i32 to index
        %get3A_824 = tpu.vector_load %arg6[%get3A_823] {strides = array<i32>} : memref<17408xi32, #tpu.memory_space<vmem>>, vector<16xi32>,
        %shift_left3A_825 = arith.constant 5 : i32
        %shift_left3A_826 = vector.broadcast %shift_left3A_825 : i32 to vector<16xi32>
        %shift_left3A_827 = arith.shli %get3A_822, %shift_left3A_826 : vector<16xi32>
        %add3A_828 = arith.addi %shift_left3A_827, %get3A_824 : vector<16xi32>
        %mul3A_829 = arith.constant 16 : i32
        %mul3A_830 = vector.broadcast %mul3A_829 : i32 to vector<16xi32>
        %mul3A_831 = arith.muli %add3A_828, %mul3A_830 : vector<16xi32>
        %add3A_832 = arith.addi %mul3A_831, %iota3A : vector<16xi32>
        %gather3A_833 = tpu.vector_load_idx %arg5[%add3A_832] : memref<11264xf32, #tpu.memory_space<vmem>>[vector<16xi32>], vector<16xf32>,
        %add3A_834 = arith.addf %add3A_810, %gather3A_833 : vector<16xf32>
        %swap3A_835 = arith.index_cast %multiple_of3A_736 : i32 to index
        %swap3A_836 = tpu.vector_load %arg8[%swap3A_835] {strides = array<i32>} : memref<2176xf32, #tpu.memory_space<vmem>>, vector<16xf32>,
        tpu.vector_store %arg8[%swap3A_835], %add3A_834 {strides = array<i32>} : memref<2176xf32, #tpu.memory_space<vmem>>, vector<16xf32>,
        %add3A_837 = arith.constant 112 : i32
        %add3A_838 = arith.addi %mul3A_119, %add3A_837 : i32
        %multiple_of3A_839 = tpu.assume_multiple %add3A_838, 8 : i32
        %get3A_840 = arith.index_cast %multiple_of3A_839 : i32 to index
        %get3A_841 = tpu.vector_load %arg8[%get3A_840] {strides = array<i32>} : memref<2176xf32, #tpu.memory_space<vmem>>, vector<16xf32>,
        %add3A_842 = arith.constant 0 : i32
        %add3A_843 = arith.addi %mul3A_117, %add3A_842 : i32
        %add3A_844 = arith.constant 112 : i32
        %add3A_845 = arith.addi %add3A_843, %add3A_844 : i32
        %multiple_of3A_846 = tpu.assume_multiple %add3A_845, 8 : i32
        %add3A_847 = arith.constant 128 : i32
        %add3A_848 = arith.addi %mul3A_117, %add3A_847 : i32
        %add3A_849 = arith.constant 112 : i32
        %add3A_850 = arith.addi %add3A_848, %add3A_849 : i32
        %multiple_of3A_851 = tpu.assume_multiple %add3A_850, 8 : i32
        %get3A_852 = arith.index_cast %multiple_of3A_846 : i32 to index
        %get3A_853 = tpu.vector_load %arg6[%get3A_852] {strides = array<i32>} : memref<17408xi32, #tpu.memory_space<vmem>>, vector<16xi32>,
        %get3A_854 = arith.index_cast %multiple_of3A_851 : i32 to index
        %get3A_855 = tpu.vector_load %arg6[%get3A_854] {strides = array<i32>} : memref<17408xi32, #tpu.memory_space<vmem>>, vector<16xi32>,
        %shift_left3A_856 = arith.constant 5 : i32
        %shift_left3A_857 = vector.broadcast %shift_left3A_856 : i32 to vector<16xi32>
        %shift_left3A_858 = arith.shli %get3A_853, %shift_left3A_857 : vector<16xi32>
        %add3A_859 = arith.addi %shift_left3A_858, %get3A_855 : vector<16xi32>
        %mul3A_860 = arith.constant 16 : i32
        %mul3A_861 = vector.broadcast %mul3A_860 : i32 to vector<16xi32>
        %mul3A_862 = arith.muli %add3A_859, %mul3A_861 : vector<16xi32>
        %add3A_863 = arith.addi %mul3A_862, %iota3A : vector<16xi32>
        %gather3A_864 = tpu.vector_load_idx %arg5[%add3A_863] : memref<11264xf32, #tpu.memory_space<vmem>>[vector<16xi32>], vector<16xf32>,
        %add3A_865 = arith.addf %get3A_841, %gather3A_864 : vector<16xf32>
        %add3A_866 = arith.constant 256 : i32
        %add3A_867 = arith.addi %mul3A_117, %add3A_866 : i32
        %add3A_868 = arith.constant 112 : i32
        %add3A_869 = arith.addi %add3A_867, %add3A_868 : i32
        %multiple_of3A_870 = tpu.assume_multiple %add3A_869, 8 : i32
        %add3A_871 = arith.constant 384 : i32
        %add3A_872 = arith.addi %mul3A_117, %add3A_871 : i32
        %add3A_873 = arith.constant 112 : i32
        %add3A_874 = arith.addi %add3A_872, %add3A_873 : i32
        %multiple_of3A_875 = tpu.assume_multiple %add3A_874, 8 : i32
        %get3A_876 = arith.index_cast %multiple_of3A_870 : i32 to index
        %get3A_877 = tpu.vector_load %arg6[%get3A_876] {strides = array<i32>} : memref<17408xi32, #tpu.memory_space<vmem>>, vector<16xi32>,
        %get3A_878 = arith.index_cast %multiple_of3A_875 : i32 to index
        %get3A_879 = tpu.vector_load %arg6[%get3A_878] {strides = array<i32>} : memref<17408xi32, #tpu.memory_space<vmem>>, vector<16xi32>,
        %shift_left3A_880 = arith.constant 5 : i32
        %shift_left3A_881 = vector.broadcast %shift_left3A_880 : i32 to vector<16xi32>
        %shift_left3A_882 = arith.shli %get3A_877, %shift_left3A_881 : vector<16xi32>
        %add3A_883 = arith.addi %shift_left3A_882, %get3A_879 : vector<16xi32>
        %mul3A_884 = arith.constant 16 : i32
        %mul3A_885 = vector.broadcast %mul3A_884 : i32 to vector<16xi32>
        %mul3A_886 = arith.muli %add3A_883, %mul3A_885 : vector<16xi32>
        %add3A_887 = arith.addi %mul3A_886, %iota3A : vector<16xi32>
        %gather3A_888 = tpu.vector_load_idx %arg5[%add3A_887] : memref<11264xf32, #tpu.memory_space<vmem>>[vector<16xi32>], vector<16xf32>,
        %add3A_889 = arith.addf %add3A_865, %gather3A_888 : vector<16xf32>
        %add3A_890 = arith.constant 512 : i32
        %add3A_891 = arith.addi %mul3A_117, %add3A_890 : i32
        %add3A_892 = arith.constant 112 : i32
        %add3A_893 = arith.addi %add3A_891, %add3A_892 : i32
        %multiple_of3A_894 = tpu.assume_multiple %add3A_893, 8 : i32
        %add3A_895 = arith.constant 640 : i32
        %add3A_896 = arith.addi %mul3A_117, %add3A_895 : i32
        %add3A_897 = arith.constant 112 : i32
        %add3A_898 = arith.addi %add3A_896, %add3A_897 : i32
        %multiple_of3A_899 = tpu.assume_multiple %add3A_898, 8 : i32
        %get3A_900 = arith.index_cast %multiple_of3A_894 : i32 to index
        %get3A_901 = tpu.vector_load %arg6[%get3A_900] {strides = array<i32>} : memref<17408xi32, #tpu.memory_space<vmem>>, vector<16xi32>,
        %get3A_902 = arith.index_cast %multiple_of3A_899 : i32 to index
        %get3A_903 = tpu.vector_load %arg6[%get3A_902] {strides = array<i32>} : memref<17408xi32, #tpu.memory_space<vmem>>, vector<16xi32>,
        %shift_left3A_904 = arith.constant 5 : i32
        %shift_left3A_905 = vector.broadcast %shift_left3A_904 : i32 to vector<16xi32>
        %shift_left3A_906 = arith.shli %get3A_901, %shift_left3A_905 : vector<16xi32>
        %add3A_907 = arith.addi %shift_left3A_906, %get3A_903 : vector<16xi32>
        %mul3A_908 = arith.constant 16 : i32
        %mul3A_909 = vector.broadcast %mul3A_908 : i32 to vector<16xi32>
        %mul3A_910 = arith.muli %add3A_907, %mul3A_909 : vector<16xi32>
        %add3A_911 = arith.addi %mul3A_910, %iota3A : vector<16xi32>
        %gather3A_912 = tpu.vector_load_idx %arg5[%add3A_911] : memref<11264xf32, #tpu.memory_space<vmem>>[vector<16xi32>], vector<16xf32>,
        %add3A_913 = arith.addf %add3A_889, %gather3A_912 : vector<16xf32>
        %add3A_914 = arith.constant 768 : i32
        %add3A_915 = arith.addi %mul3A_117, %add3A_914 : i32
        %add3A_916 = arith.constant 112 : i32
        %add3A_917 = arith.addi %add3A_915, %add3A_916 : i32
        %multiple_of3A_918 = tpu.assume_multiple %add3A_917, 8 : i32
        %add3A_919 = arith.constant 896 : i32
        %add3A_920 = arith.addi %mul3A_117, %add3A_919 : i32
        %add3A_921 = arith.constant 112 : i32
        %add3A_922 = arith.addi %add3A_920, %add3A_921 : i32
        %multiple_of3A_923 = tpu.assume_multiple %add3A_922, 8 : i32
        %get3A_924 = arith.index_cast %multiple_of3A_918 : i32 to index
        %get3A_925 = tpu.vector_load %arg6[%get3A_924] {strides = array<i32>} : memref<17408xi32, #tpu.memory_space<vmem>>, vector<16xi32>,
        %get3A_926 = arith.index_cast %multiple_of3A_923 : i32 to index
        %get3A_927 = tpu.vector_load %arg6[%get3A_926] {strides = array<i32>} : memref<17408xi32, #tpu.memory_space<vmem>>, vector<16xi32>,
        %shift_left3A_928 = arith.constant 5 : i32
        %shift_left3A_929 = vector.broadcast %shift_left3A_928 : i32 to vector<16xi32>
        %shift_left3A_930 = arith.shli %get3A_925, %shift_left3A_929 : vector<16xi32>
        %add3A_931 = arith.addi %shift_left3A_930, %get3A_927 : vector<16xi32>
        %mul3A_932 = arith.constant 16 : i32
        %mul3A_933 = vector.broadcast %mul3A_932 : i32 to vector<16xi32>
        %mul3A_934 = arith.muli %add3A_931, %mul3A_933 : vector<16xi32>
        %add3A_935 = arith.addi %mul3A_934, %iota3A : vector<16xi32>
        %gather3A_936 = tpu.vector_load_idx %arg5[%add3A_935] : memref<11264xf32, #tpu.memory_space<vmem>>[vector<16xi32>], vector<16xf32>,
        %add3A_937 = arith.addf %add3A_913, %gather3A_936 : vector<16xf32>
        %swap3A_938 = arith.index_cast %multiple_of3A_839 : i32 to index
        %swap3A_939 = tpu.vector_load %arg8[%swap3A_938] {strides = array<i32>} : memref<2176xf32, #tpu.memory_space<vmem>>, vector<16xf32>,
        tpu.vector_store %arg8[%swap3A_938], %add3A_937 {strides = array<i32>} : memref<2176xf32, #tpu.memory_space<vmem>>, vector<16xf32>,
      }
      %scan3A_96 = arith.constant 17 : i32
      %lt3A_97 = arith.constant 12 : i32
      %lt3A_98 = arith.cmpi slt, %scan3A_84, %lt3A_97 : i32
      %convert_element_type3A = arith.extui %lt3A_98 : i1 to i32
      %cond3A = arith.constant 0 : i32
      %cond3A_99 = arith.cmpi ne, %convert_element_type3A, %cond3A : i32
      scf.if %cond3A_99 {
        %add3A_115 = arith.constant 2 : i32
        %add3A_116 = arith.addi %mul3A_86, %add3A_115 : i32
        %mul3A_117 = arith.constant 25 : i32
        %mul3A_118 = arith.muli %select_n3A, %mul3A_117 : i32
        %add3A_119 = arith.addi %mul3A_118, %add3A_116 : i32
        %mul3A_120 = arith.constant 128 : i32
        %mul3A_121 = arith.muli %add3A_119, %mul3A_120 : i32
        %add3A_122 = arith.addi %mul3A_121, %mul3A_32 : i32
        %mul3A_123 = arith.constant 1024 : i32
        %mul3A_124 = arith.muli %add3A_122, %mul3A_123 : i32
        %multiple_of3A_125 = tpu.assume_multiple %mul3A_124, 8 : i32
        %dma_start3A_126 = tpu.memref_slice %arg3[%multiple_of3A_125] : memref<26214400xi32, #tpu.memory_space<hbm>> -> memref<17408xi32, #tpu.memory_space<hbm>>
        %dma_start3A_127 = tpu.memref_slice %arg3[%multiple_of3A_125] : memref<26214400xi32, #tpu.memory_space<hbm>> -> memref<17408xi32, #tpu.memory_space<hbm>>
        tpu.enqueue_dma source(%dma_start3A_127 : memref<17408xi32, #tpu.memory_space<hbm>>) target(%arg6 : memref<17408xi32, #tpu.memory_space<vmem>>) target_semaphore(%arg9 : memref<!tpu.dma_semaphore, #tpu.memory_space<semaphore_mem>>)
      } else {
      }
      %dma_wait3A_100 = arith.constant 0 : i32
      %dma_wait3A_101 = tpu.memref_slice %arg3[%dma_wait3A_100] : memref<26214400xi32, #tpu.memory_space<hbm>> -> memref<17408xi32, #tpu.memory_space<hbm>>
      %dma_wait3A_102 = arith.constant 0 : i32
      %dma_wait3A_103 = tpu.memref_slice %arg3[%dma_wait3A_102] : memref<26214400xi32, #tpu.memory_space<hbm>> -> memref<17408xi32, #tpu.memory_space<hbm>>
      tpu.wait_dma2 semaphore(%arg10 : memref<!tpu.dma_semaphore, #tpu.memory_space<semaphore_mem>>) src(%dma_wait3A_103 : memref<17408xi32, #tpu.memory_space<hbm>>) dst(%arg7 : memref<17408xi32, #tpu.memory_space<vmem>>)
      %scan3A_104 = arith.constant 0 : i32
      %scan3A_105 = arith.constant 0 : i32
      %scan3A_106 = arith.constant 17 : i32
      %scan3A_107 = arith.addi %scan3A_105, %scan3A_106 : i32
      %scan3A_108 = arith.constant 1 : i32
      scf.for %scan3A_115 = %scan3A_105 to %scan3A_107 step %scan3A_108  : i32 {
        %mul3A_116 = arith.constant 1024 : i32
        %mul3A_117 = arith.muli %scan3A_115, %mul3A_116 : i32
        %mul3A_118 = arith.constant 128 : i32
        %mul3A_119 = arith.muli %scan3A_115, %mul3A_118 : i32
        %add3A_120 = arith.constant 0 : i32
        %add3A_121 = arith.addi %mul3A_119, %add3A_120 : i32
        %multiple_of3A_122 = tpu.assume_multiple %add3A_121, 8 : i32
        %get3A = arith.index_cast %multiple_of3A_122 : i32 to index
        %get3A_123 = tpu.vector_load %arg8[%get3A] {strides = array<i32>} : memref<2176xf32, #tpu.memory_space<vmem>>, vector<16xf32>,
        %add3A_124 = arith.constant 0 : i32
        %add3A_125 = arith.addi %mul3A_117, %add3A_124 : i32
        %add3A_126 = arith.constant 0 : i32
        %add3A_127 = arith.addi %add3A_125, %add3A_126 : i32
        %multiple_of3A_128 = tpu.assume_multiple %add3A_127, 8 : i32
        %add3A_129 = arith.constant 128 : i32
        %add3A_130 = arith.addi %mul3A_117, %add3A_129 : i32
        %add3A_131 = arith.constant 0 : i32
        %add3A_132 = arith.addi %add3A_130, %add3A_131 : i32
        %multiple_of3A_133 = tpu.assume_multiple %add3A_132, 8 : i32
        %get3A_134 = arith.index_cast %multiple_of3A_128 : i32 to index
        %get3A_135 = tpu.vector_load %arg7[%get3A_134] {strides = array<i32>} : memref<17408xi32, #tpu.memory_space<vmem>>, vector<16xi32>,
        %get3A_136 = arith.index_cast %multiple_of3A_133 : i32 to index
        %get3A_137 = tpu.vector_load %arg7[%get3A_136] {strides = array<i32>} : memref<17408xi32, #tpu.memory_space<vmem>>, vector<16xi32>,
        %shift_left3A = arith.constant 5 : i32
        %shift_left3A_138 = vector.broadcast %shift_left3A : i32 to vector<16xi32>
        %shift_left3A_139 = arith.shli %get3A_135, %shift_left3A_138 : vector<16xi32>
        %add3A_140 = arith.addi %shift_left3A_139, %get3A_137 : vector<16xi32>
        %mul3A_141 = arith.constant 16 : i32
        %mul3A_142 = vector.broadcast %mul3A_141 : i32 to vector<16xi32>
        %mul3A_143 = arith.muli %add3A_140, %mul3A_142 : vector<16xi32>
        %add3A_144 = arith.addi %mul3A_143, %iota3A : vector<16xi32>
        %gather3A = tpu.vector_load_idx %arg5[%add3A_144] : memref<11264xf32, #tpu.memory_space<vmem>>[vector<16xi32>], vector<16xf32>,
        %add3A_145 = arith.addf %get3A_123, %gather3A : vector<16xf32>
        %add3A_146 = arith.constant 256 : i32
        %add3A_147 = arith.addi %mul3A_117, %add3A_146 : i32
        %add3A_148 = arith.constant 0 : i32
        %add3A_149 = arith.addi %add3A_147, %add3A_148 : i32
        %multiple_of3A_150 = tpu.assume_multiple %add3A_149, 8 : i32
        %add3A_151 = arith.constant 384 : i32
        %add3A_152 = arith.addi %mul3A_117, %add3A_151 : i32
        %add3A_153 = arith.constant 0 : i32
        %add3A_154 = arith.addi %add3A_152, %add3A_153 : i32
        %multiple_of3A_155 = tpu.assume_multiple %add3A_154, 8 : i32
        %get3A_156 = arith.index_cast %multiple_of3A_150 : i32 to index
        %get3A_157 = tpu.vector_load %arg7[%get3A_156] {strides = array<i32>} : memref<17408xi32, #tpu.memory_space<vmem>>, vector<16xi32>,
        %get3A_158 = arith.index_cast %multiple_of3A_155 : i32 to index
        %get3A_159 = tpu.vector_load %arg7[%get3A_158] {strides = array<i32>} : memref<17408xi32, #tpu.memory_space<vmem>>, vector<16xi32>,
        %shift_left3A_160 = arith.constant 5 : i32
        %shift_left3A_161 = vector.broadcast %shift_left3A_160 : i32 to vector<16xi32>
        %shift_left3A_162 = arith.shli %get3A_157, %shift_left3A_161 : vector<16xi32>
        %add3A_163 = arith.addi %shift_left3A_162, %get3A_159 : vector<16xi32>
        %mul3A_164 = arith.constant 16 : i32
        %mul3A_165 = vector.broadcast %mul3A_164 : i32 to vector<16xi32>
        %mul3A_166 = arith.muli %add3A_163, %mul3A_165 : vector<16xi32>
        %add3A_167 = arith.addi %mul3A_166, %iota3A : vector<16xi32>
        %gather3A_168 = tpu.vector_load_idx %arg5[%add3A_167] : memref<11264xf32, #tpu.memory_space<vmem>>[vector<16xi32>], vector<16xf32>,
        %add3A_169 = arith.addf %add3A_145, %gather3A_168 : vector<16xf32>
        %add3A_170 = arith.constant 512 : i32
        %add3A_171 = arith.addi %mul3A_117, %add3A_170 : i32
        %add3A_172 = arith.constant 0 : i32
        %add3A_173 = arith.addi %add3A_171, %add3A_172 : i32
        %multiple_of3A_174 = tpu.assume_multiple %add3A_173, 8 : i32
        %add3A_175 = arith.constant 640 : i32
        %add3A_176 = arith.addi %mul3A_117, %add3A_175 : i32
        %add3A_177 = arith.constant 0 : i32
        %add3A_178 = arith.addi %add3A_176, %add3A_177 : i32
        %multiple_of3A_179 = tpu.assume_multiple %add3A_178, 8 : i32
        %get3A_180 = arith.index_cast %multiple_of3A_174 : i32 to index
        %get3A_181 = tpu.vector_load %arg7[%get3A_180] {strides = array<i32>} : memref<17408xi32, #tpu.memory_space<vmem>>, vector<16xi32>,
        %get3A_182 = arith.index_cast %multiple_of3A_179 : i32 to index
        %get3A_183 = tpu.vector_load %arg7[%get3A_182] {strides = array<i32>} : memref<17408xi32, #tpu.memory_space<vmem>>, vector<16xi32>,
        %shift_left3A_184 = arith.constant 5 : i32
        %shift_left3A_185 = vector.broadcast %shift_left3A_184 : i32 to vector<16xi32>
        %shift_left3A_186 = arith.shli %get3A_181, %shift_left3A_185 : vector<16xi32>
        %add3A_187 = arith.addi %shift_left3A_186, %get3A_183 : vector<16xi32>
        %mul3A_188 = arith.constant 16 : i32
        %mul3A_189 = vector.broadcast %mul3A_188 : i32 to vector<16xi32>
        %mul3A_190 = arith.muli %add3A_187, %mul3A_189 : vector<16xi32>
        %add3A_191 = arith.addi %mul3A_190, %iota3A : vector<16xi32>
        %gather3A_192 = tpu.vector_load_idx %arg5[%add3A_191] : memref<11264xf32, #tpu.memory_space<vmem>>[vector<16xi32>], vector<16xf32>,
        %add3A_193 = arith.addf %add3A_169, %gather3A_192 : vector<16xf32>
        %add3A_194 = arith.constant 768 : i32
        %add3A_195 = arith.addi %mul3A_117, %add3A_194 : i32
        %add3A_196 = arith.constant 0 : i32
        %add3A_197 = arith.addi %add3A_195, %add3A_196 : i32
        %multiple_of3A_198 = tpu.assume_multiple %add3A_197, 8 : i32
        %add3A_199 = arith.constant 896 : i32
        %add3A_200 = arith.addi %mul3A_117, %add3A_199 : i32
        %add3A_201 = arith.constant 0 : i32
        %add3A_202 = arith.addi %add3A_200, %add3A_201 : i32
        %multiple_of3A_203 = tpu.assume_multiple %add3A_202, 8 : i32
        %get3A_204 = arith.index_cast %multiple_of3A_198 : i32 to index
        %get3A_205 = tpu.vector_load %arg7[%get3A_204] {strides = array<i32>} : memref<17408xi32, #tpu.memory_space<vmem>>, vector<16xi32>,
        %get3A_206 = arith.index_cast %multiple_of3A_203 : i32 to index
        %get3A_207 = tpu.vector_load %arg7[%get3A_206] {strides = array<i32>} : memref<17408xi32, #tpu.memory_space<vmem>>, vector<16xi32>,
        %shift_left3A_208 = arith.constant 5 : i32
        %shift_left3A_209 = vector.broadcast %shift_left3A_208 : i32 to vector<16xi32>
        %shift_left3A_210 = arith.shli %get3A_205, %shift_left3A_209 : vector<16xi32>
        %add3A_211 = arith.addi %shift_left3A_210, %get3A_207 : vector<16xi32>
        %mul3A_212 = arith.constant 16 : i32
        %mul3A_213 = vector.broadcast %mul3A_212 : i32 to vector<16xi32>
        %mul3A_214 = arith.muli %add3A_211, %mul3A_213 : vector<16xi32>
        %add3A_215 = arith.addi %mul3A_214, %iota3A : vector<16xi32>
        %gather3A_216 = tpu.vector_load_idx %arg5[%add3A_215] : memref<11264xf32, #tpu.memory_space<vmem>>[vector<16xi32>], vector<16xf32>,
        %add3A_217 = arith.addf %add3A_193, %gather3A_216 : vector<16xf32>
        %swap3A = arith.index_cast %multiple_of3A_122 : i32 to index
        %swap3A_218 = tpu.vector_load %arg8[%swap3A] {strides = array<i32>} : memref<2176xf32, #tpu.memory_space<vmem>>, vector<16xf32>,
        tpu.vector_store %arg8[%swap3A], %add3A_217 {strides = array<i32>} : memref<2176xf32, #tpu.memory_space<vmem>>, vector<16xf32>,
        %add3A_219 = arith.constant 16 : i32
        %add3A_220 = arith.addi %mul3A_119, %add3A_219 : i32
        %multiple_of3A_221 = tpu.assume_multiple %add3A_220, 8 : i32
        %get3A_222 = arith.index_cast %multiple_of3A_221 : i32 to index
        %get3A_223 = tpu.vector_load %arg8[%get3A_222] {strides = array<i32>} : memref<2176xf32, #tpu.memory_space<vmem>>, vector<16xf32>,
        %add3A_224 = arith.constant 0 : i32
        %add3A_225 = arith.addi %mul3A_117, %add3A_224 : i32
        %add3A_226 = arith.constant 16 : i32
        %add3A_227 = arith.addi %add3A_225, %add3A_226 : i32
        %multiple_of3A_228 = tpu.assume_multiple %add3A_227, 8 : i32
        %add3A_229 = arith.constant 128 : i32
        %add3A_230 = arith.addi %mul3A_117, %add3A_229 : i32
        %add3A_231 = arith.constant 16 : i32
        %add3A_232 = arith.addi %add3A_230, %add3A_231 : i32
        %multiple_of3A_233 = tpu.assume_multiple %add3A_232, 8 : i32
        %get3A_234 = arith.index_cast %multiple_of3A_228 : i32 to index
        %get3A_235 = tpu.vector_load %arg7[%get3A_234] {strides = array<i32>} : memref<17408xi32, #tpu.memory_space<vmem>>, vector<16xi32>,
        %get3A_236 = arith.index_cast %multiple_of3A_233 : i32 to index
        %get3A_237 = tpu.vector_load %arg7[%get3A_236] {strides = array<i32>} : memref<17408xi32, #tpu.memory_space<vmem>>, vector<16xi32>,
        %shift_left3A_238 = arith.constant 5 : i32
        %shift_left3A_239 = vector.broadcast %shift_left3A_238 : i32 to vector<16xi32>
        %shift_left3A_240 = arith.shli %get3A_235, %shift_left3A_239 : vector<16xi32>
        %add3A_241 = arith.addi %shift_left3A_240, %get3A_237 : vector<16xi32>
        %mul3A_242 = arith.constant 16 : i32
        %mul3A_243 = vector.broadcast %mul3A_242 : i32 to vector<16xi32>
        %mul3A_244 = arith.muli %add3A_241, %mul3A_243 : vector<16xi32>
        %add3A_245 = arith.addi %mul3A_244, %iota3A : vector<16xi32>
        %gather3A_246 = tpu.vector_load_idx %arg5[%add3A_245] : memref<11264xf32, #tpu.memory_space<vmem>>[vector<16xi32>], vector<16xf32>,
        %add3A_247 = arith.addf %get3A_223, %gather3A_246 : vector<16xf32>
        %add3A_248 = arith.constant 256 : i32
        %add3A_249 = arith.addi %mul3A_117, %add3A_248 : i32
        %add3A_250 = arith.constant 16 : i32
        %add3A_251 = arith.addi %add3A_249, %add3A_250 : i32
        %multiple_of3A_252 = tpu.assume_multiple %add3A_251, 8 : i32
        %add3A_253 = arith.constant 384 : i32
        %add3A_254 = arith.addi %mul3A_117, %add3A_253 : i32
        %add3A_255 = arith.constant 16 : i32
        %add3A_256 = arith.addi %add3A_254, %add3A_255 : i32
        %multiple_of3A_257 = tpu.assume_multiple %add3A_256, 8 : i32
        %get3A_258 = arith.index_cast %multiple_of3A_252 : i32 to index
        %get3A_259 = tpu.vector_load %arg7[%get3A_258] {strides = array<i32>} : memref<17408xi32, #tpu.memory_space<vmem>>, vector<16xi32>,
        %get3A_260 = arith.index_cast %multiple_of3A_257 : i32 to index
        %get3A_261 = tpu.vector_load %arg7[%get3A_260] {strides = array<i32>} : memref<17408xi32, #tpu.memory_space<vmem>>, vector<16xi32>,
        %shift_left3A_262 = arith.constant 5 : i32
        %shift_left3A_263 = vector.broadcast %shift_left3A_262 : i32 to vector<16xi32>
        %shift_left3A_264 = arith.shli %get3A_259, %shift_left3A_263 : vector<16xi32>
        %add3A_265 = arith.addi %shift_left3A_264, %get3A_261 : vector<16xi32>
        %mul3A_266 = arith.constant 16 : i32
        %mul3A_267 = vector.broadcast %mul3A_266 : i32 to vector<16xi32>
        %mul3A_268 = arith.muli %add3A_265, %mul3A_267 : vector<16xi32>
        %add3A_269 = arith.addi %mul3A_268, %iota3A : vector<16xi32>
        %gather3A_270 = tpu.vector_load_idx %arg5[%add3A_269] : memref<11264xf32, #tpu.memory_space<vmem>>[vector<16xi32>], vector<16xf32>,
        %add3A_271 = arith.addf %add3A_247, %gather3A_270 : vector<16xf32>
        %add3A_272 = arith.constant 512 : i32
        %add3A_273 = arith.addi %mul3A_117, %add3A_272 : i32
        %add3A_274 = arith.constant 16 : i32
        %add3A_275 = arith.addi %add3A_273, %add3A_274 : i32
        %multiple_of3A_276 = tpu.assume_multiple %add3A_275, 8 : i32
        %add3A_277 = arith.constant 640 : i32
        %add3A_278 = arith.addi %mul3A_117, %add3A_277 : i32
        %add3A_279 = arith.constant 16 : i32
        %add3A_280 = arith.addi %add3A_278, %add3A_279 : i32
        %multiple_of3A_281 = tpu.assume_multiple %add3A_280, 8 : i32
        %get3A_282 = arith.index_cast %multiple_of3A_276 : i32 to index
        %get3A_283 = tpu.vector_load %arg7[%get3A_282] {strides = array<i32>} : memref<17408xi32, #tpu.memory_space<vmem>>, vector<16xi32>,
        %get3A_284 = arith.index_cast %multiple_of3A_281 : i32 to index
        %get3A_285 = tpu.vector_load %arg7[%get3A_284] {strides = array<i32>} : memref<17408xi32, #tpu.memory_space<vmem>>, vector<16xi32>,
        %shift_left3A_286 = arith.constant 5 : i32
        %shift_left3A_287 = vector.broadcast %shift_left3A_286 : i32 to vector<16xi32>
        %shift_left3A_288 = arith.shli %get3A_283, %shift_left3A_287 : vector<16xi32>
        %add3A_289 = arith.addi %shift_left3A_288, %get3A_285 : vector<16xi32>
        %mul3A_290 = arith.constant 16 : i32
        %mul3A_291 = vector.broadcast %mul3A_290 : i32 to vector<16xi32>
        %mul3A_292 = arith.muli %add3A_289, %mul3A_291 : vector<16xi32>
        %add3A_293 = arith.addi %mul3A_292, %iota3A : vector<16xi32>
        %gather3A_294 = tpu.vector_load_idx %arg5[%add3A_293] : memref<11264xf32, #tpu.memory_space<vmem>>[vector<16xi32>], vector<16xf32>,
        %add3A_295 = arith.addf %add3A_271, %gather3A_294 : vector<16xf32>
        %add3A_296 = arith.constant 768 : i32
        %add3A_297 = arith.addi %mul3A_117, %add3A_296 : i32
        %add3A_298 = arith.constant 16 : i32
        %add3A_299 = arith.addi %add3A_297, %add3A_298 : i32
        %multiple_of3A_300 = tpu.assume_multiple %add3A_299, 8 : i32
        %add3A_301 = arith.constant 896 : i32
        %add3A_302 = arith.addi %mul3A_117, %add3A_301 : i32
        %add3A_303 = arith.constant 16 : i32
        %add3A_304 = arith.addi %add3A_302, %add3A_303 : i32
        %multiple_of3A_305 = tpu.assume_multiple %add3A_304, 8 : i32
        %get3A_306 = arith.index_cast %multiple_of3A_300 : i32 to index
        %get3A_307 = tpu.vector_load %arg7[%get3A_306] {strides = array<i32>} : memref<17408xi32, #tpu.memory_space<vmem>>, vector<16xi32>,
        %get3A_308 = arith.index_cast %multiple_of3A_305 : i32 to index
        %get3A_309 = tpu.vector_load %arg7[%get3A_308] {strides = array<i32>} : memref<17408xi32, #tpu.memory_space<vmem>>, vector<16xi32>,
        %shift_left3A_310 = arith.constant 5 : i32
        %shift_left3A_311 = vector.broadcast %shift_left3A_310 : i32 to vector<16xi32>
        %shift_left3A_312 = arith.shli %get3A_307, %shift_left3A_311 : vector<16xi32>
        %add3A_313 = arith.addi %shift_left3A_312, %get3A_309 : vector<16xi32>
        %mul3A_314 = arith.constant 16 : i32
        %mul3A_315 = vector.broadcast %mul3A_314 : i32 to vector<16xi32>
        %mul3A_316 = arith.muli %add3A_313, %mul3A_315 : vector<16xi32>
        %add3A_317 = arith.addi %mul3A_316, %iota3A : vector<16xi32>
        %gather3A_318 = tpu.vector_load_idx %arg5[%add3A_317] : memref<11264xf32, #tpu.memory_space<vmem>>[vector<16xi32>], vector<16xf32>,
        %add3A_319 = arith.addf %add3A_295, %gather3A_318 : vector<16xf32>
        %swap3A_320 = arith.index_cast %multiple_of3A_221 : i32 to index
        %swap3A_321 = tpu.vector_load %arg8[%swap3A_320] {strides = array<i32>} : memref<2176xf32, #tpu.memory_space<vmem>>, vector<16xf32>,
        tpu.vector_store %arg8[%swap3A_320], %add3A_319 {strides = array<i32>} : memref<2176xf32, #tpu.memory_space<vmem>>, vector<16xf32>,
        %add3A_322 = arith.constant 32 : i32
        %add3A_323 = arith.addi %mul3A_119, %add3A_322 : i32
        %multiple_of3A_324 = tpu.assume_multiple %add3A_323, 8 : i32
        %get3A_325 = arith.index_cast %multiple_of3A_324 : i32 to index
        %get3A_326 = tpu.vector_load %arg8[%get3A_325] {strides = array<i32>} : memref<2176xf32, #tpu.memory_space<vmem>>, vector<16xf32>,
        %add3A_327 = arith.constant 0 : i32
        %add3A_328 = arith.addi %mul3A_117, %add3A_327 : i32
        %add3A_329 = arith.constant 32 : i32
        %add3A_330 = arith.addi %add3A_328, %add3A_329 : i32
        %multiple_of3A_331 = tpu.assume_multiple %add3A_330, 8 : i32
        %add3A_332 = arith.constant 128 : i32
        %add3A_333 = arith.addi %mul3A_117, %add3A_332 : i32
        %add3A_334 = arith.constant 32 : i32
        %add3A_335 = arith.addi %add3A_333, %add3A_334 : i32
        %multiple_of3A_336 = tpu.assume_multiple %add3A_335, 8 : i32
        %get3A_337 = arith.index_cast %multiple_of3A_331 : i32 to index
        %get3A_338 = tpu.vector_load %arg7[%get3A_337] {strides = array<i32>} : memref<17408xi32, #tpu.memory_space<vmem>>, vector<16xi32>,
        %get3A_339 = arith.index_cast %multiple_of3A_336 : i32 to index
        %get3A_340 = tpu.vector_load %arg7[%get3A_339] {strides = array<i32>} : memref<17408xi32, #tpu.memory_space<vmem>>, vector<16xi32>,
        %shift_left3A_341 = arith.constant 5 : i32
        %shift_left3A_342 = vector.broadcast %shift_left3A_341 : i32 to vector<16xi32>
        %shift_left3A_343 = arith.shli %get3A_338, %shift_left3A_342 : vector<16xi32>
        %add3A_344 = arith.addi %shift_left3A_343, %get3A_340 : vector<16xi32>
        %mul3A_345 = arith.constant 16 : i32
        %mul3A_346 = vector.broadcast %mul3A_345 : i32 to vector<16xi32>
        %mul3A_347 = arith.muli %add3A_344, %mul3A_346 : vector<16xi32>
        %add3A_348 = arith.addi %mul3A_347, %iota3A : vector<16xi32>
        %gather3A_349 = tpu.vector_load_idx %arg5[%add3A_348] : memref<11264xf32, #tpu.memory_space<vmem>>[vector<16xi32>], vector<16xf32>,
        %add3A_350 = arith.addf %get3A_326, %gather3A_349 : vector<16xf32>
        %add3A_351 = arith.constant 256 : i32
        %add3A_352 = arith.addi %mul3A_117, %add3A_351 : i32
        %add3A_353 = arith.constant 32 : i32
        %add3A_354 = arith.addi %add3A_352, %add3A_353 : i32
        %multiple_of3A_355 = tpu.assume_multiple %add3A_354, 8 : i32
        %add3A_356 = arith.constant 384 : i32
        %add3A_357 = arith.addi %mul3A_117, %add3A_356 : i32
        %add3A_358 = arith.constant 32 : i32
        %add3A_359 = arith.addi %add3A_357, %add3A_358 : i32
        %multiple_of3A_360 = tpu.assume_multiple %add3A_359, 8 : i32
        %get3A_361 = arith.index_cast %multiple_of3A_355 : i32 to index
        %get3A_362 = tpu.vector_load %arg7[%get3A_361] {strides = array<i32>} : memref<17408xi32, #tpu.memory_space<vmem>>, vector<16xi32>,
        %get3A_363 = arith.index_cast %multiple_of3A_360 : i32 to index
        %get3A_364 = tpu.vector_load %arg7[%get3A_363] {strides = array<i32>} : memref<17408xi32, #tpu.memory_space<vmem>>, vector<16xi32>,
        %shift_left3A_365 = arith.constant 5 : i32
        %shift_left3A_366 = vector.broadcast %shift_left3A_365 : i32 to vector<16xi32>
        %shift_left3A_367 = arith.shli %get3A_362, %shift_left3A_366 : vector<16xi32>
        %add3A_368 = arith.addi %shift_left3A_367, %get3A_364 : vector<16xi32>
        %mul3A_369 = arith.constant 16 : i32
        %mul3A_370 = vector.broadcast %mul3A_369 : i32 to vector<16xi32>
        %mul3A_371 = arith.muli %add3A_368, %mul3A_370 : vector<16xi32>
        %add3A_372 = arith.addi %mul3A_371, %iota3A : vector<16xi32>
        %gather3A_373 = tpu.vector_load_idx %arg5[%add3A_372] : memref<11264xf32, #tpu.memory_space<vmem>>[vector<16xi32>], vector<16xf32>,
        %add3A_374 = arith.addf %add3A_350, %gather3A_373 : vector<16xf32>
        %add3A_375 = arith.constant 512 : i32
        %add3A_376 = arith.addi %mul3A_117, %add3A_375 : i32
        %add3A_377 = arith.constant 32 : i32
        %add3A_378 = arith.addi %add3A_376, %add3A_377 : i32
        %multiple_of3A_379 = tpu.assume_multiple %add3A_378, 8 : i32
        %add3A_380 = arith.constant 640 : i32
        %add3A_381 = arith.addi %mul3A_117, %add3A_380 : i32
        %add3A_382 = arith.constant 32 : i32
        %add3A_383 = arith.addi %add3A_381, %add3A_382 : i32
        %multiple_of3A_384 = tpu.assume_multiple %add3A_383, 8 : i32
        %get3A_385 = arith.index_cast %multiple_of3A_379 : i32 to index
        %get3A_386 = tpu.vector_load %arg7[%get3A_385] {strides = array<i32>} : memref<17408xi32, #tpu.memory_space<vmem>>, vector<16xi32>,
        %get3A_387 = arith.index_cast %multiple_of3A_384 : i32 to index
        %get3A_388 = tpu.vector_load %arg7[%get3A_387] {strides = array<i32>} : memref<17408xi32, #tpu.memory_space<vmem>>, vector<16xi32>,
        %shift_left3A_389 = arith.constant 5 : i32
        %shift_left3A_390 = vector.broadcast %shift_left3A_389 : i32 to vector<16xi32>
        %shift_left3A_391 = arith.shli %get3A_386, %shift_left3A_390 : vector<16xi32>
        %add3A_392 = arith.addi %shift_left3A_391, %get3A_388 : vector<16xi32>
        %mul3A_393 = arith.constant 16 : i32
        %mul3A_394 = vector.broadcast %mul3A_393 : i32 to vector<16xi32>
        %mul3A_395 = arith.muli %add3A_392, %mul3A_394 : vector<16xi32>
        %add3A_396 = arith.addi %mul3A_395, %iota3A : vector<16xi32>
        %gather3A_397 = tpu.vector_load_idx %arg5[%add3A_396] : memref<11264xf32, #tpu.memory_space<vmem>>[vector<16xi32>], vector<16xf32>,
        %add3A_398 = arith.addf %add3A_374, %gather3A_397 : vector<16xf32>
        %add3A_399 = arith.constant 768 : i32
        %add3A_400 = arith.addi %mul3A_117, %add3A_399 : i32
        %add3A_401 = arith.constant 32 : i32
        %add3A_402 = arith.addi %add3A_400, %add3A_401 : i32
        %multiple_of3A_403 = tpu.assume_multiple %add3A_402, 8 : i32
        %add3A_404 = arith.constant 896 : i32
        %add3A_405 = arith.addi %mul3A_117, %add3A_404 : i32
        %add3A_406 = arith.constant 32 : i32
        %add3A_407 = arith.addi %add3A_405, %add3A_406 : i32
        %multiple_of3A_408 = tpu.assume_multiple %add3A_407, 8 : i32
        %get3A_409 = arith.index_cast %multiple_of3A_403 : i32 to index
        %get3A_410 = tpu.vector_load %arg7[%get3A_409] {strides = array<i32>} : memref<17408xi32, #tpu.memory_space<vmem>>, vector<16xi32>,
        %get3A_411 = arith.index_cast %multiple_of3A_408 : i32 to index
        %get3A_412 = tpu.vector_load %arg7[%get3A_411] {strides = array<i32>} : memref<17408xi32, #tpu.memory_space<vmem>>, vector<16xi32>,
        %shift_left3A_413 = arith.constant 5 : i32
        %shift_left3A_414 = vector.broadcast %shift_left3A_413 : i32 to vector<16xi32>
        %shift_left3A_415 = arith.shli %get3A_410, %shift_left3A_414 : vector<16xi32>
        %add3A_416 = arith.addi %shift_left3A_415, %get3A_412 : vector<16xi32>
        %mul3A_417 = arith.constant 16 : i32
        %mul3A_418 = vector.broadcast %mul3A_417 : i32 to vector<16xi32>
        %mul3A_419 = arith.muli %add3A_416, %mul3A_418 : vector<16xi32>
        %add3A_420 = arith.addi %mul3A_419, %iota3A : vector<16xi32>
        %gather3A_421 = tpu.vector_load_idx %arg5[%add3A_420] : memref<11264xf32, #tpu.memory_space<vmem>>[vector<16xi32>], vector<16xf32>,
        %add3A_422 = arith.addf %add3A_398, %gather3A_421 : vector<16xf32>
        %swap3A_423 = arith.index_cast %multiple_of3A_324 : i32 to index
        %swap3A_424 = tpu.vector_load %arg8[%swap3A_423] {strides = array<i32>} : memref<2176xf32, #tpu.memory_space<vmem>>, vector<16xf32>,
        tpu.vector_store %arg8[%swap3A_423], %add3A_422 {strides = array<i32>} : memref<2176xf32, #tpu.memory_space<vmem>>, vector<16xf32>,
        %add3A_425 = arith.constant 48 : i32
        %add3A_426 = arith.addi %mul3A_119, %add3A_425 : i32
        %multiple_of3A_427 = tpu.assume_multiple %add3A_426, 8 : i32
        %get3A_428 = arith.index_cast %multiple_of3A_427 : i32 to index
        %get3A_429 = tpu.vector_load %arg8[%get3A_428] {strides = array<i32>} : memref<2176xf32, #tpu.memory_space<vmem>>, vector<16xf32>,
        %add3A_430 = arith.constant 0 : i32
        %add3A_431 = arith.addi %mul3A_117, %add3A_430 : i32
        %add3A_432 = arith.constant 48 : i32
        %add3A_433 = arith.addi %add3A_431, %add3A_432 : i32
        %multiple_of3A_434 = tpu.assume_multiple %add3A_433, 8 : i32
        %add3A_435 = arith.constant 128 : i32
        %add3A_436 = arith.addi %mul3A_117, %add3A_435 : i32
        %add3A_437 = arith.constant 48 : i32
        %add3A_438 = arith.addi %add3A_436, %add3A_437 : i32
        %multiple_of3A_439 = tpu.assume_multiple %add3A_438, 8 : i32
        %get3A_440 = arith.index_cast %multiple_of3A_434 : i32 to index
        %get3A_441 = tpu.vector_load %arg7[%get3A_440] {strides = array<i32>} : memref<17408xi32, #tpu.memory_space<vmem>>, vector<16xi32>,
        %get3A_442 = arith.index_cast %multiple_of3A_439 : i32 to index
        %get3A_443 = tpu.vector_load %arg7[%get3A_442] {strides = array<i32>} : memref<17408xi32, #tpu.memory_space<vmem>>, vector<16xi32>,
        %shift_left3A_444 = arith.constant 5 : i32
        %shift_left3A_445 = vector.broadcast %shift_left3A_444 : i32 to vector<16xi32>
        %shift_left3A_446 = arith.shli %get3A_441, %shift_left3A_445 : vector<16xi32>
        %add3A_447 = arith.addi %shift_left3A_446, %get3A_443 : vector<16xi32>
        %mul3A_448 = arith.constant 16 : i32
        %mul3A_449 = vector.broadcast %mul3A_448 : i32 to vector<16xi32>
        %mul3A_450 = arith.muli %add3A_447, %mul3A_449 : vector<16xi32>
        %add3A_451 = arith.addi %mul3A_450, %iota3A : vector<16xi32>
        %gather3A_452 = tpu.vector_load_idx %arg5[%add3A_451] : memref<11264xf32, #tpu.memory_space<vmem>>[vector<16xi32>], vector<16xf32>,
        %add3A_453 = arith.addf %get3A_429, %gather3A_452 : vector<16xf32>
        %add3A_454 = arith.constant 256 : i32
        %add3A_455 = arith.addi %mul3A_117, %add3A_454 : i32
        %add3A_456 = arith.constant 48 : i32
        %add3A_457 = arith.addi %add3A_455, %add3A_456 : i32
        %multiple_of3A_458 = tpu.assume_multiple %add3A_457, 8 : i32
        %add3A_459 = arith.constant 384 : i32
        %add3A_460 = arith.addi %mul3A_117, %add3A_459 : i32
        %add3A_461 = arith.constant 48 : i32
        %add3A_462 = arith.addi %add3A_460, %add3A_461 : i32
        %multiple_of3A_463 = tpu.assume_multiple %add3A_462, 8 : i32
        %get3A_464 = arith.index_cast %multiple_of3A_458 : i32 to index
        %get3A_465 = tpu.vector_load %arg7[%get3A_464] {strides = array<i32>} : memref<17408xi32, #tpu.memory_space<vmem>>, vector<16xi32>,
        %get3A_466 = arith.index_cast %multiple_of3A_463 : i32 to index
        %get3A_467 = tpu.vector_load %arg7[%get3A_466] {strides = array<i32>} : memref<17408xi32, #tpu.memory_space<vmem>>, vector<16xi32>,
        %shift_left3A_468 = arith.constant 5 : i32
        %shift_left3A_469 = vector.broadcast %shift_left3A_468 : i32 to vector<16xi32>
        %shift_left3A_470 = arith.shli %get3A_465, %shift_left3A_469 : vector<16xi32>
        %add3A_471 = arith.addi %shift_left3A_470, %get3A_467 : vector<16xi32>
        %mul3A_472 = arith.constant 16 : i32
        %mul3A_473 = vector.broadcast %mul3A_472 : i32 to vector<16xi32>
        %mul3A_474 = arith.muli %add3A_471, %mul3A_473 : vector<16xi32>
        %add3A_475 = arith.addi %mul3A_474, %iota3A : vector<16xi32>
        %gather3A_476 = tpu.vector_load_idx %arg5[%add3A_475] : memref<11264xf32, #tpu.memory_space<vmem>>[vector<16xi32>], vector<16xf32>,
        %add3A_477 = arith.addf %add3A_453, %gather3A_476 : vector<16xf32>
        %add3A_478 = arith.constant 512 : i32
        %add3A_479 = arith.addi %mul3A_117, %add3A_478 : i32
        %add3A_480 = arith.constant 48 : i32
        %add3A_481 = arith.addi %add3A_479, %add3A_480 : i32
        %multiple_of3A_482 = tpu.assume_multiple %add3A_481, 8 : i32
        %add3A_483 = arith.constant 640 : i32
        %add3A_484 = arith.addi %mul3A_117, %add3A_483 : i32
        %add3A_485 = arith.constant 48 : i32
        %add3A_486 = arith.addi %add3A_484, %add3A_485 : i32
        %multiple_of3A_487 = tpu.assume_multiple %add3A_486, 8 : i32
        %get3A_488 = arith.index_cast %multiple_of3A_482 : i32 to index
        %get3A_489 = tpu.vector_load %arg7[%get3A_488] {strides = array<i32>} : memref<17408xi32, #tpu.memory_space<vmem>>, vector<16xi32>,
        %get3A_490 = arith.index_cast %multiple_of3A_487 : i32 to index
        %get3A_491 = tpu.vector_load %arg7[%get3A_490] {strides = array<i32>} : memref<17408xi32, #tpu.memory_space<vmem>>, vector<16xi32>,
        %shift_left3A_492 = arith.constant 5 : i32
        %shift_left3A_493 = vector.broadcast %shift_left3A_492 : i32 to vector<16xi32>
        %shift_left3A_494 = arith.shli %get3A_489, %shift_left3A_493 : vector<16xi32>
        %add3A_495 = arith.addi %shift_left3A_494, %get3A_491 : vector<16xi32>
        %mul3A_496 = arith.constant 16 : i32
        %mul3A_497 = vector.broadcast %mul3A_496 : i32 to vector<16xi32>
        %mul3A_498 = arith.muli %add3A_495, %mul3A_497 : vector<16xi32>
        %add3A_499 = arith.addi %mul3A_498, %iota3A : vector<16xi32>
        %gather3A_500 = tpu.vector_load_idx %arg5[%add3A_499] : memref<11264xf32, #tpu.memory_space<vmem>>[vector<16xi32>], vector<16xf32>,
        %add3A_501 = arith.addf %add3A_477, %gather3A_500 : vector<16xf32>
        %add3A_502 = arith.constant 768 : i32
        %add3A_503 = arith.addi %mul3A_117, %add3A_502 : i32
        %add3A_504 = arith.constant 48 : i32
        %add3A_505 = arith.addi %add3A_503, %add3A_504 : i32
        %multiple_of3A_506 = tpu.assume_multiple %add3A_505, 8 : i32
        %add3A_507 = arith.constant 896 : i32
        %add3A_508 = arith.addi %mul3A_117, %add3A_507 : i32
        %add3A_509 = arith.constant 48 : i32
        %add3A_510 = arith.addi %add3A_508, %add3A_509 : i32
        %multiple_of3A_511 = tpu.assume_multiple %add3A_510, 8 : i32
        %get3A_512 = arith.index_cast %multiple_of3A_506 : i32 to index
        %get3A_513 = tpu.vector_load %arg7[%get3A_512] {strides = array<i32>} : memref<17408xi32, #tpu.memory_space<vmem>>, vector<16xi32>,
        %get3A_514 = arith.index_cast %multiple_of3A_511 : i32 to index
        %get3A_515 = tpu.vector_load %arg7[%get3A_514] {strides = array<i32>} : memref<17408xi32, #tpu.memory_space<vmem>>, vector<16xi32>,
        %shift_left3A_516 = arith.constant 5 : i32
        %shift_left3A_517 = vector.broadcast %shift_left3A_516 : i32 to vector<16xi32>
        %shift_left3A_518 = arith.shli %get3A_513, %shift_left3A_517 : vector<16xi32>
        %add3A_519 = arith.addi %shift_left3A_518, %get3A_515 : vector<16xi32>
        %mul3A_520 = arith.constant 16 : i32
        %mul3A_521 = vector.broadcast %mul3A_520 : i32 to vector<16xi32>
        %mul3A_522 = arith.muli %add3A_519, %mul3A_521 : vector<16xi32>
        %add3A_523 = arith.addi %mul3A_522, %iota3A : vector<16xi32>
        %gather3A_524 = tpu.vector_load_idx %arg5[%add3A_523] : memref<11264xf32, #tpu.memory_space<vmem>>[vector<16xi32>], vector<16xf32>,
        %add3A_525 = arith.addf %add3A_501, %gather3A_524 : vector<16xf32>
        %swap3A_526 = arith.index_cast %multiple_of3A_427 : i32 to index
        %swap3A_527 = tpu.vector_load %arg8[%swap3A_526] {strides = array<i32>} : memref<2176xf32, #tpu.memory_space<vmem>>, vector<16xf32>,
        tpu.vector_store %arg8[%swap3A_526], %add3A_525 {strides = array<i32>} : memref<2176xf32, #tpu.memory_space<vmem>>, vector<16xf32>,
        %add3A_528 = arith.constant 64 : i32
        %add3A_529 = arith.addi %mul3A_119, %add3A_528 : i32
        %multiple_of3A_530 = tpu.assume_multiple %add3A_529, 8 : i32
        %get3A_531 = arith.index_cast %multiple_of3A_530 : i32 to index
        %get3A_532 = tpu.vector_load %arg8[%get3A_531] {strides = array<i32>} : memref<2176xf32, #tpu.memory_space<vmem>>, vector<16xf32>,
        %add3A_533 = arith.constant 0 : i32
        %add3A_534 = arith.addi %mul3A_117, %add3A_533 : i32
        %add3A_535 = arith.constant 64 : i32
        %add3A_536 = arith.addi %add3A_534, %add3A_535 : i32
        %multiple_of3A_537 = tpu.assume_multiple %add3A_536, 8 : i32
        %add3A_538 = arith.constant 128 : i32
        %add3A_539 = arith.addi %mul3A_117, %add3A_538 : i32
        %add3A_540 = arith.constant 64 : i32
        %add3A_541 = arith.addi %add3A_539, %add3A_540 : i32
        %multiple_of3A_542 = tpu.assume_multiple %add3A_541, 8 : i32
        %get3A_543 = arith.index_cast %multiple_of3A_537 : i32 to index
        %get3A_544 = tpu.vector_load %arg7[%get3A_543] {strides = array<i32>} : memref<17408xi32, #tpu.memory_space<vmem>>, vector<16xi32>,
        %get3A_545 = arith.index_cast %multiple_of3A_542 : i32 to index
        %get3A_546 = tpu.vector_load %arg7[%get3A_545] {strides = array<i32>} : memref<17408xi32, #tpu.memory_space<vmem>>, vector<16xi32>,
        %shift_left3A_547 = arith.constant 5 : i32
        %shift_left3A_548 = vector.broadcast %shift_left3A_547 : i32 to vector<16xi32>
        %shift_left3A_549 = arith.shli %get3A_544, %shift_left3A_548 : vector<16xi32>
        %add3A_550 = arith.addi %shift_left3A_549, %get3A_546 : vector<16xi32>
        %mul3A_551 = arith.constant 16 : i32
        %mul3A_552 = vector.broadcast %mul3A_551 : i32 to vector<16xi32>
        %mul3A_553 = arith.muli %add3A_550, %mul3A_552 : vector<16xi32>
        %add3A_554 = arith.addi %mul3A_553, %iota3A : vector<16xi32>
        %gather3A_555 = tpu.vector_load_idx %arg5[%add3A_554] : memref<11264xf32, #tpu.memory_space<vmem>>[vector<16xi32>], vector<16xf32>,
        %add3A_556 = arith.addf %get3A_532, %gather3A_555 : vector<16xf32>
        %add3A_557 = arith.constant 256 : i32
        %add3A_558 = arith.addi %mul3A_117, %add3A_557 : i32
        %add3A_559 = arith.constant 64 : i32
        %add3A_560 = arith.addi %add3A_558, %add3A_559 : i32
        %multiple_of3A_561 = tpu.assume_multiple %add3A_560, 8 : i32
        %add3A_562 = arith.constant 384 : i32
        %add3A_563 = arith.addi %mul3A_117, %add3A_562 : i32
        %add3A_564 = arith.constant 64 : i32
        %add3A_565 = arith.addi %add3A_563, %add3A_564 : i32
        %multiple_of3A_566 = tpu.assume_multiple %add3A_565, 8 : i32
        %get3A_567 = arith.index_cast %multiple_of3A_561 : i32 to index
        %get3A_568 = tpu.vector_load %arg7[%get3A_567] {strides = array<i32>} : memref<17408xi32, #tpu.memory_space<vmem>>, vector<16xi32>,
        %get3A_569 = arith.index_cast %multiple_of3A_566 : i32 to index
        %get3A_570 = tpu.vector_load %arg7[%get3A_569] {strides = array<i32>} : memref<17408xi32, #tpu.memory_space<vmem>>, vector<16xi32>,
        %shift_left3A_571 = arith.constant 5 : i32
        %shift_left3A_572 = vector.broadcast %shift_left3A_571 : i32 to vector<16xi32>
        %shift_left3A_573 = arith.shli %get3A_568, %shift_left3A_572 : vector<16xi32>
        %add3A_574 = arith.addi %shift_left3A_573, %get3A_570 : vector<16xi32>
        %mul3A_575 = arith.constant 16 : i32
        %mul3A_576 = vector.broadcast %mul3A_575 : i32 to vector<16xi32>
        %mul3A_577 = arith.muli %add3A_574, %mul3A_576 : vector<16xi32>
        %add3A_578 = arith.addi %mul3A_577, %iota3A : vector<16xi32>
        %gather3A_579 = tpu.vector_load_idx %arg5[%add3A_578] : memref<11264xf32, #tpu.memory_space<vmem>>[vector<16xi32>], vector<16xf32>,
        %add3A_580 = arith.addf %add3A_556, %gather3A_579 : vector<16xf32>
        %add3A_581 = arith.constant 512 : i32
        %add3A_582 = arith.addi %mul3A_117, %add3A_581 : i32
        %add3A_583 = arith.constant 64 : i32
        %add3A_584 = arith.addi %add3A_582, %add3A_583 : i32
        %multiple_of3A_585 = tpu.assume_multiple %add3A_584, 8 : i32
        %add3A_586 = arith.constant 640 : i32
        %add3A_587 = arith.addi %mul3A_117, %add3A_586 : i32
        %add3A_588 = arith.constant 64 : i32
        %add3A_589 = arith.addi %add3A_587, %add3A_588 : i32
        %multiple_of3A_590 = tpu.assume_multiple %add3A_589, 8 : i32
        %get3A_591 = arith.index_cast %multiple_of3A_585 : i32 to index
        %get3A_592 = tpu.vector_load %arg7[%get3A_591] {strides = array<i32>} : memref<17408xi32, #tpu.memory_space<vmem>>, vector<16xi32>,
        %get3A_593 = arith.index_cast %multiple_of3A_590 : i32 to index
        %get3A_594 = tpu.vector_load %arg7[%get3A_593] {strides = array<i32>} : memref<17408xi32, #tpu.memory_space<vmem>>, vector<16xi32>,
        %shift_left3A_595 = arith.constant 5 : i32
        %shift_left3A_596 = vector.broadcast %shift_left3A_595 : i32 to vector<16xi32>
        %shift_left3A_597 = arith.shli %get3A_592, %shift_left3A_596 : vector<16xi32>
        %add3A_598 = arith.addi %shift_left3A_597, %get3A_594 : vector<16xi32>
        %mul3A_599 = arith.constant 16 : i32
        %mul3A_600 = vector.broadcast %mul3A_599 : i32 to vector<16xi32>
        %mul3A_601 = arith.muli %add3A_598, %mul3A_600 : vector<16xi32>
        %add3A_602 = arith.addi %mul3A_601, %iota3A : vector<16xi32>
        %gather3A_603 = tpu.vector_load_idx %arg5[%add3A_602] : memref<11264xf32, #tpu.memory_space<vmem>>[vector<16xi32>], vector<16xf32>,
        %add3A_604 = arith.addf %add3A_580, %gather3A_603 : vector<16xf32>
        %add3A_605 = arith.constant 768 : i32
        %add3A_606 = arith.addi %mul3A_117, %add3A_605 : i32
        %add3A_607 = arith.constant 64 : i32
        %add3A_608 = arith.addi %add3A_606, %add3A_607 : i32
        %multiple_of3A_609 = tpu.assume_multiple %add3A_608, 8 : i32
        %add3A_610 = arith.constant 896 : i32
        %add3A_611 = arith.addi %mul3A_117, %add3A_610 : i32
        %add3A_612 = arith.constant 64 : i32
        %add3A_613 = arith.addi %add3A_611, %add3A_612 : i32
        %multiple_of3A_614 = tpu.assume_multiple %add3A_613, 8 : i32
        %get3A_615 = arith.index_cast %multiple_of3A_609 : i32 to index
        %get3A_616 = tpu.vector_load %arg7[%get3A_615] {strides = array<i32>} : memref<17408xi32, #tpu.memory_space<vmem>>, vector<16xi32>,
        %get3A_617 = arith.index_cast %multiple_of3A_614 : i32 to index
        %get3A_618 = tpu.vector_load %arg7[%get3A_617] {strides = array<i32>} : memref<17408xi32, #tpu.memory_space<vmem>>, vector<16xi32>,
        %shift_left3A_619 = arith.constant 5 : i32
        %shift_left3A_620 = vector.broadcast %shift_left3A_619 : i32 to vector<16xi32>
        %shift_left3A_621 = arith.shli %get3A_616, %shift_left3A_620 : vector<16xi32>
        %add3A_622 = arith.addi %shift_left3A_621, %get3A_618 : vector<16xi32>
        %mul3A_623 = arith.constant 16 : i32
        %mul3A_624 = vector.broadcast %mul3A_623 : i32 to vector<16xi32>
        %mul3A_625 = arith.muli %add3A_622, %mul3A_624 : vector<16xi32>
        %add3A_626 = arith.addi %mul3A_625, %iota3A : vector<16xi32>
        %gather3A_627 = tpu.vector_load_idx %arg5[%add3A_626] : memref<11264xf32, #tpu.memory_space<vmem>>[vector<16xi32>], vector<16xf32>,
        %add3A_628 = arith.addf %add3A_604, %gather3A_627 : vector<16xf32>
        %swap3A_629 = arith.index_cast %multiple_of3A_530 : i32 to index
        %swap3A_630 = tpu.vector_load %arg8[%swap3A_629] {strides = array<i32>} : memref<2176xf32, #tpu.memory_space<vmem>>, vector<16xf32>,
        tpu.vector_store %arg8[%swap3A_629], %add3A_628 {strides = array<i32>} : memref<2176xf32, #tpu.memory_space<vmem>>, vector<16xf32>,
        %add3A_631 = arith.constant 80 : i32
        %add3A_632 = arith.addi %mul3A_119, %add3A_631 : i32
        %multiple_of3A_633 = tpu.assume_multiple %add3A_632, 8 : i32
        %get3A_634 = arith.index_cast %multiple_of3A_633 : i32 to index
        %get3A_635 = tpu.vector_load %arg8[%get3A_634] {strides = array<i32>} : memref<2176xf32, #tpu.memory_space<vmem>>, vector<16xf32>,
        %add3A_636 = arith.constant 0 : i32
        %add3A_637 = arith.addi %mul3A_117, %add3A_636 : i32
        %add3A_638 = arith.constant 80 : i32
        %add3A_639 = arith.addi %add3A_637, %add3A_638 : i32
        %multiple_of3A_640 = tpu.assume_multiple %add3A_639, 8 : i32
        %add3A_641 = arith.constant 128 : i32
        %add3A_642 = arith.addi %mul3A_117, %add3A_641 : i32
        %add3A_643 = arith.constant 80 : i32
        %add3A_644 = arith.addi %add3A_642, %add3A_643 : i32
        %multiple_of3A_645 = tpu.assume_multiple %add3A_644, 8 : i32
        %get3A_646 = arith.index_cast %multiple_of3A_640 : i32 to index
        %get3A_647 = tpu.vector_load %arg7[%get3A_646] {strides = array<i32>} : memref<17408xi32, #tpu.memory_space<vmem>>, vector<16xi32>,
        %get3A_648 = arith.index_cast %multiple_of3A_645 : i32 to index
        %get3A_649 = tpu.vector_load %arg7[%get3A_648] {strides = array<i32>} : memref<17408xi32, #tpu.memory_space<vmem>>, vector<16xi32>,
        %shift_left3A_650 = arith.constant 5 : i32
        %shift_left3A_651 = vector.broadcast %shift_left3A_650 : i32 to vector<16xi32>
        %shift_left3A_652 = arith.shli %get3A_647, %shift_left3A_651 : vector<16xi32>
        %add3A_653 = arith.addi %shift_left3A_652, %get3A_649 : vector<16xi32>
        %mul3A_654 = arith.constant 16 : i32
        %mul3A_655 = vector.broadcast %mul3A_654 : i32 to vector<16xi32>
        %mul3A_656 = arith.muli %add3A_653, %mul3A_655 : vector<16xi32>
        %add3A_657 = arith.addi %mul3A_656, %iota3A : vector<16xi32>
        %gather3A_658 = tpu.vector_load_idx %arg5[%add3A_657] : memref<11264xf32, #tpu.memory_space<vmem>>[vector<16xi32>], vector<16xf32>,
        %add3A_659 = arith.addf %get3A_635, %gather3A_658 : vector<16xf32>
        %add3A_660 = arith.constant 256 : i32
        %add3A_661 = arith.addi %mul3A_117, %add3A_660 : i32
        %add3A_662 = arith.constant 80 : i32
        %add3A_663 = arith.addi %add3A_661, %add3A_662 : i32
        %multiple_of3A_664 = tpu.assume_multiple %add3A_663, 8 : i32
        %add3A_665 = arith.constant 384 : i32
        %add3A_666 = arith.addi %mul3A_117, %add3A_665 : i32
        %add3A_667 = arith.constant 80 : i32
        %add3A_668 = arith.addi %add3A_666, %add3A_667 : i32
        %multiple_of3A_669 = tpu.assume_multiple %add3A_668, 8 : i32
        %get3A_670 = arith.index_cast %multiple_of3A_664 : i32 to index
        %get3A_671 = tpu.vector_load %arg7[%get3A_670] {strides = array<i32>} : memref<17408xi32, #tpu.memory_space<vmem>>, vector<16xi32>,
        %get3A_672 = arith.index_cast %multiple_of3A_669 : i32 to index
        %get3A_673 = tpu.vector_load %arg7[%get3A_672] {strides = array<i32>} : memref<17408xi32, #tpu.memory_space<vmem>>, vector<16xi32>,
        %shift_left3A_674 = arith.constant 5 : i32
        %shift_left3A_675 = vector.broadcast %shift_left3A_674 : i32 to vector<16xi32>
        %shift_left3A_676 = arith.shli %get3A_671, %shift_left3A_675 : vector<16xi32>
        %add3A_677 = arith.addi %shift_left3A_676, %get3A_673 : vector<16xi32>
        %mul3A_678 = arith.constant 16 : i32
        %mul3A_679 = vector.broadcast %mul3A_678 : i32 to vector<16xi32>
        %mul3A_680 = arith.muli %add3A_677, %mul3A_679 : vector<16xi32>
        %add3A_681 = arith.addi %mul3A_680, %iota3A : vector<16xi32>
        %gather3A_682 = tpu.vector_load_idx %arg5[%add3A_681] : memref<11264xf32, #tpu.memory_space<vmem>>[vector<16xi32>], vector<16xf32>,
        %add3A_683 = arith.addf %add3A_659, %gather3A_682 : vector<16xf32>
        %add3A_684 = arith.constant 512 : i32
        %add3A_685 = arith.addi %mul3A_117, %add3A_684 : i32
        %add3A_686 = arith.constant 80 : i32
        %add3A_687 = arith.addi %add3A_685, %add3A_686 : i32
        %multiple_of3A_688 = tpu.assume_multiple %add3A_687, 8 : i32
        %add3A_689 = arith.constant 640 : i32
        %add3A_690 = arith.addi %mul3A_117, %add3A_689 : i32
        %add3A_691 = arith.constant 80 : i32
        %add3A_692 = arith.addi %add3A_690, %add3A_691 : i32
        %multiple_of3A_693 = tpu.assume_multiple %add3A_692, 8 : i32
        %get3A_694 = arith.index_cast %multiple_of3A_688 : i32 to index
        %get3A_695 = tpu.vector_load %arg7[%get3A_694] {strides = array<i32>} : memref<17408xi32, #tpu.memory_space<vmem>>, vector<16xi32>,
        %get3A_696 = arith.index_cast %multiple_of3A_693 : i32 to index
        %get3A_697 = tpu.vector_load %arg7[%get3A_696] {strides = array<i32>} : memref<17408xi32, #tpu.memory_space<vmem>>, vector<16xi32>,
        %shift_left3A_698 = arith.constant 5 : i32
        %shift_left3A_699 = vector.broadcast %shift_left3A_698 : i32 to vector<16xi32>
        %shift_left3A_700 = arith.shli %get3A_695, %shift_left3A_699 : vector<16xi32>
        %add3A_701 = arith.addi %shift_left3A_700, %get3A_697 : vector<16xi32>
        %mul3A_702 = arith.constant 16 : i32
        %mul3A_703 = vector.broadcast %mul3A_702 : i32 to vector<16xi32>
        %mul3A_704 = arith.muli %add3A_701, %mul3A_703 : vector<16xi32>
        %add3A_705 = arith.addi %mul3A_704, %iota3A : vector<16xi32>
        %gather3A_706 = tpu.vector_load_idx %arg5[%add3A_705] : memref<11264xf32, #tpu.memory_space<vmem>>[vector<16xi32>], vector<16xf32>,
        %add3A_707 = arith.addf %add3A_683, %gather3A_706 : vector<16xf32>
        %add3A_708 = arith.constant 768 : i32
        %add3A_709 = arith.addi %mul3A_117, %add3A_708 : i32
        %add3A_710 = arith.constant 80 : i32
        %add3A_711 = arith.addi %add3A_709, %add3A_710 : i32
        %multiple_of3A_712 = tpu.assume_multiple %add3A_711, 8 : i32
        %add3A_713 = arith.constant 896 : i32
        %add3A_714 = arith.addi %mul3A_117, %add3A_713 : i32
        %add3A_715 = arith.constant 80 : i32
        %add3A_716 = arith.addi %add3A_714, %add3A_715 : i32
        %multiple_of3A_717 = tpu.assume_multiple %add3A_716, 8 : i32
        %get3A_718 = arith.index_cast %multiple_of3A_712 : i32 to index
        %get3A_719 = tpu.vector_load %arg7[%get3A_718] {strides = array<i32>} : memref<17408xi32, #tpu.memory_space<vmem>>, vector<16xi32>,
        %get3A_720 = arith.index_cast %multiple_of3A_717 : i32 to index
        %get3A_721 = tpu.vector_load %arg7[%get3A_720] {strides = array<i32>} : memref<17408xi32, #tpu.memory_space<vmem>>, vector<16xi32>,
        %shift_left3A_722 = arith.constant 5 : i32
        %shift_left3A_723 = vector.broadcast %shift_left3A_722 : i32 to vector<16xi32>
        %shift_left3A_724 = arith.shli %get3A_719, %shift_left3A_723 : vector<16xi32>
        %add3A_725 = arith.addi %shift_left3A_724, %get3A_721 : vector<16xi32>
        %mul3A_726 = arith.constant 16 : i32
        %mul3A_727 = vector.broadcast %mul3A_726 : i32 to vector<16xi32>
        %mul3A_728 = arith.muli %add3A_725, %mul3A_727 : vector<16xi32>
        %add3A_729 = arith.addi %mul3A_728, %iota3A : vector<16xi32>
        %gather3A_730 = tpu.vector_load_idx %arg5[%add3A_729] : memref<11264xf32, #tpu.memory_space<vmem>>[vector<16xi32>], vector<16xf32>,
        %add3A_731 = arith.addf %add3A_707, %gather3A_730 : vector<16xf32>
        %swap3A_732 = arith.index_cast %multiple_of3A_633 : i32 to index
        %swap3A_733 = tpu.vector_load %arg8[%swap3A_732] {strides = array<i32>} : memref<2176xf32, #tpu.memory_space<vmem>>, vector<16xf32>,
        tpu.vector_store %arg8[%swap3A_732], %add3A_731 {strides = array<i32>} : memref<2176xf32, #tpu.memory_space<vmem>>, vector<16xf32>,
        %add3A_734 = arith.constant 96 : i32
        %add3A_735 = arith.addi %mul3A_119, %add3A_734 : i32
        %multiple_of3A_736 = tpu.assume_multiple %add3A_735, 8 : i32
        %get3A_737 = arith.index_cast %multiple_of3A_736 : i32 to index
        %get3A_738 = tpu.vector_load %arg8[%get3A_737] {strides = array<i32>} : memref<2176xf32, #tpu.memory_space<vmem>>, vector<16xf32>,
        %add3A_739 = arith.constant 0 : i32
        %add3A_740 = arith.addi %mul3A_117, %add3A_739 : i32
        %add3A_741 = arith.constant 96 : i32
        %add3A_742 = arith.addi %add3A_740, %add3A_741 : i32
        %multiple_of3A_743 = tpu.assume_multiple %add3A_742, 8 : i32
        %add3A_744 = arith.constant 128 : i32
        %add3A_745 = arith.addi %mul3A_117, %add3A_744 : i32
        %add3A_746 = arith.constant 96 : i32
        %add3A_747 = arith.addi %add3A_745, %add3A_746 : i32
        %multiple_of3A_748 = tpu.assume_multiple %add3A_747, 8 : i32
        %get3A_749 = arith.index_cast %multiple_of3A_743 : i32 to index
        %get3A_750 = tpu.vector_load %arg7[%get3A_749] {strides = array<i32>} : memref<17408xi32, #tpu.memory_space<vmem>>, vector<16xi32>,
        %get3A_751 = arith.index_cast %multiple_of3A_748 : i32 to index
        %get3A_752 = tpu.vector_load %arg7[%get3A_751] {strides = array<i32>} : memref<17408xi32, #tpu.memory_space<vmem>>, vector<16xi32>,
        %shift_left3A_753 = arith.constant 5 : i32
        %shift_left3A_754 = vector.broadcast %shift_left3A_753 : i32 to vector<16xi32>
        %shift_left3A_755 = arith.shli %get3A_750, %shift_left3A_754 : vector<16xi32>
        %add3A_756 = arith.addi %shift_left3A_755, %get3A_752 : vector<16xi32>
        %mul3A_757 = arith.constant 16 : i32
        %mul3A_758 = vector.broadcast %mul3A_757 : i32 to vector<16xi32>
        %mul3A_759 = arith.muli %add3A_756, %mul3A_758 : vector<16xi32>
        %add3A_760 = arith.addi %mul3A_759, %iota3A : vector<16xi32>
        %gather3A_761 = tpu.vector_load_idx %arg5[%add3A_760] : memref<11264xf32, #tpu.memory_space<vmem>>[vector<16xi32>], vector<16xf32>,
        %add3A_762 = arith.addf %get3A_738, %gather3A_761 : vector<16xf32>
        %add3A_763 = arith.constant 256 : i32
        %add3A_764 = arith.addi %mul3A_117, %add3A_763 : i32
        %add3A_765 = arith.constant 96 : i32
        %add3A_766 = arith.addi %add3A_764, %add3A_765 : i32
        %multiple_of3A_767 = tpu.assume_multiple %add3A_766, 8 : i32
        %add3A_768 = arith.constant 384 : i32
        %add3A_769 = arith.addi %mul3A_117, %add3A_768 : i32
        %add3A_770 = arith.constant 96 : i32
        %add3A_771 = arith.addi %add3A_769, %add3A_770 : i32
        %multiple_of3A_772 = tpu.assume_multiple %add3A_771, 8 : i32
        %get3A_773 = arith.index_cast %multiple_of3A_767 : i32 to index
        %get3A_774 = tpu.vector_load %arg7[%get3A_773] {strides = array<i32>} : memref<17408xi32, #tpu.memory_space<vmem>>, vector<16xi32>,
        %get3A_775 = arith.index_cast %multiple_of3A_772 : i32 to index
        %get3A_776 = tpu.vector_load %arg7[%get3A_775] {strides = array<i32>} : memref<17408xi32, #tpu.memory_space<vmem>>, vector<16xi32>,
        %shift_left3A_777 = arith.constant 5 : i32
        %shift_left3A_778 = vector.broadcast %shift_left3A_777 : i32 to vector<16xi32>
        %shift_left3A_779 = arith.shli %get3A_774, %shift_left3A_778 : vector<16xi32>
        %add3A_780 = arith.addi %shift_left3A_779, %get3A_776 : vector<16xi32>
        %mul3A_781 = arith.constant 16 : i32
        %mul3A_782 = vector.broadcast %mul3A_781 : i32 to vector<16xi32>
        %mul3A_783 = arith.muli %add3A_780, %mul3A_782 : vector<16xi32>
        %add3A_784 = arith.addi %mul3A_783, %iota3A : vector<16xi32>
        %gather3A_785 = tpu.vector_load_idx %arg5[%add3A_784] : memref<11264xf32, #tpu.memory_space<vmem>>[vector<16xi32>], vector<16xf32>,
        %add3A_786 = arith.addf %add3A_762, %gather3A_785 : vector<16xf32>
        %add3A_787 = arith.constant 512 : i32
        %add3A_788 = arith.addi %mul3A_117, %add3A_787 : i32
        %add3A_789 = arith.constant 96 : i32
        %add3A_790 = arith.addi %add3A_788, %add3A_789 : i32
        %multiple_of3A_791 = tpu.assume_multiple %add3A_790, 8 : i32
        %add3A_792 = arith.constant 640 : i32
        %add3A_793 = arith.addi %mul3A_117, %add3A_792 : i32
        %add3A_794 = arith.constant 96 : i32
        %add3A_795 = arith.addi %add3A_793, %add3A_794 : i32
        %multiple_of3A_796 = tpu.assume_multiple %add3A_795, 8 : i32
        %get3A_797 = arith.index_cast %multiple_of3A_791 : i32 to index
        %get3A_798 = tpu.vector_load %arg7[%get3A_797] {strides = array<i32>} : memref<17408xi32, #tpu.memory_space<vmem>>, vector<16xi32>,
        %get3A_799 = arith.index_cast %multiple_of3A_796 : i32 to index
        %get3A_800 = tpu.vector_load %arg7[%get3A_799] {strides = array<i32>} : memref<17408xi32, #tpu.memory_space<vmem>>, vector<16xi32>,
        %shift_left3A_801 = arith.constant 5 : i32
        %shift_left3A_802 = vector.broadcast %shift_left3A_801 : i32 to vector<16xi32>
        %shift_left3A_803 = arith.shli %get3A_798, %shift_left3A_802 : vector<16xi32>
        %add3A_804 = arith.addi %shift_left3A_803, %get3A_800 : vector<16xi32>
        %mul3A_805 = arith.constant 16 : i32
        %mul3A_806 = vector.broadcast %mul3A_805 : i32 to vector<16xi32>
        %mul3A_807 = arith.muli %add3A_804, %mul3A_806 : vector<16xi32>
        %add3A_808 = arith.addi %mul3A_807, %iota3A : vector<16xi32>
        %gather3A_809 = tpu.vector_load_idx %arg5[%add3A_808] : memref<11264xf32, #tpu.memory_space<vmem>>[vector<16xi32>], vector<16xf32>,
        %add3A_810 = arith.addf %add3A_786, %gather3A_809 : vector<16xf32>
        %add3A_811 = arith.constant 768 : i32
        %add3A_812 = arith.addi %mul3A_117, %add3A_811 : i32
        %add3A_813 = arith.constant 96 : i32
        %add3A_814 = arith.addi %add3A_812, %add3A_813 : i32
        %multiple_of3A_815 = tpu.assume_multiple %add3A_814, 8 : i32
        %add3A_816 = arith.constant 896 : i32
        %add3A_817 = arith.addi %mul3A_117, %add3A_816 : i32
        %add3A_818 = arith.constant 96 : i32
        %add3A_819 = arith.addi %add3A_817, %add3A_818 : i32
        %multiple_of3A_820 = tpu.assume_multiple %add3A_819, 8 : i32
        %get3A_821 = arith.index_cast %multiple_of3A_815 : i32 to index
        %get3A_822 = tpu.vector_load %arg7[%get3A_821] {strides = array<i32>} : memref<17408xi32, #tpu.memory_space<vmem>>, vector<16xi32>,
        %get3A_823 = arith.index_cast %multiple_of3A_820 : i32 to index
        %get3A_824 = tpu.vector_load %arg7[%get3A_823] {strides = array<i32>} : memref<17408xi32, #tpu.memory_space<vmem>>, vector<16xi32>,
        %shift_left3A_825 = arith.constant 5 : i32
        %shift_left3A_826 = vector.broadcast %shift_left3A_825 : i32 to vector<16xi32>
        %shift_left3A_827 = arith.shli %get3A_822, %shift_left3A_826 : vector<16xi32>
        %add3A_828 = arith.addi %shift_left3A_827, %get3A_824 : vector<16xi32>
        %mul3A_829 = arith.constant 16 : i32
        %mul3A_830 = vector.broadcast %mul3A_829 : i32 to vector<16xi32>
        %mul3A_831 = arith.muli %add3A_828, %mul3A_830 : vector<16xi32>
        %add3A_832 = arith.addi %mul3A_831, %iota3A : vector<16xi32>
        %gather3A_833 = tpu.vector_load_idx %arg5[%add3A_832] : memref<11264xf32, #tpu.memory_space<vmem>>[vector<16xi32>], vector<16xf32>,
        %add3A_834 = arith.addf %add3A_810, %gather3A_833 : vector<16xf32>
        %swap3A_835 = arith.index_cast %multiple_of3A_736 : i32 to index
        %swap3A_836 = tpu.vector_load %arg8[%swap3A_835] {strides = array<i32>} : memref<2176xf32, #tpu.memory_space<vmem>>, vector<16xf32>,
        tpu.vector_store %arg8[%swap3A_835], %add3A_834 {strides = array<i32>} : memref<2176xf32, #tpu.memory_space<vmem>>, vector<16xf32>,
        %add3A_837 = arith.constant 112 : i32
        %add3A_838 = arith.addi %mul3A_119, %add3A_837 : i32
        %multiple_of3A_839 = tpu.assume_multiple %add3A_838, 8 : i32
        %get3A_840 = arith.index_cast %multiple_of3A_839 : i32 to index
        %get3A_841 = tpu.vector_load %arg8[%get3A_840] {strides = array<i32>} : memref<2176xf32, #tpu.memory_space<vmem>>, vector<16xf32>,
        %add3A_842 = arith.constant 0 : i32
        %add3A_843 = arith.addi %mul3A_117, %add3A_842 : i32
        %add3A_844 = arith.constant 112 : i32
        %add3A_845 = arith.addi %add3A_843, %add3A_844 : i32
        %multiple_of3A_846 = tpu.assume_multiple %add3A_845, 8 : i32
        %add3A_847 = arith.constant 128 : i32
        %add3A_848 = arith.addi %mul3A_117, %add3A_847 : i32
        %add3A_849 = arith.constant 112 : i32
        %add3A_850 = arith.addi %add3A_848, %add3A_849 : i32
        %multiple_of3A_851 = tpu.assume_multiple %add3A_850, 8 : i32
        %get3A_852 = arith.index_cast %multiple_of3A_846 : i32 to index
        %get3A_853 = tpu.vector_load %arg7[%get3A_852] {strides = array<i32>} : memref<17408xi32, #tpu.memory_space<vmem>>, vector<16xi32>,
        %get3A_854 = arith.index_cast %multiple_of3A_851 : i32 to index
        %get3A_855 = tpu.vector_load %arg7[%get3A_854] {strides = array<i32>} : memref<17408xi32, #tpu.memory_space<vmem>>, vector<16xi32>,
        %shift_left3A_856 = arith.constant 5 : i32
        %shift_left3A_857 = vector.broadcast %shift_left3A_856 : i32 to vector<16xi32>
        %shift_left3A_858 = arith.shli %get3A_853, %shift_left3A_857 : vector<16xi32>
        %add3A_859 = arith.addi %shift_left3A_858, %get3A_855 : vector<16xi32>
        %mul3A_860 = arith.constant 16 : i32
        %mul3A_861 = vector.broadcast %mul3A_860 : i32 to vector<16xi32>
        %mul3A_862 = arith.muli %add3A_859, %mul3A_861 : vector<16xi32>
        %add3A_863 = arith.addi %mul3A_862, %iota3A : vector<16xi32>
        %gather3A_864 = tpu.vector_load_idx %arg5[%add3A_863] : memref<11264xf32, #tpu.memory_space<vmem>>[vector<16xi32>], vector<16xf32>,
        %add3A_865 = arith.addf %get3A_841, %gather3A_864 : vector<16xf32>
        %add3A_866 = arith.constant 256 : i32
        %add3A_867 = arith.addi %mul3A_117, %add3A_866 : i32
        %add3A_868 = arith.constant 112 : i32
        %add3A_869 = arith.addi %add3A_867, %add3A_868 : i32
        %multiple_of3A_870 = tpu.assume_multiple %add3A_869, 8 : i32
        %add3A_871 = arith.constant 384 : i32
        %add3A_872 = arith.addi %mul3A_117, %add3A_871 : i32
        %add3A_873 = arith.constant 112 : i32
        %add3A_874 = arith.addi %add3A_872, %add3A_873 : i32
        %multiple_of3A_875 = tpu.assume_multiple %add3A_874, 8 : i32
        %get3A_876 = arith.index_cast %multiple_of3A_870 : i32 to index
        %get3A_877 = tpu.vector_load %arg7[%get3A_876] {strides = array<i32>} : memref<17408xi32, #tpu.memory_space<vmem>>, vector<16xi32>,
        %get3A_878 = arith.index_cast %multiple_of3A_875 : i32 to index
        %get3A_879 = tpu.vector_load %arg7[%get3A_878] {strides = array<i32>} : memref<17408xi32, #tpu.memory_space<vmem>>, vector<16xi32>,
        %shift_left3A_880 = arith.constant 5 : i32
        %shift_left3A_881 = vector.broadcast %shift_left3A_880 : i32 to vector<16xi32>
        %shift_left3A_882 = arith.shli %get3A_877, %shift_left3A_881 : vector<16xi32>
        %add3A_883 = arith.addi %shift_left3A_882, %get3A_879 : vector<16xi32>
        %mul3A_884 = arith.constant 16 : i32
        %mul3A_885 = vector.broadcast %mul3A_884 : i32 to vector<16xi32>
        %mul3A_886 = arith.muli %add3A_883, %mul3A_885 : vector<16xi32>
        %add3A_887 = arith.addi %mul3A_886, %iota3A : vector<16xi32>
        %gather3A_888 = tpu.vector_load_idx %arg5[%add3A_887] : memref<11264xf32, #tpu.memory_space<vmem>>[vector<16xi32>], vector<16xf32>,
        %add3A_889 = arith.addf %add3A_865, %gather3A_888 : vector<16xf32>
        %add3A_890 = arith.constant 512 : i32
        %add3A_891 = arith.addi %mul3A_117, %add3A_890 : i32
        %add3A_892 = arith.constant 112 : i32
        %add3A_893 = arith.addi %add3A_891, %add3A_892 : i32
        %multiple_of3A_894 = tpu.assume_multiple %add3A_893, 8 : i32
        %add3A_895 = arith.constant 640 : i32
        %add3A_896 = arith.addi %mul3A_117, %add3A_895 : i32
        %add3A_897 = arith.constant 112 : i32
        %add3A_898 = arith.addi %add3A_896, %add3A_897 : i32
        %multiple_of3A_899 = tpu.assume_multiple %add3A_898, 8 : i32
        %get3A_900 = arith.index_cast %multiple_of3A_894 : i32 to index
        %get3A_901 = tpu.vector_load %arg7[%get3A_900] {strides = array<i32>} : memref<17408xi32, #tpu.memory_space<vmem>>, vector<16xi32>,
        %get3A_902 = arith.index_cast %multiple_of3A_899 : i32 to index
        %get3A_903 = tpu.vector_load %arg7[%get3A_902] {strides = array<i32>} : memref<17408xi32, #tpu.memory_space<vmem>>, vector<16xi32>,
        %shift_left3A_904 = arith.constant 5 : i32
        %shift_left3A_905 = vector.broadcast %shift_left3A_904 : i32 to vector<16xi32>
        %shift_left3A_906 = arith.shli %get3A_901, %shift_left3A_905 : vector<16xi32>
        %add3A_907 = arith.addi %shift_left3A_906, %get3A_903 : vector<16xi32>
        %mul3A_908 = arith.constant 16 : i32
        %mul3A_909 = vector.broadcast %mul3A_908 : i32 to vector<16xi32>
        %mul3A_910 = arith.muli %add3A_907, %mul3A_909 : vector<16xi32>
        %add3A_911 = arith.addi %mul3A_910, %iota3A : vector<16xi32>
        %gather3A_912 = tpu.vector_load_idx %arg5[%add3A_911] : memref<11264xf32, #tpu.memory_space<vmem>>[vector<16xi32>], vector<16xf32>,
        %add3A_913 = arith.addf %add3A_889, %gather3A_912 : vector<16xf32>
        %add3A_914 = arith.constant 768 : i32
        %add3A_915 = arith.addi %mul3A_117, %add3A_914 : i32
        %add3A_916 = arith.constant 112 : i32
        %add3A_917 = arith.addi %add3A_915, %add3A_916 : i32
        %multiple_of3A_918 = tpu.assume_multiple %add3A_917, 8 : i32
        %add3A_919 = arith.constant 896 : i32
        %add3A_920 = arith.addi %mul3A_117, %add3A_919 : i32
        %add3A_921 = arith.constant 112 : i32
        %add3A_922 = arith.addi %add3A_920, %add3A_921 : i32
        %multiple_of3A_923 = tpu.assume_multiple %add3A_922, 8 : i32
        %get3A_924 = arith.index_cast %multiple_of3A_918 : i32 to index
        %get3A_925 = tpu.vector_load %arg7[%get3A_924] {strides = array<i32>} : memref<17408xi32, #tpu.memory_space<vmem>>, vector<16xi32>,
        %get3A_926 = arith.index_cast %multiple_of3A_923 : i32 to index
        %get3A_927 = tpu.vector_load %arg7[%get3A_926] {strides = array<i32>} : memref<17408xi32, #tpu.memory_space<vmem>>, vector<16xi32>,
        %shift_left3A_928 = arith.constant 5 : i32
        %shift_left3A_929 = vector.broadcast %shift_left3A_928 : i32 to vector<16xi32>
        %shift_left3A_930 = arith.shli %get3A_925, %shift_left3A_929 : vector<16xi32>
        %add3A_931 = arith.addi %shift_left3A_930, %get3A_927 : vector<16xi32>
        %mul3A_932 = arith.constant 16 : i32
        %mul3A_933 = vector.broadcast %mul3A_932 : i32 to vector<16xi32>
        %mul3A_934 = arith.muli %add3A_931, %mul3A_933 : vector<16xi32>
        %add3A_935 = arith.addi %mul3A_934, %iota3A : vector<16xi32>
        %gather3A_936 = tpu.vector_load_idx %arg5[%add3A_935] : memref<11264xf32, #tpu.memory_space<vmem>>[vector<16xi32>], vector<16xf32>,
        %add3A_937 = arith.addf %add3A_913, %gather3A_936 : vector<16xf32>
        %swap3A_938 = arith.index_cast %multiple_of3A_839 : i32 to index
        %swap3A_939 = tpu.vector_load %arg8[%swap3A_938] {strides = array<i32>} : memref<2176xf32, #tpu.memory_space<vmem>>, vector<16xf32>,
        tpu.vector_store %arg8[%swap3A_938], %add3A_937 {strides = array<i32>} : memref<2176xf32, #tpu.memory_space<vmem>>, vector<16xf32>,
      }
      %scan3A_109 = arith.constant 17 : i32
      %lt3A_110 = arith.constant 11 : i32
      %lt3A_111 = arith.cmpi slt, %scan3A_84, %lt3A_110 : i32
      %convert_element_type3A_112 = arith.extui %lt3A_111 : i1 to i32
      %cond3A_113 = arith.constant 0 : i32
      %cond3A_114 = arith.cmpi ne, %convert_element_type3A_112, %cond3A_113 : i32
      scf.if %cond3A_114 {
        %add3A_115 = arith.constant 3 : i32
        %add3A_116 = arith.addi %mul3A_86, %add3A_115 : i32
        %mul3A_117 = arith.constant 25 : i32
        %mul3A_118 = arith.muli %select_n3A, %mul3A_117 : i32
        %add3A_119 = arith.addi %mul3A_118, %add3A_116 : i32
        %mul3A_120 = arith.constant 128 : i32
        %mul3A_121 = arith.muli %add3A_119, %mul3A_120 : i32
        %add3A_122 = arith.addi %mul3A_121, %mul3A_32 : i32
        %mul3A_123 = arith.constant 1024 : i32
        %mul3A_124 = arith.muli %add3A_122, %mul3A_123 : i32
        %multiple_of3A_125 = tpu.assume_multiple %mul3A_124, 8 : i32
        %dma_start3A_126 = tpu.memref_slice %arg3[%multiple_of3A_125] : memref<26214400xi32, #tpu.memory_space<hbm>> -> memref<17408xi32, #tpu.memory_space<hbm>>
        %dma_start3A_127 = tpu.memref_slice %arg3[%multiple_of3A_125] : memref<26214400xi32, #tpu.memory_space<hbm>> -> memref<17408xi32, #tpu.memory_space<hbm>>
        tpu.enqueue_dma source(%dma_start3A_127 : memref<17408xi32, #tpu.memory_space<hbm>>) target(%arg7 : memref<17408xi32, #tpu.memory_space<vmem>>) target_semaphore(%arg10 : memref<!tpu.dma_semaphore, #tpu.memory_space<semaphore_mem>>)
      } else {
      }
    }
    %scan3A_66 = arith.constant 12 : i32
    %dma_wait3A = arith.constant 0 : i32
    %dma_wait3A_67 = tpu.memref_slice %arg3[%dma_wait3A] : memref<26214400xi32, #tpu.memory_space<hbm>> -> memref<17408xi32, #tpu.memory_space<hbm>>
    %dma_wait3A_68 = arith.constant 0 : i32
    %dma_wait3A_69 = tpu.memref_slice %arg3[%dma_wait3A_68] : memref<26214400xi32, #tpu.memory_space<hbm>> -> memref<17408xi32, #tpu.memory_space<hbm>>
    tpu.wait_dma2 semaphore(%arg9 : memref<!tpu.dma_semaphore, #tpu.memory_space<semaphore_mem>>) src(%dma_wait3A_69 : memref<17408xi32, #tpu.memory_space<hbm>>) dst(%arg6 : memref<17408xi32, #tpu.memory_space<vmem>>)
    %scan3A_70 = arith.constant 0 : i32
    %scan3A_71 = arith.constant 0 : i32
    %scan3A_72 = arith.constant 17 : i32
    %scan3A_73 = arith.addi %scan3A_71, %scan3A_72 : i32
    %scan3A_74 = arith.constant 1 : i32
    scf.for %scan3A_84 = %scan3A_71 to %scan3A_73 step %scan3A_74  : i32 {
      %mul3A_85 = arith.constant 1024 : i32
      %mul3A_86 = arith.muli %scan3A_84, %mul3A_85 : i32
      %mul3A_87 = arith.constant 128 : i32
      %mul3A_88 = arith.muli %scan3A_84, %mul3A_87 : i32
      %add3A_89 = arith.constant 0 : i32
      %add3A_90 = arith.addi %mul3A_88, %add3A_89 : i32
      %multiple_of3A_91 = tpu.assume_multiple %add3A_90, 8 : i32
      %get3A = arith.index_cast %multiple_of3A_91 : i32 to index
      %get3A_92 = tpu.vector_load %arg8[%get3A] {strides = array<i32>} : memref<2176xf32, #tpu.memory_space<vmem>>, vector<16xf32>,
      %add3A_93 = arith.constant 0 : i32
      %add3A_94 = arith.addi %mul3A_86, %add3A_93 : i32
      %add3A_95 = arith.constant 0 : i32
      %add3A_96 = arith.addi %add3A_94, %add3A_95 : i32
      %multiple_of3A_97 = tpu.assume_multiple %add3A_96, 8 : i32
      %add3A_98 = arith.constant 128 : i32
      %add3A_99 = arith.addi %mul3A_86, %add3A_98 : i32
      %add3A_100 = arith.constant 0 : i32
      %add3A_101 = arith.addi %add3A_99, %add3A_100 : i32
      %multiple_of3A_102 = tpu.assume_multiple %add3A_101, 8 : i32
      %get3A_103 = arith.index_cast %multiple_of3A_97 : i32 to index
      %get3A_104 = tpu.vector_load %arg6[%get3A_103] {strides = array<i32>} : memref<17408xi32, #tpu.memory_space<vmem>>, vector<16xi32>,
      %get3A_105 = arith.index_cast %multiple_of3A_102 : i32 to index
      %get3A_106 = tpu.vector_load %arg6[%get3A_105] {strides = array<i32>} : memref<17408xi32, #tpu.memory_space<vmem>>, vector<16xi32>,
      %shift_left3A = arith.constant 5 : i32
      %shift_left3A_107 = vector.broadcast %shift_left3A : i32 to vector<16xi32>
      %shift_left3A_108 = arith.shli %get3A_104, %shift_left3A_107 : vector<16xi32>
      %add3A_109 = arith.addi %shift_left3A_108, %get3A_106 : vector<16xi32>
      %mul3A_110 = arith.constant 16 : i32
      %mul3A_111 = vector.broadcast %mul3A_110 : i32 to vector<16xi32>
      %mul3A_112 = arith.muli %add3A_109, %mul3A_111 : vector<16xi32>
      %add3A_113 = arith.addi %mul3A_112, %iota3A : vector<16xi32>
      %gather3A = tpu.vector_load_idx %arg5[%add3A_113] : memref<11264xf32, #tpu.memory_space<vmem>>[vector<16xi32>], vector<16xf32>,
      %add3A_114 = arith.addf %get3A_92, %gather3A : vector<16xf32>
      %add3A_115 = arith.constant 256 : i32
      %add3A_116 = arith.addi %mul3A_86, %add3A_115 : i32
      %add3A_117 = arith.constant 0 : i32
      %add3A_118 = arith.addi %add3A_116, %add3A_117 : i32
      %multiple_of3A_119 = tpu.assume_multiple %add3A_118, 8 : i32
      %add3A_120 = arith.constant 384 : i32
      %add3A_121 = arith.addi %mul3A_86, %add3A_120 : i32
      %add3A_122 = arith.constant 0 : i32
      %add3A_123 = arith.addi %add3A_121, %add3A_122 : i32
      %multiple_of3A_124 = tpu.assume_multiple %add3A_123, 8 : i32
      %get3A_125 = arith.index_cast %multiple_of3A_119 : i32 to index
      %get3A_126 = tpu.vector_load %arg6[%get3A_125] {strides = array<i32>} : memref<17408xi32, #tpu.memory_space<vmem>>, vector<16xi32>,
      %get3A_127 = arith.index_cast %multiple_of3A_124 : i32 to index
      %get3A_128 = tpu.vector_load %arg6[%get3A_127] {strides = array<i32>} : memref<17408xi32, #tpu.memory_space<vmem>>, vector<16xi32>,
      %shift_left3A_129 = arith.constant 5 : i32
      %shift_left3A_130 = vector.broadcast %shift_left3A_129 : i32 to vector<16xi32>
      %shift_left3A_131 = arith.shli %get3A_126, %shift_left3A_130 : vector<16xi32>
      %add3A_132 = arith.addi %shift_left3A_131, %get3A_128 : vector<16xi32>
      %mul3A_133 = arith.constant 16 : i32
      %mul3A_134 = vector.broadcast %mul3A_133 : i32 to vector<16xi32>
      %mul3A_135 = arith.muli %add3A_132, %mul3A_134 : vector<16xi32>
      %add3A_136 = arith.addi %mul3A_135, %iota3A : vector<16xi32>
      %gather3A_137 = tpu.vector_load_idx %arg5[%add3A_136] : memref<11264xf32, #tpu.memory_space<vmem>>[vector<16xi32>], vector<16xf32>,
      %add3A_138 = arith.addf %add3A_114, %gather3A_137 : vector<16xf32>
      %add3A_139 = arith.constant 512 : i32
      %add3A_140 = arith.addi %mul3A_86, %add3A_139 : i32
      %add3A_141 = arith.constant 0 : i32
      %add3A_142 = arith.addi %add3A_140, %add3A_141 : i32
      %multiple_of3A_143 = tpu.assume_multiple %add3A_142, 8 : i32
      %add3A_144 = arith.constant 640 : i32
      %add3A_145 = arith.addi %mul3A_86, %add3A_144 : i32
      %add3A_146 = arith.constant 0 : i32
      %add3A_147 = arith.addi %add3A_145, %add3A_146 : i32
      %multiple_of3A_148 = tpu.assume_multiple %add3A_147, 8 : i32
      %get3A_149 = arith.index_cast %multiple_of3A_143 : i32 to index
      %get3A_150 = tpu.vector_load %arg6[%get3A_149] {strides = array<i32>} : memref<17408xi32, #tpu.memory_space<vmem>>, vector<16xi32>,
      %get3A_151 = arith.index_cast %multiple_of3A_148 : i32 to index
      %get3A_152 = tpu.vector_load %arg6[%get3A_151] {strides = array<i32>} : memref<17408xi32, #tpu.memory_space<vmem>>, vector<16xi32>,
      %shift_left3A_153 = arith.constant 5 : i32
      %shift_left3A_154 = vector.broadcast %shift_left3A_153 : i32 to vector<16xi32>
      %shift_left3A_155 = arith.shli %get3A_150, %shift_left3A_154 : vector<16xi32>
      %add3A_156 = arith.addi %shift_left3A_155, %get3A_152 : vector<16xi32>
      %mul3A_157 = arith.constant 16 : i32
      %mul3A_158 = vector.broadcast %mul3A_157 : i32 to vector<16xi32>
      %mul3A_159 = arith.muli %add3A_156, %mul3A_158 : vector<16xi32>
      %add3A_160 = arith.addi %mul3A_159, %iota3A : vector<16xi32>
      %gather3A_161 = tpu.vector_load_idx %arg5[%add3A_160] : memref<11264xf32, #tpu.memory_space<vmem>>[vector<16xi32>], vector<16xf32>,
      %add3A_162 = arith.addf %add3A_138, %gather3A_161 : vector<16xf32>
      %add3A_163 = arith.constant 768 : i32
      %add3A_164 = arith.addi %mul3A_86, %add3A_163 : i32
      %add3A_165 = arith.constant 0 : i32
      %add3A_166 = arith.addi %add3A_164, %add3A_165 : i32
      %multiple_of3A_167 = tpu.assume_multiple %add3A_166, 8 : i32
      %add3A_168 = arith.constant 896 : i32
      %add3A_169 = arith.addi %mul3A_86, %add3A_168 : i32
      %add3A_170 = arith.constant 0 : i32
      %add3A_171 = arith.addi %add3A_169, %add3A_170 : i32
      %multiple_of3A_172 = tpu.assume_multiple %add3A_171, 8 : i32
      %get3A_173 = arith.index_cast %multiple_of3A_167 : i32 to index
      %get3A_174 = tpu.vector_load %arg6[%get3A_173] {strides = array<i32>} : memref<17408xi32, #tpu.memory_space<vmem>>, vector<16xi32>,
      %get3A_175 = arith.index_cast %multiple_of3A_172 : i32 to index
      %get3A_176 = tpu.vector_load %arg6[%get3A_175] {strides = array<i32>} : memref<17408xi32, #tpu.memory_space<vmem>>, vector<16xi32>,
      %shift_left3A_177 = arith.constant 5 : i32
      %shift_left3A_178 = vector.broadcast %shift_left3A_177 : i32 to vector<16xi32>
      %shift_left3A_179 = arith.shli %get3A_174, %shift_left3A_178 : vector<16xi32>
      %add3A_180 = arith.addi %shift_left3A_179, %get3A_176 : vector<16xi32>
      %mul3A_181 = arith.constant 16 : i32
      %mul3A_182 = vector.broadcast %mul3A_181 : i32 to vector<16xi32>
      %mul3A_183 = arith.muli %add3A_180, %mul3A_182 : vector<16xi32>
      %add3A_184 = arith.addi %mul3A_183, %iota3A : vector<16xi32>
      %gather3A_185 = tpu.vector_load_idx %arg5[%add3A_184] : memref<11264xf32, #tpu.memory_space<vmem>>[vector<16xi32>], vector<16xf32>,
      %add3A_186 = arith.addf %add3A_162, %gather3A_185 : vector<16xf32>
      %swap3A = arith.index_cast %multiple_of3A_91 : i32 to index
      %swap3A_187 = tpu.vector_load %arg8[%swap3A] {strides = array<i32>} : memref<2176xf32, #tpu.memory_space<vmem>>, vector<16xf32>,
      tpu.vector_store %arg8[%swap3A], %add3A_186 {strides = array<i32>} : memref<2176xf32, #tpu.memory_space<vmem>>, vector<16xf32>,
      %add3A_188 = arith.constant 16 : i32
      %add3A_189 = arith.addi %mul3A_88, %add3A_188 : i32
      %multiple_of3A_190 = tpu.assume_multiple %add3A_189, 8 : i32
      %get3A_191 = arith.index_cast %multiple_of3A_190 : i32 to index
      %get3A_192 = tpu.vector_load %arg8[%get3A_191] {strides = array<i32>} : memref<2176xf32, #tpu.memory_space<vmem>>, vector<16xf32>,
      %add3A_193 = arith.constant 0 : i32
      %add3A_194 = arith.addi %mul3A_86, %add3A_193 : i32
      %add3A_195 = arith.constant 16 : i32
      %add3A_196 = arith.addi %add3A_194, %add3A_195 : i32
      %multiple_of3A_197 = tpu.assume_multiple %add3A_196, 8 : i32
      %add3A_198 = arith.constant 128 : i32
      %add3A_199 = arith.addi %mul3A_86, %add3A_198 : i32
      %add3A_200 = arith.constant 16 : i32
      %add3A_201 = arith.addi %add3A_199, %add3A_200 : i32
      %multiple_of3A_202 = tpu.assume_multiple %add3A_201, 8 : i32
      %get3A_203 = arith.index_cast %multiple_of3A_197 : i32 to index
      %get3A_204 = tpu.vector_load %arg6[%get3A_203] {strides = array<i32>} : memref<17408xi32, #tpu.memory_space<vmem>>, vector<16xi32>,
      %get3A_205 = arith.index_cast %multiple_of3A_202 : i32 to index
      %get3A_206 = tpu.vector_load %arg6[%get3A_205] {strides = array<i32>} : memref<17408xi32, #tpu.memory_space<vmem>>, vector<16xi32>,
      %shift_left3A_207 = arith.constant 5 : i32
      %shift_left3A_208 = vector.broadcast %shift_left3A_207 : i32 to vector<16xi32>
      %shift_left3A_209 = arith.shli %get3A_204, %shift_left3A_208 : vector<16xi32>
      %add3A_210 = arith.addi %shift_left3A_209, %get3A_206 : vector<16xi32>
      %mul3A_211 = arith.constant 16 : i32
      %mul3A_212 = vector.broadcast %mul3A_211 : i32 to vector<16xi32>
      %mul3A_213 = arith.muli %add3A_210, %mul3A_212 : vector<16xi32>
      %add3A_214 = arith.addi %mul3A_213, %iota3A : vector<16xi32>
      %gather3A_215 = tpu.vector_load_idx %arg5[%add3A_214] : memref<11264xf32, #tpu.memory_space<vmem>>[vector<16xi32>], vector<16xf32>,
      %add3A_216 = arith.addf %get3A_192, %gather3A_215 : vector<16xf32>
      %add3A_217 = arith.constant 256 : i32
      %add3A_218 = arith.addi %mul3A_86, %add3A_217 : i32
      %add3A_219 = arith.constant 16 : i32
      %add3A_220 = arith.addi %add3A_218, %add3A_219 : i32
      %multiple_of3A_221 = tpu.assume_multiple %add3A_220, 8 : i32
      %add3A_222 = arith.constant 384 : i32
      %add3A_223 = arith.addi %mul3A_86, %add3A_222 : i32
      %add3A_224 = arith.constant 16 : i32
      %add3A_225 = arith.addi %add3A_223, %add3A_224 : i32
      %multiple_of3A_226 = tpu.assume_multiple %add3A_225, 8 : i32
      %get3A_227 = arith.index_cast %multiple_of3A_221 : i32 to index
      %get3A_228 = tpu.vector_load %arg6[%get3A_227] {strides = array<i32>} : memref<17408xi32, #tpu.memory_space<vmem>>, vector<16xi32>,
      %get3A_229 = arith.index_cast %multiple_of3A_226 : i32 to index
      %get3A_230 = tpu.vector_load %arg6[%get3A_229] {strides = array<i32>} : memref<17408xi32, #tpu.memory_space<vmem>>, vector<16xi32>,
      %shift_left3A_231 = arith.constant 5 : i32
      %shift_left3A_232 = vector.broadcast %shift_left3A_231 : i32 to vector<16xi32>
      %shift_left3A_233 = arith.shli %get3A_228, %shift_left3A_232 : vector<16xi32>
      %add3A_234 = arith.addi %shift_left3A_233, %get3A_230 : vector<16xi32>
      %mul3A_235 = arith.constant 16 : i32
      %mul3A_236 = vector.broadcast %mul3A_235 : i32 to vector<16xi32>
      %mul3A_237 = arith.muli %add3A_234, %mul3A_236 : vector<16xi32>
      %add3A_238 = arith.addi %mul3A_237, %iota3A : vector<16xi32>
      %gather3A_239 = tpu.vector_load_idx %arg5[%add3A_238] : memref<11264xf32, #tpu.memory_space<vmem>>[vector<16xi32>], vector<16xf32>,
      %add3A_240 = arith.addf %add3A_216, %gather3A_239 : vector<16xf32>
      %add3A_241 = arith.constant 512 : i32
      %add3A_242 = arith.addi %mul3A_86, %add3A_241 : i32
      %add3A_243 = arith.constant 16 : i32
      %add3A_244 = arith.addi %add3A_242, %add3A_243 : i32
      %multiple_of3A_245 = tpu.assume_multiple %add3A_244, 8 : i32
      %add3A_246 = arith.constant 640 : i32
      %add3A_247 = arith.addi %mul3A_86, %add3A_246 : i32
      %add3A_248 = arith.constant 16 : i32
      %add3A_249 = arith.addi %add3A_247, %add3A_248 : i32
      %multiple_of3A_250 = tpu.assume_multiple %add3A_249, 8 : i32
      %get3A_251 = arith.index_cast %multiple_of3A_245 : i32 to index
      %get3A_252 = tpu.vector_load %arg6[%get3A_251] {strides = array<i32>} : memref<17408xi32, #tpu.memory_space<vmem>>, vector<16xi32>,
      %get3A_253 = arith.index_cast %multiple_of3A_250 : i32 to index
      %get3A_254 = tpu.vector_load %arg6[%get3A_253] {strides = array<i32>} : memref<17408xi32, #tpu.memory_space<vmem>>, vector<16xi32>,
      %shift_left3A_255 = arith.constant 5 : i32
      %shift_left3A_256 = vector.broadcast %shift_left3A_255 : i32 to vector<16xi32>
      %shift_left3A_257 = arith.shli %get3A_252, %shift_left3A_256 : vector<16xi32>
      %add3A_258 = arith.addi %shift_left3A_257, %get3A_254 : vector<16xi32>
      %mul3A_259 = arith.constant 16 : i32
      %mul3A_260 = vector.broadcast %mul3A_259 : i32 to vector<16xi32>
      %mul3A_261 = arith.muli %add3A_258, %mul3A_260 : vector<16xi32>
      %add3A_262 = arith.addi %mul3A_261, %iota3A : vector<16xi32>
      %gather3A_263 = tpu.vector_load_idx %arg5[%add3A_262] : memref<11264xf32, #tpu.memory_space<vmem>>[vector<16xi32>], vector<16xf32>,
      %add3A_264 = arith.addf %add3A_240, %gather3A_263 : vector<16xf32>
      %add3A_265 = arith.constant 768 : i32
      %add3A_266 = arith.addi %mul3A_86, %add3A_265 : i32
      %add3A_267 = arith.constant 16 : i32
      %add3A_268 = arith.addi %add3A_266, %add3A_267 : i32
      %multiple_of3A_269 = tpu.assume_multiple %add3A_268, 8 : i32
      %add3A_270 = arith.constant 896 : i32
      %add3A_271 = arith.addi %mul3A_86, %add3A_270 : i32
      %add3A_272 = arith.constant 16 : i32
      %add3A_273 = arith.addi %add3A_271, %add3A_272 : i32
      %multiple_of3A_274 = tpu.assume_multiple %add3A_273, 8 : i32
      %get3A_275 = arith.index_cast %multiple_of3A_269 : i32 to index
      %get3A_276 = tpu.vector_load %arg6[%get3A_275] {strides = array<i32>} : memref<17408xi32, #tpu.memory_space<vmem>>, vector<16xi32>,
      %get3A_277 = arith.index_cast %multiple_of3A_274 : i32 to index
      %get3A_278 = tpu.vector_load %arg6[%get3A_277] {strides = array<i32>} : memref<17408xi32, #tpu.memory_space<vmem>>, vector<16xi32>,
      %shift_left3A_279 = arith.constant 5 : i32
      %shift_left3A_280 = vector.broadcast %shift_left3A_279 : i32 to vector<16xi32>
      %shift_left3A_281 = arith.shli %get3A_276, %shift_left3A_280 : vector<16xi32>
      %add3A_282 = arith.addi %shift_left3A_281, %get3A_278 : vector<16xi32>
      %mul3A_283 = arith.constant 16 : i32
      %mul3A_284 = vector.broadcast %mul3A_283 : i32 to vector<16xi32>
      %mul3A_285 = arith.muli %add3A_282, %mul3A_284 : vector<16xi32>
      %add3A_286 = arith.addi %mul3A_285, %iota3A : vector<16xi32>
      %gather3A_287 = tpu.vector_load_idx %arg5[%add3A_286] : memref<11264xf32, #tpu.memory_space<vmem>>[vector<16xi32>], vector<16xf32>,
      %add3A_288 = arith.addf %add3A_264, %gather3A_287 : vector<16xf32>
      %swap3A_289 = arith.index_cast %multiple_of3A_190 : i32 to index
      %swap3A_290 = tpu.vector_load %arg8[%swap3A_289] {strides = array<i32>} : memref<2176xf32, #tpu.memory_space<vmem>>, vector<16xf32>,
      tpu.vector_store %arg8[%swap3A_289], %add3A_288 {strides = array<i32>} : memref<2176xf32, #tpu.memory_space<vmem>>, vector<16xf32>,
      %add3A_291 = arith.constant 32 : i32
      %add3A_292 = arith.addi %mul3A_88, %add3A_291 : i32
      %multiple_of3A_293 = tpu.assume_multiple %add3A_292, 8 : i32
      %get3A_294 = arith.index_cast %multiple_of3A_293 : i32 to index
      %get3A_295 = tpu.vector_load %arg8[%get3A_294] {strides = array<i32>} : memref<2176xf32, #tpu.memory_space<vmem>>, vector<16xf32>,
      %add3A_296 = arith.constant 0 : i32
      %add3A_297 = arith.addi %mul3A_86, %add3A_296 : i32
      %add3A_298 = arith.constant 32 : i32
      %add3A_299 = arith.addi %add3A_297, %add3A_298 : i32
      %multiple_of3A_300 = tpu.assume_multiple %add3A_299, 8 : i32
      %add3A_301 = arith.constant 128 : i32
      %add3A_302 = arith.addi %mul3A_86, %add3A_301 : i32
      %add3A_303 = arith.constant 32 : i32
      %add3A_304 = arith.addi %add3A_302, %add3A_303 : i32
      %multiple_of3A_305 = tpu.assume_multiple %add3A_304, 8 : i32
      %get3A_306 = arith.index_cast %multiple_of3A_300 : i32 to index
      %get3A_307 = tpu.vector_load %arg6[%get3A_306] {strides = array<i32>} : memref<17408xi32, #tpu.memory_space<vmem>>, vector<16xi32>,
      %get3A_308 = arith.index_cast %multiple_of3A_305 : i32 to index
      %get3A_309 = tpu.vector_load %arg6[%get3A_308] {strides = array<i32>} : memref<17408xi32, #tpu.memory_space<vmem>>, vector<16xi32>,
      %shift_left3A_310 = arith.constant 5 : i32
      %shift_left3A_311 = vector.broadcast %shift_left3A_310 : i32 to vector<16xi32>
      %shift_left3A_312 = arith.shli %get3A_307, %shift_left3A_311 : vector<16xi32>
      %add3A_313 = arith.addi %shift_left3A_312, %get3A_309 : vector<16xi32>
      %mul3A_314 = arith.constant 16 : i32
      %mul3A_315 = vector.broadcast %mul3A_314 : i32 to vector<16xi32>
      %mul3A_316 = arith.muli %add3A_313, %mul3A_315 : vector<16xi32>
      %add3A_317 = arith.addi %mul3A_316, %iota3A : vector<16xi32>
      %gather3A_318 = tpu.vector_load_idx %arg5[%add3A_317] : memref<11264xf32, #tpu.memory_space<vmem>>[vector<16xi32>], vector<16xf32>,
      %add3A_319 = arith.addf %get3A_295, %gather3A_318 : vector<16xf32>
      %add3A_320 = arith.constant 256 : i32
      %add3A_321 = arith.addi %mul3A_86, %add3A_320 : i32
      %add3A_322 = arith.constant 32 : i32
      %add3A_323 = arith.addi %add3A_321, %add3A_322 : i32
      %multiple_of3A_324 = tpu.assume_multiple %add3A_323, 8 : i32
      %add3A_325 = arith.constant 384 : i32
      %add3A_326 = arith.addi %mul3A_86, %add3A_325 : i32
      %add3A_327 = arith.constant 32 : i32
      %add3A_328 = arith.addi %add3A_326, %add3A_327 : i32
      %multiple_of3A_329 = tpu.assume_multiple %add3A_328, 8 : i32
      %get3A_330 = arith.index_cast %multiple_of3A_324 : i32 to index
      %get3A_331 = tpu.vector_load %arg6[%get3A_330] {strides = array<i32>} : memref<17408xi32, #tpu.memory_space<vmem>>, vector<16xi32>,
      %get3A_332 = arith.index_cast %multiple_of3A_329 : i32 to index
      %get3A_333 = tpu.vector_load %arg6[%get3A_332] {strides = array<i32>} : memref<17408xi32, #tpu.memory_space<vmem>>, vector<16xi32>,
      %shift_left3A_334 = arith.constant 5 : i32
      %shift_left3A_335 = vector.broadcast %shift_left3A_334 : i32 to vector<16xi32>
      %shift_left3A_336 = arith.shli %get3A_331, %shift_left3A_335 : vector<16xi32>
      %add3A_337 = arith.addi %shift_left3A_336, %get3A_333 : vector<16xi32>
      %mul3A_338 = arith.constant 16 : i32
      %mul3A_339 = vector.broadcast %mul3A_338 : i32 to vector<16xi32>
      %mul3A_340 = arith.muli %add3A_337, %mul3A_339 : vector<16xi32>
      %add3A_341 = arith.addi %mul3A_340, %iota3A : vector<16xi32>
      %gather3A_342 = tpu.vector_load_idx %arg5[%add3A_341] : memref<11264xf32, #tpu.memory_space<vmem>>[vector<16xi32>], vector<16xf32>,
      %add3A_343 = arith.addf %add3A_319, %gather3A_342 : vector<16xf32>
      %add3A_344 = arith.constant 512 : i32
      %add3A_345 = arith.addi %mul3A_86, %add3A_344 : i32
      %add3A_346 = arith.constant 32 : i32
      %add3A_347 = arith.addi %add3A_345, %add3A_346 : i32
      %multiple_of3A_348 = tpu.assume_multiple %add3A_347, 8 : i32
      %add3A_349 = arith.constant 640 : i32
      %add3A_350 = arith.addi %mul3A_86, %add3A_349 : i32
      %add3A_351 = arith.constant 32 : i32
      %add3A_352 = arith.addi %add3A_350, %add3A_351 : i32
      %multiple_of3A_353 = tpu.assume_multiple %add3A_352, 8 : i32
      %get3A_354 = arith.index_cast %multiple_of3A_348 : i32 to index
      %get3A_355 = tpu.vector_load %arg6[%get3A_354] {strides = array<i32>} : memref<17408xi32, #tpu.memory_space<vmem>>, vector<16xi32>,
      %get3A_356 = arith.index_cast %multiple_of3A_353 : i32 to index
      %get3A_357 = tpu.vector_load %arg6[%get3A_356] {strides = array<i32>} : memref<17408xi32, #tpu.memory_space<vmem>>, vector<16xi32>,
      %shift_left3A_358 = arith.constant 5 : i32
      %shift_left3A_359 = vector.broadcast %shift_left3A_358 : i32 to vector<16xi32>
      %shift_left3A_360 = arith.shli %get3A_355, %shift_left3A_359 : vector<16xi32>
      %add3A_361 = arith.addi %shift_left3A_360, %get3A_357 : vector<16xi32>
      %mul3A_362 = arith.constant 16 : i32
      %mul3A_363 = vector.broadcast %mul3A_362 : i32 to vector<16xi32>
      %mul3A_364 = arith.muli %add3A_361, %mul3A_363 : vector<16xi32>
      %add3A_365 = arith.addi %mul3A_364, %iota3A : vector<16xi32>
      %gather3A_366 = tpu.vector_load_idx %arg5[%add3A_365] : memref<11264xf32, #tpu.memory_space<vmem>>[vector<16xi32>], vector<16xf32>,
      %add3A_367 = arith.addf %add3A_343, %gather3A_366 : vector<16xf32>
      %add3A_368 = arith.constant 768 : i32
      %add3A_369 = arith.addi %mul3A_86, %add3A_368 : i32
      %add3A_370 = arith.constant 32 : i32
      %add3A_371 = arith.addi %add3A_369, %add3A_370 : i32
      %multiple_of3A_372 = tpu.assume_multiple %add3A_371, 8 : i32
      %add3A_373 = arith.constant 896 : i32
      %add3A_374 = arith.addi %mul3A_86, %add3A_373 : i32
      %add3A_375 = arith.constant 32 : i32
      %add3A_376 = arith.addi %add3A_374, %add3A_375 : i32
      %multiple_of3A_377 = tpu.assume_multiple %add3A_376, 8 : i32
      %get3A_378 = arith.index_cast %multiple_of3A_372 : i32 to index
      %get3A_379 = tpu.vector_load %arg6[%get3A_378] {strides = array<i32>} : memref<17408xi32, #tpu.memory_space<vmem>>, vector<16xi32>,
      %get3A_380 = arith.index_cast %multiple_of3A_377 : i32 to index
      %get3A_381 = tpu.vector_load %arg6[%get3A_380] {strides = array<i32>} : memref<17408xi32, #tpu.memory_space<vmem>>, vector<16xi32>,
      %shift_left3A_382 = arith.constant 5 : i32
      %shift_left3A_383 = vector.broadcast %shift_left3A_382 : i32 to vector<16xi32>
      %shift_left3A_384 = arith.shli %get3A_379, %shift_left3A_383 : vector<16xi32>
      %add3A_385 = arith.addi %shift_left3A_384, %get3A_381 : vector<16xi32>
      %mul3A_386 = arith.constant 16 : i32
      %mul3A_387 = vector.broadcast %mul3A_386 : i32 to vector<16xi32>
      %mul3A_388 = arith.muli %add3A_385, %mul3A_387 : vector<16xi32>
      %add3A_389 = arith.addi %mul3A_388, %iota3A : vector<16xi32>
      %gather3A_390 = tpu.vector_load_idx %arg5[%add3A_389] : memref<11264xf32, #tpu.memory_space<vmem>>[vector<16xi32>], vector<16xf32>,
      %add3A_391 = arith.addf %add3A_367, %gather3A_390 : vector<16xf32>
      %swap3A_392 = arith.index_cast %multiple_of3A_293 : i32 to index
      %swap3A_393 = tpu.vector_load %arg8[%swap3A_392] {strides = array<i32>} : memref<2176xf32, #tpu.memory_space<vmem>>, vector<16xf32>,
      tpu.vector_store %arg8[%swap3A_392], %add3A_391 {strides = array<i32>} : memref<2176xf32, #tpu.memory_space<vmem>>, vector<16xf32>,
      %add3A_394 = arith.constant 48 : i32
      %add3A_395 = arith.addi %mul3A_88, %add3A_394 : i32
      %multiple_of3A_396 = tpu.assume_multiple %add3A_395, 8 : i32
      %get3A_397 = arith.index_cast %multiple_of3A_396 : i32 to index
      %get3A_398 = tpu.vector_load %arg8[%get3A_397] {strides = array<i32>} : memref<2176xf32, #tpu.memory_space<vmem>>, vector<16xf32>,
      %add3A_399 = arith.constant 0 : i32
      %add3A_400 = arith.addi %mul3A_86, %add3A_399 : i32
      %add3A_401 = arith.constant 48 : i32
      %add3A_402 = arith.addi %add3A_400, %add3A_401 : i32
      %multiple_of3A_403 = tpu.assume_multiple %add3A_402, 8 : i32
      %add3A_404 = arith.constant 128 : i32
      %add3A_405 = arith.addi %mul3A_86, %add3A_404 : i32
      %add3A_406 = arith.constant 48 : i32
      %add3A_407 = arith.addi %add3A_405, %add3A_406 : i32
      %multiple_of3A_408 = tpu.assume_multiple %add3A_407, 8 : i32
      %get3A_409 = arith.index_cast %multiple_of3A_403 : i32 to index
      %get3A_410 = tpu.vector_load %arg6[%get3A_409] {strides = array<i32>} : memref<17408xi32, #tpu.memory_space<vmem>>, vector<16xi32>,
      %get3A_411 = arith.index_cast %multiple_of3A_408 : i32 to index
      %get3A_412 = tpu.vector_load %arg6[%get3A_411] {strides = array<i32>} : memref<17408xi32, #tpu.memory_space<vmem>>, vector<16xi32>,
      %shift_left3A_413 = arith.constant 5 : i32
      %shift_left3A_414 = vector.broadcast %shift_left3A_413 : i32 to vector<16xi32>
      %shift_left3A_415 = arith.shli %get3A_410, %shift_left3A_414 : vector<16xi32>
      %add3A_416 = arith.addi %shift_left3A_415, %get3A_412 : vector<16xi32>
      %mul3A_417 = arith.constant 16 : i32
      %mul3A_418 = vector.broadcast %mul3A_417 : i32 to vector<16xi32>
      %mul3A_419 = arith.muli %add3A_416, %mul3A_418 : vector<16xi32>
      %add3A_420 = arith.addi %mul3A_419, %iota3A : vector<16xi32>
      %gather3A_421 = tpu.vector_load_idx %arg5[%add3A_420] : memref<11264xf32, #tpu.memory_space<vmem>>[vector<16xi32>], vector<16xf32>,
      %add3A_422 = arith.addf %get3A_398, %gather3A_421 : vector<16xf32>
      %add3A_423 = arith.constant 256 : i32
      %add3A_424 = arith.addi %mul3A_86, %add3A_423 : i32
      %add3A_425 = arith.constant 48 : i32
      %add3A_426 = arith.addi %add3A_424, %add3A_425 : i32
      %multiple_of3A_427 = tpu.assume_multiple %add3A_426, 8 : i32
      %add3A_428 = arith.constant 384 : i32
      %add3A_429 = arith.addi %mul3A_86, %add3A_428 : i32
      %add3A_430 = arith.constant 48 : i32
      %add3A_431 = arith.addi %add3A_429, %add3A_430 : i32
      %multiple_of3A_432 = tpu.assume_multiple %add3A_431, 8 : i32
      %get3A_433 = arith.index_cast %multiple_of3A_427 : i32 to index
      %get3A_434 = tpu.vector_load %arg6[%get3A_433] {strides = array<i32>} : memref<17408xi32, #tpu.memory_space<vmem>>, vector<16xi32>,
      %get3A_435 = arith.index_cast %multiple_of3A_432 : i32 to index
      %get3A_436 = tpu.vector_load %arg6[%get3A_435] {strides = array<i32>} : memref<17408xi32, #tpu.memory_space<vmem>>, vector<16xi32>,
      %shift_left3A_437 = arith.constant 5 : i32
      %shift_left3A_438 = vector.broadcast %shift_left3A_437 : i32 to vector<16xi32>
      %shift_left3A_439 = arith.shli %get3A_434, %shift_left3A_438 : vector<16xi32>
      %add3A_440 = arith.addi %shift_left3A_439, %get3A_436 : vector<16xi32>
      %mul3A_441 = arith.constant 16 : i32
      %mul3A_442 = vector.broadcast %mul3A_441 : i32 to vector<16xi32>
      %mul3A_443 = arith.muli %add3A_440, %mul3A_442 : vector<16xi32>
      %add3A_444 = arith.addi %mul3A_443, %iota3A : vector<16xi32>
      %gather3A_445 = tpu.vector_load_idx %arg5[%add3A_444] : memref<11264xf32, #tpu.memory_space<vmem>>[vector<16xi32>], vector<16xf32>,
      %add3A_446 = arith.addf %add3A_422, %gather3A_445 : vector<16xf32>
      %add3A_447 = arith.constant 512 : i32
      %add3A_448 = arith.addi %mul3A_86, %add3A_447 : i32
      %add3A_449 = arith.constant 48 : i32
      %add3A_450 = arith.addi %add3A_448, %add3A_449 : i32
      %multiple_of3A_451 = tpu.assume_multiple %add3A_450, 8 : i32
      %add3A_452 = arith.constant 640 : i32
      %add3A_453 = arith.addi %mul3A_86, %add3A_452 : i32
      %add3A_454 = arith.constant 48 : i32
      %add3A_455 = arith.addi %add3A_453, %add3A_454 : i32
      %multiple_of3A_456 = tpu.assume_multiple %add3A_455, 8 : i32
      %get3A_457 = arith.index_cast %multiple_of3A_451 : i32 to index
      %get3A_458 = tpu.vector_load %arg6[%get3A_457] {strides = array<i32>} : memref<17408xi32, #tpu.memory_space<vmem>>, vector<16xi32>,
      %get3A_459 = arith.index_cast %multiple_of3A_456 : i32 to index
      %get3A_460 = tpu.vector_load %arg6[%get3A_459] {strides = array<i32>} : memref<17408xi32, #tpu.memory_space<vmem>>, vector<16xi32>,
      %shift_left3A_461 = arith.constant 5 : i32
      %shift_left3A_462 = vector.broadcast %shift_left3A_461 : i32 to vector<16xi32>
      %shift_left3A_463 = arith.shli %get3A_458, %shift_left3A_462 : vector<16xi32>
      %add3A_464 = arith.addi %shift_left3A_463, %get3A_460 : vector<16xi32>
      %mul3A_465 = arith.constant 16 : i32
      %mul3A_466 = vector.broadcast %mul3A_465 : i32 to vector<16xi32>
      %mul3A_467 = arith.muli %add3A_464, %mul3A_466 : vector<16xi32>
      %add3A_468 = arith.addi %mul3A_467, %iota3A : vector<16xi32>
      %gather3A_469 = tpu.vector_load_idx %arg5[%add3A_468] : memref<11264xf32, #tpu.memory_space<vmem>>[vector<16xi32>], vector<16xf32>,
      %add3A_470 = arith.addf %add3A_446, %gather3A_469 : vector<16xf32>
      %add3A_471 = arith.constant 768 : i32
      %add3A_472 = arith.addi %mul3A_86, %add3A_471 : i32
      %add3A_473 = arith.constant 48 : i32
      %add3A_474 = arith.addi %add3A_472, %add3A_473 : i32
      %multiple_of3A_475 = tpu.assume_multiple %add3A_474, 8 : i32
      %add3A_476 = arith.constant 896 : i32
      %add3A_477 = arith.addi %mul3A_86, %add3A_476 : i32
      %add3A_478 = arith.constant 48 : i32
      %add3A_479 = arith.addi %add3A_477, %add3A_478 : i32
      %multiple_of3A_480 = tpu.assume_multiple %add3A_479, 8 : i32
      %get3A_481 = arith.index_cast %multiple_of3A_475 : i32 to index
      %get3A_482 = tpu.vector_load %arg6[%get3A_481] {strides = array<i32>} : memref<17408xi32, #tpu.memory_space<vmem>>, vector<16xi32>,
      %get3A_483 = arith.index_cast %multiple_of3A_480 : i32 to index
      %get3A_484 = tpu.vector_load %arg6[%get3A_483] {strides = array<i32>} : memref<17408xi32, #tpu.memory_space<vmem>>, vector<16xi32>,
      %shift_left3A_485 = arith.constant 5 : i32
      %shift_left3A_486 = vector.broadcast %shift_left3A_485 : i32 to vector<16xi32>
      %shift_left3A_487 = arith.shli %get3A_482, %shift_left3A_486 : vector<16xi32>
      %add3A_488 = arith.addi %shift_left3A_487, %get3A_484 : vector<16xi32>
      %mul3A_489 = arith.constant 16 : i32
      %mul3A_490 = vector.broadcast %mul3A_489 : i32 to vector<16xi32>
      %mul3A_491 = arith.muli %add3A_488, %mul3A_490 : vector<16xi32>
      %add3A_492 = arith.addi %mul3A_491, %iota3A : vector<16xi32>
      %gather3A_493 = tpu.vector_load_idx %arg5[%add3A_492] : memref<11264xf32, #tpu.memory_space<vmem>>[vector<16xi32>], vector<16xf32>,
      %add3A_494 = arith.addf %add3A_470, %gather3A_493 : vector<16xf32>
      %swap3A_495 = arith.index_cast %multiple_of3A_396 : i32 to index
      %swap3A_496 = tpu.vector_load %arg8[%swap3A_495] {strides = array<i32>} : memref<2176xf32, #tpu.memory_space<vmem>>, vector<16xf32>,
      tpu.vector_store %arg8[%swap3A_495], %add3A_494 {strides = array<i32>} : memref<2176xf32, #tpu.memory_space<vmem>>, vector<16xf32>,
      %add3A_497 = arith.constant 64 : i32
      %add3A_498 = arith.addi %mul3A_88, %add3A_497 : i32
      %multiple_of3A_499 = tpu.assume_multiple %add3A_498, 8 : i32
      %get3A_500 = arith.index_cast %multiple_of3A_499 : i32 to index
      %get3A_501 = tpu.vector_load %arg8[%get3A_500] {strides = array<i32>} : memref<2176xf32, #tpu.memory_space<vmem>>, vector<16xf32>,
      %add3A_502 = arith.constant 0 : i32
      %add3A_503 = arith.addi %mul3A_86, %add3A_502 : i32
      %add3A_504 = arith.constant 64 : i32
      %add3A_505 = arith.addi %add3A_503, %add3A_504 : i32
      %multiple_of3A_506 = tpu.assume_multiple %add3A_505, 8 : i32
      %add3A_507 = arith.constant 128 : i32
      %add3A_508 = arith.addi %mul3A_86, %add3A_507 : i32
      %add3A_509 = arith.constant 64 : i32
      %add3A_510 = arith.addi %add3A_508, %add3A_509 : i32
      %multiple_of3A_511 = tpu.assume_multiple %add3A_510, 8 : i32
      %get3A_512 = arith.index_cast %multiple_of3A_506 : i32 to index
      %get3A_513 = tpu.vector_load %arg6[%get3A_512] {strides = array<i32>} : memref<17408xi32, #tpu.memory_space<vmem>>, vector<16xi32>,
      %get3A_514 = arith.index_cast %multiple_of3A_511 : i32 to index
      %get3A_515 = tpu.vector_load %arg6[%get3A_514] {strides = array<i32>} : memref<17408xi32, #tpu.memory_space<vmem>>, vector<16xi32>,
      %shift_left3A_516 = arith.constant 5 : i32
      %shift_left3A_517 = vector.broadcast %shift_left3A_516 : i32 to vector<16xi32>
      %shift_left3A_518 = arith.shli %get3A_513, %shift_left3A_517 : vector<16xi32>
      %add3A_519 = arith.addi %shift_left3A_518, %get3A_515 : vector<16xi32>
      %mul3A_520 = arith.constant 16 : i32
      %mul3A_521 = vector.broadcast %mul3A_520 : i32 to vector<16xi32>
      %mul3A_522 = arith.muli %add3A_519, %mul3A_521 : vector<16xi32>
      %add3A_523 = arith.addi %mul3A_522, %iota3A : vector<16xi32>
      %gather3A_524 = tpu.vector_load_idx %arg5[%add3A_523] : memref<11264xf32, #tpu.memory_space<vmem>>[vector<16xi32>], vector<16xf32>,
      %add3A_525 = arith.addf %get3A_501, %gather3A_524 : vector<16xf32>
      %add3A_526 = arith.constant 256 : i32
      %add3A_527 = arith.addi %mul3A_86, %add3A_526 : i32
      %add3A_528 = arith.constant 64 : i32
      %add3A_529 = arith.addi %add3A_527, %add3A_528 : i32
      %multiple_of3A_530 = tpu.assume_multiple %add3A_529, 8 : i32
      %add3A_531 = arith.constant 384 : i32
      %add3A_532 = arith.addi %mul3A_86, %add3A_531 : i32
      %add3A_533 = arith.constant 64 : i32
      %add3A_534 = arith.addi %add3A_532, %add3A_533 : i32
      %multiple_of3A_535 = tpu.assume_multiple %add3A_534, 8 : i32
      %get3A_536 = arith.index_cast %multiple_of3A_530 : i32 to index
      %get3A_537 = tpu.vector_load %arg6[%get3A_536] {strides = array<i32>} : memref<17408xi32, #tpu.memory_space<vmem>>, vector<16xi32>,
      %get3A_538 = arith.index_cast %multiple_of3A_535 : i32 to index
      %get3A_539 = tpu.vector_load %arg6[%get3A_538] {strides = array<i32>} : memref<17408xi32, #tpu.memory_space<vmem>>, vector<16xi32>,
      %shift_left3A_540 = arith.constant 5 : i32
      %shift_left3A_541 = vector.broadcast %shift_left3A_540 : i32 to vector<16xi32>
      %shift_left3A_542 = arith.shli %get3A_537, %shift_left3A_541 : vector<16xi32>
      %add3A_543 = arith.addi %shift_left3A_542, %get3A_539 : vector<16xi32>
      %mul3A_544 = arith.constant 16 : i32
      %mul3A_545 = vector.broadcast %mul3A_544 : i32 to vector<16xi32>
      %mul3A_546 = arith.muli %add3A_543, %mul3A_545 : vector<16xi32>
      %add3A_547 = arith.addi %mul3A_546, %iota3A : vector<16xi32>
      %gather3A_548 = tpu.vector_load_idx %arg5[%add3A_547] : memref<11264xf32, #tpu.memory_space<vmem>>[vector<16xi32>], vector<16xf32>,
      %add3A_549 = arith.addf %add3A_525, %gather3A_548 : vector<16xf32>
      %add3A_550 = arith.constant 512 : i32
      %add3A_551 = arith.addi %mul3A_86, %add3A_550 : i32
      %add3A_552 = arith.constant 64 : i32
      %add3A_553 = arith.addi %add3A_551, %add3A_552 : i32
      %multiple_of3A_554 = tpu.assume_multiple %add3A_553, 8 : i32
      %add3A_555 = arith.constant 640 : i32
      %add3A_556 = arith.addi %mul3A_86, %add3A_555 : i32
      %add3A_557 = arith.constant 64 : i32
      %add3A_558 = arith.addi %add3A_556, %add3A_557 : i32
      %multiple_of3A_559 = tpu.assume_multiple %add3A_558, 8 : i32
      %get3A_560 = arith.index_cast %multiple_of3A_554 : i32 to index
      %get3A_561 = tpu.vector_load %arg6[%get3A_560] {strides = array<i32>} : memref<17408xi32, #tpu.memory_space<vmem>>, vector<16xi32>,
      %get3A_562 = arith.index_cast %multiple_of3A_559 : i32 to index
      %get3A_563 = tpu.vector_load %arg6[%get3A_562] {strides = array<i32>} : memref<17408xi32, #tpu.memory_space<vmem>>, vector<16xi32>,
      %shift_left3A_564 = arith.constant 5 : i32
      %shift_left3A_565 = vector.broadcast %shift_left3A_564 : i32 to vector<16xi32>
      %shift_left3A_566 = arith.shli %get3A_561, %shift_left3A_565 : vector<16xi32>
      %add3A_567 = arith.addi %shift_left3A_566, %get3A_563 : vector<16xi32>
      %mul3A_568 = arith.constant 16 : i32
      %mul3A_569 = vector.broadcast %mul3A_568 : i32 to vector<16xi32>
      %mul3A_570 = arith.muli %add3A_567, %mul3A_569 : vector<16xi32>
      %add3A_571 = arith.addi %mul3A_570, %iota3A : vector<16xi32>
      %gather3A_572 = tpu.vector_load_idx %arg5[%add3A_571] : memref<11264xf32, #tpu.memory_space<vmem>>[vector<16xi32>], vector<16xf32>,
      %add3A_573 = arith.addf %add3A_549, %gather3A_572 : vector<16xf32>
      %add3A_574 = arith.constant 768 : i32
      %add3A_575 = arith.addi %mul3A_86, %add3A_574 : i32
      %add3A_576 = arith.constant 64 : i32
      %add3A_577 = arith.addi %add3A_575, %add3A_576 : i32
      %multiple_of3A_578 = tpu.assume_multiple %add3A_577, 8 : i32
      %add3A_579 = arith.constant 896 : i32
      %add3A_580 = arith.addi %mul3A_86, %add3A_579 : i32
      %add3A_581 = arith.constant 64 : i32
      %add3A_582 = arith.addi %add3A_580, %add3A_581 : i32
      %multiple_of3A_583 = tpu.assume_multiple %add3A_582, 8 : i32
      %get3A_584 = arith.index_cast %multiple_of3A_578 : i32 to index
      %get3A_585 = tpu.vector_load %arg6[%get3A_584] {strides = array<i32>} : memref<17408xi32, #tpu.memory_space<vmem>>, vector<16xi32>,
      %get3A_586 = arith.index_cast %multiple_of3A_583 : i32 to index
      %get3A_587 = tpu.vector_load %arg6[%get3A_586] {strides = array<i32>} : memref<17408xi32, #tpu.memory_space<vmem>>, vector<16xi32>,
      %shift_left3A_588 = arith.constant 5 : i32
      %shift_left3A_589 = vector.broadcast %shift_left3A_588 : i32 to vector<16xi32>
      %shift_left3A_590 = arith.shli %get3A_585, %shift_left3A_589 : vector<16xi32>
      %add3A_591 = arith.addi %shift_left3A_590, %get3A_587 : vector<16xi32>
      %mul3A_592 = arith.constant 16 : i32
      %mul3A_593 = vector.broadcast %mul3A_592 : i32 to vector<16xi32>
      %mul3A_594 = arith.muli %add3A_591, %mul3A_593 : vector<16xi32>
      %add3A_595 = arith.addi %mul3A_594, %iota3A : vector<16xi32>
      %gather3A_596 = tpu.vector_load_idx %arg5[%add3A_595] : memref<11264xf32, #tpu.memory_space<vmem>>[vector<16xi32>], vector<16xf32>,
      %add3A_597 = arith.addf %add3A_573, %gather3A_596 : vector<16xf32>
      %swap3A_598 = arith.index_cast %multiple_of3A_499 : i32 to index
      %swap3A_599 = tpu.vector_load %arg8[%swap3A_598] {strides = array<i32>} : memref<2176xf32, #tpu.memory_space<vmem>>, vector<16xf32>,
      tpu.vector_store %arg8[%swap3A_598], %add3A_597 {strides = array<i32>} : memref<2176xf32, #tpu.memory_space<vmem>>, vector<16xf32>,
      %add3A_600 = arith.constant 80 : i32
      %add3A_601 = arith.addi %mul3A_88, %add3A_600 : i32
      %multiple_of3A_602 = tpu.assume_multiple %add3A_601, 8 : i32
      %get3A_603 = arith.index_cast %multiple_of3A_602 : i32 to index
      %get3A_604 = tpu.vector_load %arg8[%get3A_603] {strides = array<i32>} : memref<2176xf32, #tpu.memory_space<vmem>>, vector<16xf32>,
      %add3A_605 = arith.constant 0 : i32
      %add3A_606 = arith.addi %mul3A_86, %add3A_605 : i32
      %add3A_607 = arith.constant 80 : i32
      %add3A_608 = arith.addi %add3A_606, %add3A_607 : i32
      %multiple_of3A_609 = tpu.assume_multiple %add3A_608, 8 : i32
      %add3A_610 = arith.constant 128 : i32
      %add3A_611 = arith.addi %mul3A_86, %add3A_610 : i32
      %add3A_612 = arith.constant 80 : i32
      %add3A_613 = arith.addi %add3A_611, %add3A_612 : i32
      %multiple_of3A_614 = tpu.assume_multiple %add3A_613, 8 : i32
      %get3A_615 = arith.index_cast %multiple_of3A_609 : i32 to index
      %get3A_616 = tpu.vector_load %arg6[%get3A_615] {strides = array<i32>} : memref<17408xi32, #tpu.memory_space<vmem>>, vector<16xi32>,
      %get3A_617 = arith.index_cast %multiple_of3A_614 : i32 to index
      %get3A_618 = tpu.vector_load %arg6[%get3A_617] {strides = array<i32>} : memref<17408xi32, #tpu.memory_space<vmem>>, vector<16xi32>,
      %shift_left3A_619 = arith.constant 5 : i32
      %shift_left3A_620 = vector.broadcast %shift_left3A_619 : i32 to vector<16xi32>
      %shift_left3A_621 = arith.shli %get3A_616, %shift_left3A_620 : vector<16xi32>
      %add3A_622 = arith.addi %shift_left3A_621, %get3A_618 : vector<16xi32>
      %mul3A_623 = arith.constant 16 : i32
      %mul3A_624 = vector.broadcast %mul3A_623 : i32 to vector<16xi32>
      %mul3A_625 = arith.muli %add3A_622, %mul3A_624 : vector<16xi32>
      %add3A_626 = arith.addi %mul3A_625, %iota3A : vector<16xi32>
      %gather3A_627 = tpu.vector_load_idx %arg5[%add3A_626] : memref<11264xf32, #tpu.memory_space<vmem>>[vector<16xi32>], vector<16xf32>,
      %add3A_628 = arith.addf %get3A_604, %gather3A_627 : vector<16xf32>
      %add3A_629 = arith.constant 256 : i32
      %add3A_630 = arith.addi %mul3A_86, %add3A_629 : i32
      %add3A_631 = arith.constant 80 : i32
      %add3A_632 = arith.addi %add3A_630, %add3A_631 : i32
      %multiple_of3A_633 = tpu.assume_multiple %add3A_632, 8 : i32
      %add3A_634 = arith.constant 384 : i32
      %add3A_635 = arith.addi %mul3A_86, %add3A_634 : i32
      %add3A_636 = arith.constant 80 : i32
      %add3A_637 = arith.addi %add3A_635, %add3A_636 : i32
      %multiple_of3A_638 = tpu.assume_multiple %add3A_637, 8 : i32
      %get3A_639 = arith.index_cast %multiple_of3A_633 : i32 to index
      %get3A_640 = tpu.vector_load %arg6[%get3A_639] {strides = array<i32>} : memref<17408xi32, #tpu.memory_space<vmem>>, vector<16xi32>,
      %get3A_641 = arith.index_cast %multiple_of3A_638 : i32 to index
      %get3A_642 = tpu.vector_load %arg6[%get3A_641] {strides = array<i32>} : memref<17408xi32, #tpu.memory_space<vmem>>, vector<16xi32>,
      %shift_left3A_643 = arith.constant 5 : i32
      %shift_left3A_644 = vector.broadcast %shift_left3A_643 : i32 to vector<16xi32>
      %shift_left3A_645 = arith.shli %get3A_640, %shift_left3A_644 : vector<16xi32>
      %add3A_646 = arith.addi %shift_left3A_645, %get3A_642 : vector<16xi32>
      %mul3A_647 = arith.constant 16 : i32
      %mul3A_648 = vector.broadcast %mul3A_647 : i32 to vector<16xi32>
      %mul3A_649 = arith.muli %add3A_646, %mul3A_648 : vector<16xi32>
      %add3A_650 = arith.addi %mul3A_649, %iota3A : vector<16xi32>
      %gather3A_651 = tpu.vector_load_idx %arg5[%add3A_650] : memref<11264xf32, #tpu.memory_space<vmem>>[vector<16xi32>], vector<16xf32>,
      %add3A_652 = arith.addf %add3A_628, %gather3A_651 : vector<16xf32>
      %add3A_653 = arith.constant 512 : i32
      %add3A_654 = arith.addi %mul3A_86, %add3A_653 : i32
      %add3A_655 = arith.constant 80 : i32
      %add3A_656 = arith.addi %add3A_654, %add3A_655 : i32
      %multiple_of3A_657 = tpu.assume_multiple %add3A_656, 8 : i32
      %add3A_658 = arith.constant 640 : i32
      %add3A_659 = arith.addi %mul3A_86, %add3A_658 : i32
      %add3A_660 = arith.constant 80 : i32
      %add3A_661 = arith.addi %add3A_659, %add3A_660 : i32
      %multiple_of3A_662 = tpu.assume_multiple %add3A_661, 8 : i32
      %get3A_663 = arith.index_cast %multiple_of3A_657 : i32 to index
      %get3A_664 = tpu.vector_load %arg6[%get3A_663] {strides = array<i32>} : memref<17408xi32, #tpu.memory_space<vmem>>, vector<16xi32>,
      %get3A_665 = arith.index_cast %multiple_of3A_662 : i32 to index
      %get3A_666 = tpu.vector_load %arg6[%get3A_665] {strides = array<i32>} : memref<17408xi32, #tpu.memory_space<vmem>>, vector<16xi32>,
      %shift_left3A_667 = arith.constant 5 : i32
      %shift_left3A_668 = vector.broadcast %shift_left3A_667 : i32 to vector<16xi32>
      %shift_left3A_669 = arith.shli %get3A_664, %shift_left3A_668 : vector<16xi32>
      %add3A_670 = arith.addi %shift_left3A_669, %get3A_666 : vector<16xi32>
      %mul3A_671 = arith.constant 16 : i32
      %mul3A_672 = vector.broadcast %mul3A_671 : i32 to vector<16xi32>
      %mul3A_673 = arith.muli %add3A_670, %mul3A_672 : vector<16xi32>
      %add3A_674 = arith.addi %mul3A_673, %iota3A : vector<16xi32>
      %gather3A_675 = tpu.vector_load_idx %arg5[%add3A_674] : memref<11264xf32, #tpu.memory_space<vmem>>[vector<16xi32>], vector<16xf32>,
      %add3A_676 = arith.addf %add3A_652, %gather3A_675 : vector<16xf32>
      %add3A_677 = arith.constant 768 : i32
      %add3A_678 = arith.addi %mul3A_86, %add3A_677 : i32
      %add3A_679 = arith.constant 80 : i32
      %add3A_680 = arith.addi %add3A_678, %add3A_679 : i32
      %multiple_of3A_681 = tpu.assume_multiple %add3A_680, 8 : i32
      %add3A_682 = arith.constant 896 : i32
      %add3A_683 = arith.addi %mul3A_86, %add3A_682 : i32
      %add3A_684 = arith.constant 80 : i32
      %add3A_685 = arith.addi %add3A_683, %add3A_684 : i32
      %multiple_of3A_686 = tpu.assume_multiple %add3A_685, 8 : i32
      %get3A_687 = arith.index_cast %multiple_of3A_681 : i32 to index
      %get3A_688 = tpu.vector_load %arg6[%get3A_687] {strides = array<i32>} : memref<17408xi32, #tpu.memory_space<vmem>>, vector<16xi32>,
      %get3A_689 = arith.index_cast %multiple_of3A_686 : i32 to index
      %get3A_690 = tpu.vector_load %arg6[%get3A_689] {strides = array<i32>} : memref<17408xi32, #tpu.memory_space<vmem>>, vector<16xi32>,
      %shift_left3A_691 = arith.constant 5 : i32
      %shift_left3A_692 = vector.broadcast %shift_left3A_691 : i32 to vector<16xi32>
      %shift_left3A_693 = arith.shli %get3A_688, %shift_left3A_692 : vector<16xi32>
      %add3A_694 = arith.addi %shift_left3A_693, %get3A_690 : vector<16xi32>
      %mul3A_695 = arith.constant 16 : i32
      %mul3A_696 = vector.broadcast %mul3A_695 : i32 to vector<16xi32>
      %mul3A_697 = arith.muli %add3A_694, %mul3A_696 : vector<16xi32>
      %add3A_698 = arith.addi %mul3A_697, %iota3A : vector<16xi32>
      %gather3A_699 = tpu.vector_load_idx %arg5[%add3A_698] : memref<11264xf32, #tpu.memory_space<vmem>>[vector<16xi32>], vector<16xf32>,
      %add3A_700 = arith.addf %add3A_676, %gather3A_699 : vector<16xf32>
      %swap3A_701 = arith.index_cast %multiple_of3A_602 : i32 to index
      %swap3A_702 = tpu.vector_load %arg8[%swap3A_701] {strides = array<i32>} : memref<2176xf32, #tpu.memory_space<vmem>>, vector<16xf32>,
      tpu.vector_store %arg8[%swap3A_701], %add3A_700 {strides = array<i32>} : memref<2176xf32, #tpu.memory_space<vmem>>, vector<16xf32>,
      %add3A_703 = arith.constant 96 : i32
      %add3A_704 = arith.addi %mul3A_88, %add3A_703 : i32
      %multiple_of3A_705 = tpu.assume_multiple %add3A_704, 8 : i32
      %get3A_706 = arith.index_cast %multiple_of3A_705 : i32 to index
      %get3A_707 = tpu.vector_load %arg8[%get3A_706] {strides = array<i32>} : memref<2176xf32, #tpu.memory_space<vmem>>, vector<16xf32>,
      %add3A_708 = arith.constant 0 : i32
      %add3A_709 = arith.addi %mul3A_86, %add3A_708 : i32
      %add3A_710 = arith.constant 96 : i32
      %add3A_711 = arith.addi %add3A_709, %add3A_710 : i32
      %multiple_of3A_712 = tpu.assume_multiple %add3A_711, 8 : i32
      %add3A_713 = arith.constant 128 : i32
      %add3A_714 = arith.addi %mul3A_86, %add3A_713 : i32
      %add3A_715 = arith.constant 96 : i32
      %add3A_716 = arith.addi %add3A_714, %add3A_715 : i32
      %multiple_of3A_717 = tpu.assume_multiple %add3A_716, 8 : i32
      %get3A_718 = arith.index_cast %multiple_of3A_712 : i32 to index
      %get3A_719 = tpu.vector_load %arg6[%get3A_718] {strides = array<i32>} : memref<17408xi32, #tpu.memory_space<vmem>>, vector<16xi32>,
      %get3A_720 = arith.index_cast %multiple_of3A_717 : i32 to index
      %get3A_721 = tpu.vector_load %arg6[%get3A_720] {strides = array<i32>} : memref<17408xi32, #tpu.memory_space<vmem>>, vector<16xi32>,
      %shift_left3A_722 = arith.constant 5 : i32
      %shift_left3A_723 = vector.broadcast %shift_left3A_722 : i32 to vector<16xi32>
      %shift_left3A_724 = arith.shli %get3A_719, %shift_left3A_723 : vector<16xi32>
      %add3A_725 = arith.addi %shift_left3A_724, %get3A_721 : vector<16xi32>
      %mul3A_726 = arith.constant 16 : i32
      %mul3A_727 = vector.broadcast %mul3A_726 : i32 to vector<16xi32>
      %mul3A_728 = arith.muli %add3A_725, %mul3A_727 : vector<16xi32>
      %add3A_729 = arith.addi %mul3A_728, %iota3A : vector<16xi32>
      %gather3A_730 = tpu.vector_load_idx %arg5[%add3A_729] : memref<11264xf32, #tpu.memory_space<vmem>>[vector<16xi32>], vector<16xf32>,
      %add3A_731 = arith.addf %get3A_707, %gather3A_730 : vector<16xf32>
      %add3A_732 = arith.constant 256 : i32
      %add3A_733 = arith.addi %mul3A_86, %add3A_732 : i32
      %add3A_734 = arith.constant 96 : i32
      %add3A_735 = arith.addi %add3A_733, %add3A_734 : i32
      %multiple_of3A_736 = tpu.assume_multiple %add3A_735, 8 : i32
      %add3A_737 = arith.constant 384 : i32
      %add3A_738 = arith.addi %mul3A_86, %add3A_737 : i32
      %add3A_739 = arith.constant 96 : i32
      %add3A_740 = arith.addi %add3A_738, %add3A_739 : i32
      %multiple_of3A_741 = tpu.assume_multiple %add3A_740, 8 : i32
      %get3A_742 = arith.index_cast %multiple_of3A_736 : i32 to index
      %get3A_743 = tpu.vector_load %arg6[%get3A_742] {strides = array<i32>} : memref<17408xi32, #tpu.memory_space<vmem>>, vector<16xi32>,
      %get3A_744 = arith.index_cast %multiple_of3A_741 : i32 to index
      %get3A_745 = tpu.vector_load %arg6[%get3A_744] {strides = array<i32>} : memref<17408xi32, #tpu.memory_space<vmem>>, vector<16xi32>,
      %shift_left3A_746 = arith.constant 5 : i32
      %shift_left3A_747 = vector.broadcast %shift_left3A_746 : i32 to vector<16xi32>
      %shift_left3A_748 = arith.shli %get3A_743, %shift_left3A_747 : vector<16xi32>
      %add3A_749 = arith.addi %shift_left3A_748, %get3A_745 : vector<16xi32>
      %mul3A_750 = arith.constant 16 : i32
      %mul3A_751 = vector.broadcast %mul3A_750 : i32 to vector<16xi32>
      %mul3A_752 = arith.muli %add3A_749, %mul3A_751 : vector<16xi32>
      %add3A_753 = arith.addi %mul3A_752, %iota3A : vector<16xi32>
      %gather3A_754 = tpu.vector_load_idx %arg5[%add3A_753] : memref<11264xf32, #tpu.memory_space<vmem>>[vector<16xi32>], vector<16xf32>,
      %add3A_755 = arith.addf %add3A_731, %gather3A_754 : vector<16xf32>
      %add3A_756 = arith.constant 512 : i32
      %add3A_757 = arith.addi %mul3A_86, %add3A_756 : i32
      %add3A_758 = arith.constant 96 : i32
      %add3A_759 = arith.addi %add3A_757, %add3A_758 : i32
      %multiple_of3A_760 = tpu.assume_multiple %add3A_759, 8 : i32
      %add3A_761 = arith.constant 640 : i32
      %add3A_762 = arith.addi %mul3A_86, %add3A_761 : i32
      %add3A_763 = arith.constant 96 : i32
      %add3A_764 = arith.addi %add3A_762, %add3A_763 : i32
      %multiple_of3A_765 = tpu.assume_multiple %add3A_764, 8 : i32
      %get3A_766 = arith.index_cast %multiple_of3A_760 : i32 to index
      %get3A_767 = tpu.vector_load %arg6[%get3A_766] {strides = array<i32>} : memref<17408xi32, #tpu.memory_space<vmem>>, vector<16xi32>,
      %get3A_768 = arith.index_cast %multiple_of3A_765 : i32 to index
      %get3A_769 = tpu.vector_load %arg6[%get3A_768] {strides = array<i32>} : memref<17408xi32, #tpu.memory_space<vmem>>, vector<16xi32>,
      %shift_left3A_770 = arith.constant 5 : i32
      %shift_left3A_771 = vector.broadcast %shift_left3A_770 : i32 to vector<16xi32>
      %shift_left3A_772 = arith.shli %get3A_767, %shift_left3A_771 : vector<16xi32>
      %add3A_773 = arith.addi %shift_left3A_772, %get3A_769 : vector<16xi32>
      %mul3A_774 = arith.constant 16 : i32
      %mul3A_775 = vector.broadcast %mul3A_774 : i32 to vector<16xi32>
      %mul3A_776 = arith.muli %add3A_773, %mul3A_775 : vector<16xi32>
      %add3A_777 = arith.addi %mul3A_776, %iota3A : vector<16xi32>
      %gather3A_778 = tpu.vector_load_idx %arg5[%add3A_777] : memref<11264xf32, #tpu.memory_space<vmem>>[vector<16xi32>], vector<16xf32>,
      %add3A_779 = arith.addf %add3A_755, %gather3A_778 : vector<16xf32>
      %add3A_780 = arith.constant 768 : i32
      %add3A_781 = arith.addi %mul3A_86, %add3A_780 : i32
      %add3A_782 = arith.constant 96 : i32
      %add3A_783 = arith.addi %add3A_781, %add3A_782 : i32
      %multiple_of3A_784 = tpu.assume_multiple %add3A_783, 8 : i32
      %add3A_785 = arith.constant 896 : i32
      %add3A_786 = arith.addi %mul3A_86, %add3A_785 : i32
      %add3A_787 = arith.constant 96 : i32
      %add3A_788 = arith.addi %add3A_786, %add3A_787 : i32
      %multiple_of3A_789 = tpu.assume_multiple %add3A_788, 8 : i32
      %get3A_790 = arith.index_cast %multiple_of3A_784 : i32 to index
      %get3A_791 = tpu.vector_load %arg6[%get3A_790] {strides = array<i32>} : memref<17408xi32, #tpu.memory_space<vmem>>, vector<16xi32>,
      %get3A_792 = arith.index_cast %multiple_of3A_789 : i32 to index
      %get3A_793 = tpu.vector_load %arg6[%get3A_792] {strides = array<i32>} : memref<17408xi32, #tpu.memory_space<vmem>>, vector<16xi32>,
      %shift_left3A_794 = arith.constant 5 : i32
      %shift_left3A_795 = vector.broadcast %shift_left3A_794 : i32 to vector<16xi32>
      %shift_left3A_796 = arith.shli %get3A_791, %shift_left3A_795 : vector<16xi32>
      %add3A_797 = arith.addi %shift_left3A_796, %get3A_793 : vector<16xi32>
      %mul3A_798 = arith.constant 16 : i32
      %mul3A_799 = vector.broadcast %mul3A_798 : i32 to vector<16xi32>
      %mul3A_800 = arith.muli %add3A_797, %mul3A_799 : vector<16xi32>
      %add3A_801 = arith.addi %mul3A_800, %iota3A : vector<16xi32>
      %gather3A_802 = tpu.vector_load_idx %arg5[%add3A_801] : memref<11264xf32, #tpu.memory_space<vmem>>[vector<16xi32>], vector<16xf32>,
      %add3A_803 = arith.addf %add3A_779, %gather3A_802 : vector<16xf32>
      %swap3A_804 = arith.index_cast %multiple_of3A_705 : i32 to index
      %swap3A_805 = tpu.vector_load %arg8[%swap3A_804] {strides = array<i32>} : memref<2176xf32, #tpu.memory_space<vmem>>, vector<16xf32>,
      tpu.vector_store %arg8[%swap3A_804], %add3A_803 {strides = array<i32>} : memref<2176xf32, #tpu.memory_space<vmem>>, vector<16xf32>,
      %add3A_806 = arith.constant 112 : i32
      %add3A_807 = arith.addi %mul3A_88, %add3A_806 : i32
      %multiple_of3A_808 = tpu.assume_multiple %add3A_807, 8 : i32
      %get3A_809 = arith.index_cast %multiple_of3A_808 : i32 to index
      %get3A_810 = tpu.vector_load %arg8[%get3A_809] {strides = array<i32>} : memref<2176xf32, #tpu.memory_space<vmem>>, vector<16xf32>,
      %add3A_811 = arith.constant 0 : i32
      %add3A_812 = arith.addi %mul3A_86, %add3A_811 : i32
      %add3A_813 = arith.constant 112 : i32
      %add3A_814 = arith.addi %add3A_812, %add3A_813 : i32
      %multiple_of3A_815 = tpu.assume_multiple %add3A_814, 8 : i32
      %add3A_816 = arith.constant 128 : i32
      %add3A_817 = arith.addi %mul3A_86, %add3A_816 : i32
      %add3A_818 = arith.constant 112 : i32
      %add3A_819 = arith.addi %add3A_817, %add3A_818 : i32
      %multiple_of3A_820 = tpu.assume_multiple %add3A_819, 8 : i32
      %get3A_821 = arith.index_cast %multiple_of3A_815 : i32 to index
      %get3A_822 = tpu.vector_load %arg6[%get3A_821] {strides = array<i32>} : memref<17408xi32, #tpu.memory_space<vmem>>, vector<16xi32>,
      %get3A_823 = arith.index_cast %multiple_of3A_820 : i32 to index
      %get3A_824 = tpu.vector_load %arg6[%get3A_823] {strides = array<i32>} : memref<17408xi32, #tpu.memory_space<vmem>>, vector<16xi32>,
      %shift_left3A_825 = arith.constant 5 : i32
      %shift_left3A_826 = vector.broadcast %shift_left3A_825 : i32 to vector<16xi32>
      %shift_left3A_827 = arith.shli %get3A_822, %shift_left3A_826 : vector<16xi32>
      %add3A_828 = arith.addi %shift_left3A_827, %get3A_824 : vector<16xi32>
      %mul3A_829 = arith.constant 16 : i32
      %mul3A_830 = vector.broadcast %mul3A_829 : i32 to vector<16xi32>
      %mul3A_831 = arith.muli %add3A_828, %mul3A_830 : vector<16xi32>
      %add3A_832 = arith.addi %mul3A_831, %iota3A : vector<16xi32>
      %gather3A_833 = tpu.vector_load_idx %arg5[%add3A_832] : memref<11264xf32, #tpu.memory_space<vmem>>[vector<16xi32>], vector<16xf32>,
      %add3A_834 = arith.addf %get3A_810, %gather3A_833 : vector<16xf32>
      %add3A_835 = arith.constant 256 : i32
      %add3A_836 = arith.addi %mul3A_86, %add3A_835 : i32
      %add3A_837 = arith.constant 112 : i32
      %add3A_838 = arith.addi %add3A_836, %add3A_837 : i32
      %multiple_of3A_839 = tpu.assume_multiple %add3A_838, 8 : i32
      %add3A_840 = arith.constant 384 : i32
      %add3A_841 = arith.addi %mul3A_86, %add3A_840 : i32
      %add3A_842 = arith.constant 112 : i32
      %add3A_843 = arith.addi %add3A_841, %add3A_842 : i32
      %multiple_of3A_844 = tpu.assume_multiple %add3A_843, 8 : i32
      %get3A_845 = arith.index_cast %multiple_of3A_839 : i32 to index
      %get3A_846 = tpu.vector_load %arg6[%get3A_845] {strides = array<i32>} : memref<17408xi32, #tpu.memory_space<vmem>>, vector<16xi32>,
      %get3A_847 = arith.index_cast %multiple_of3A_844 : i32 to index
      %get3A_848 = tpu.vector_load %arg6[%get3A_847] {strides = array<i32>} : memref<17408xi32, #tpu.memory_space<vmem>>, vector<16xi32>,
      %shift_left3A_849 = arith.constant 5 : i32
      %shift_left3A_850 = vector.broadcast %shift_left3A_849 : i32 to vector<16xi32>
      %shift_left3A_851 = arith.shli %get3A_846, %shift_left3A_850 : vector<16xi32>
      %add3A_852 = arith.addi %shift_left3A_851, %get3A_848 : vector<16xi32>
      %mul3A_853 = arith.constant 16 : i32
      %mul3A_854 = vector.broadcast %mul3A_853 : i32 to vector<16xi32>
      %mul3A_855 = arith.muli %add3A_852, %mul3A_854 : vector<16xi32>
      %add3A_856 = arith.addi %mul3A_855, %iota3A : vector<16xi32>
      %gather3A_857 = tpu.vector_load_idx %arg5[%add3A_856] : memref<11264xf32, #tpu.memory_space<vmem>>[vector<16xi32>], vector<16xf32>,
      %add3A_858 = arith.addf %add3A_834, %gather3A_857 : vector<16xf32>
      %add3A_859 = arith.constant 512 : i32
      %add3A_860 = arith.addi %mul3A_86, %add3A_859 : i32
      %add3A_861 = arith.constant 112 : i32
      %add3A_862 = arith.addi %add3A_860, %add3A_861 : i32
      %multiple_of3A_863 = tpu.assume_multiple %add3A_862, 8 : i32
      %add3A_864 = arith.constant 640 : i32
      %add3A_865 = arith.addi %mul3A_86, %add3A_864 : i32
      %add3A_866 = arith.constant 112 : i32
      %add3A_867 = arith.addi %add3A_865, %add3A_866 : i32
      %multiple_of3A_868 = tpu.assume_multiple %add3A_867, 8 : i32
      %get3A_869 = arith.index_cast %multiple_of3A_863 : i32 to index
      %get3A_870 = tpu.vector_load %arg6[%get3A_869] {strides = array<i32>} : memref<17408xi32, #tpu.memory_space<vmem>>, vector<16xi32>,
      %get3A_871 = arith.index_cast %multiple_of3A_868 : i32 to index
      %get3A_872 = tpu.vector_load %arg6[%get3A_871] {strides = array<i32>} : memref<17408xi32, #tpu.memory_space<vmem>>, vector<16xi32>,
      %shift_left3A_873 = arith.constant 5 : i32
      %shift_left3A_874 = vector.broadcast %shift_left3A_873 : i32 to vector<16xi32>
      %shift_left3A_875 = arith.shli %get3A_870, %shift_left3A_874 : vector<16xi32>
      %add3A_876 = arith.addi %shift_left3A_875, %get3A_872 : vector<16xi32>
      %mul3A_877 = arith.constant 16 : i32
      %mul3A_878 = vector.broadcast %mul3A_877 : i32 to vector<16xi32>
      %mul3A_879 = arith.muli %add3A_876, %mul3A_878 : vector<16xi32>
      %add3A_880 = arith.addi %mul3A_879, %iota3A : vector<16xi32>
      %gather3A_881 = tpu.vector_load_idx %arg5[%add3A_880] : memref<11264xf32, #tpu.memory_space<vmem>>[vector<16xi32>], vector<16xf32>,
      %add3A_882 = arith.addf %add3A_858, %gather3A_881 : vector<16xf32>
      %add3A_883 = arith.constant 768 : i32
      %add3A_884 = arith.addi %mul3A_86, %add3A_883 : i32
      %add3A_885 = arith.constant 112 : i32
      %add3A_886 = arith.addi %add3A_884, %add3A_885 : i32
      %multiple_of3A_887 = tpu.assume_multiple %add3A_886, 8 : i32
      %add3A_888 = arith.constant 896 : i32
      %add3A_889 = arith.addi %mul3A_86, %add3A_888 : i32
      %add3A_890 = arith.constant 112 : i32
      %add3A_891 = arith.addi %add3A_889, %add3A_890 : i32
      %multiple_of3A_892 = tpu.assume_multiple %add3A_891, 8 : i32
      %get3A_893 = arith.index_cast %multiple_of3A_887 : i32 to index
      %get3A_894 = tpu.vector_load %arg6[%get3A_893] {strides = array<i32>} : memref<17408xi32, #tpu.memory_space<vmem>>, vector<16xi32>,
      %get3A_895 = arith.index_cast %multiple_of3A_892 : i32 to index
      %get3A_896 = tpu.vector_load %arg6[%get3A_895] {strides = array<i32>} : memref<17408xi32, #tpu.memory_space<vmem>>, vector<16xi32>,
      %shift_left3A_897 = arith.constant 5 : i32
      %shift_left3A_898 = vector.broadcast %shift_left3A_897 : i32 to vector<16xi32>
      %shift_left3A_899 = arith.shli %get3A_894, %shift_left3A_898 : vector<16xi32>
      %add3A_900 = arith.addi %shift_left3A_899, %get3A_896 : vector<16xi32>
      %mul3A_901 = arith.constant 16 : i32
      %mul3A_902 = vector.broadcast %mul3A_901 : i32 to vector<16xi32>
      %mul3A_903 = arith.muli %add3A_900, %mul3A_902 : vector<16xi32>
      %add3A_904 = arith.addi %mul3A_903, %iota3A : vector<16xi32>
      %gather3A_905 = tpu.vector_load_idx %arg5[%add3A_904] : memref<11264xf32, #tpu.memory_space<vmem>>[vector<16xi32>], vector<16xf32>,
      %add3A_906 = arith.addf %add3A_882, %gather3A_905 : vector<16xf32>
      %swap3A_907 = arith.index_cast %multiple_of3A_808 : i32 to index
      %swap3A_908 = tpu.vector_load %arg8[%swap3A_907] {strides = array<i32>} : memref<2176xf32, #tpu.memory_space<vmem>>, vector<16xf32>,
      tpu.vector_store %arg8[%swap3A_907], %add3A_906 {strides = array<i32>} : memref<2176xf32, #tpu.memory_space<vmem>>, vector<16xf32>,
    }
    %scan3A_75 = arith.constant 17 : i32
    %scan3A_76 = arith.constant 0 : i32
    %scan3A_77 = arith.constant 0 : i32
    %scan3A_78 = arith.constant 136 : i32
    %scan3A_79 = arith.addi %scan3A_77, %scan3A_78 : i32
    %scan3A_80 = arith.constant 1 : i32
    scf.for %scan3A_84 = %scan3A_77 to %scan3A_79 step %scan3A_80  : i32 {
      %mul3A_85 = arith.constant 16 : i32
      %mul3A_86 = arith.muli %scan3A_84, %mul3A_85 : i32
      %multiple_of3A_87 = tpu.assume_multiple %mul3A_86, 8 : i32
      %get3A = arith.index_cast %multiple_of3A_87 : i32 to index
      %get3A_88 = tpu.vector_load %arg8[%get3A] {strides = array<i32>} : memref<2176xf32, #tpu.memory_space<vmem>>, vector<16xf32>,
      %mul3A_89 = arith.constant 5.000000e-03 : f32
      %mul3A_90 = vector.broadcast %mul3A_89 : f32 to vector<16xf32>
      %mul3A_91 = arith.mulf %get3A_88, %mul3A_90 : vector<16xf32>
      %swap3A = arith.index_cast %multiple_of3A_87 : i32 to index
      %swap3A_92 = tpu.vector_load %arg8[%swap3A] {strides = array<i32>} : memref<2176xf32, #tpu.memory_space<vmem>>, vector<16xf32>,
      tpu.vector_store %arg8[%swap3A], %mul3A_91 {strides = array<i32>} : memref<2176xf32, #tpu.memory_space<vmem>>, vector<16xf32>,
    }
    %scan3A_81 = arith.constant 136 : i32
    %mul3A_82 = arith.constant 2176 : i32
    %mul3A_83 = arith.muli %add3A, %mul3A_82 : i32
    "tpu.region"() ({
      %run_scoped3A = tpu.sem_alloc : memref<!tpu.dma_semaphore, #tpu.memory_space<semaphore_mem>>
      %dma_start3A_84 = tpu.memref_slice %arg4[%mul3A_83] : memref<69632xf32, #tpu.memory_space<hbm>> -> memref<2176xf32, #tpu.memory_space<hbm>>
      %dma_start3A_85 = tpu.memref_slice %arg4[%mul3A_83] : memref<69632xf32, #tpu.memory_space<hbm>> -> memref<2176xf32, #tpu.memory_space<hbm>>
      tpu.enqueue_dma source(%arg8 : memref<2176xf32, #tpu.memory_space<vmem>>) target(%dma_start3A_85 : memref<2176xf32, #tpu.memory_space<hbm>>) target_semaphore(%run_scoped3A : memref<!tpu.dma_semaphore, #tpu.memory_space<semaphore_mem>>)
      %dma_wait3A_86 = tpu.memref_slice %arg4[%mul3A_83] : memref<69632xf32, #tpu.memory_space<hbm>> -> memref<2176xf32, #tpu.memory_space<hbm>>
      %dma_wait3A_87 = tpu.memref_slice %arg4[%mul3A_83] : memref<69632xf32, #tpu.memory_space<hbm>> -> memref<2176xf32, #tpu.memory_space<hbm>>
      tpu.wait_dma2 semaphore(%run_scoped3A : memref<!tpu.dma_semaphore, #tpu.memory_space<semaphore_mem>>) src(%arg8 : memref<2176xf32, #tpu.memory_space<vmem>>) dst(%dma_wait3A_87 : memref<2176xf32, #tpu.memory_space<hbm>>)
      tpu.yield
    }) : () -> ()
    return
  }
}

module attributes {stable_mosaic.version = 14 : i64} {
  func.func @_tc_body(%arg0: i32, %arg1: i32, %arg2: memref<1x21xf32, #tpu.memory_space<vmem>>, %arg3: memref<1x200x512xi32, #tpu.memory_space<vmem>>, %arg4: memref<1x1x512xf32, #tpu.memory_space<vmem>>) attributes {dimension_semantics = [#tpu.dimension_semantics<arbitrary>, #tpu.dimension_semantics<arbitrary>], iteration_bounds = array<i64: 8, 15>, scalar_prefetch = 0 : i64, scratch_operands = 0 : i64, tpu.core_type = #tpu.core_type<tc>, window_params = [{pipeline_mode = #tpu.pipeline_mode<synchronous>, transform_indices = @transform_0, window_bounds = array<i64: 1, 21>}, {transform_indices = @transform_1, window_bounds = array<i64: 1, 200, 512>}, {transform_indices = @transform_2, window_bounds = array<i64: 1, 1, 512>}]} {
    %get3A = arith.constant 0 : index
    %get3A_0 = arith.constant 0 : index
    %get3A_1 = vector.load %arg2[%get3A, %get3A_0] : memref<1x21xf32, #tpu.memory_space<vmem>>, vector<1x21xf32>
    %broadcast_in_dim3A = vector.shape_cast %get3A_1 : vector<1x21xf32> to vector<1x21xf32>
    %broadcast_in_dim3A_2 = vector.broadcast %broadcast_in_dim3A : vector<1x21xf32> to vector<200x21xf32>
    %get3A_3 = arith.constant 0 : index
    %get3A_4 = arith.constant 0 : index
    %get3A_5 = arith.constant 0 : index
    %get3A_6 = vector.load %arg3[%get3A_3, %get3A_4, %get3A_5] : memref<1x200x512xi32, #tpu.memory_space<vmem>>, vector<1x200x512xi32>
    %get3A_7 = vector.shape_cast %get3A_6 : vector<1x200x512xi32> to vector<200x512xi32>
    %lt3A = arith.constant 0 : i32
    %lt3A_8 = vector.broadcast %lt3A : i32 to vector<200x512xi32>
    %lt3A_9 = arith.cmpi slt, %get3A_7, %lt3A_8 : vector<200x512xi32>
    %add3A = arith.constant 21 : i32
    %add3A_10 = vector.broadcast %add3A : i32 to vector<200x512xi32>
    %add3A_11 = arith.addi %get3A_7, %add3A_10 : vector<200x512xi32>
    %select_n3A = arith.select %lt3A_9, %add3A_11, %get3A_7 : vector<200x512xi1>, vector<200x512xi32>
    %reshape3A = vector.shape_cast %select_n3A : vector<200x512xi32> to vector<200x512x1xi32>
    %gather3A = vector.shape_cast %reshape3A : vector<200x512x1xi32> to vector<200x512xi32>
    %gather3A_12 = tpu.dynamic_gather %broadcast_in_dim3A_2[%gather3A] in [1] : vector<200x21xf32>, vector<200x512xi32> -> vector<200x512xf32>
    %reduce_sum3A = arith.constant dense<0.000000e+00> : vector<512xf32>
    %reduce_sum3A_13 = vector.multi_reduction <add>, %gather3A_12, %reduce_sum3A [0] : vector<200x512xf32> to vector<512xf32>
    %mul3A = arith.constant 5.000000e-03 : f32
    %mul3A_14 = vector.broadcast %mul3A : f32 to vector<512xf32>
    %mul3A_15 = arith.mulf %reduce_sum3A_13, %mul3A_14 : vector<512xf32>
    %reshape3A_16 = vector.shape_cast %mul3A_15 : vector<512xf32> to vector<1x1x512xf32>
    %swap3A = arith.constant 0 : index
    %swap3A_17 = arith.constant 0 : index
    %swap3A_18 = arith.constant 0 : index
    %swap3A_19 = vector.load %arg4[%swap3A, %swap3A_17, %swap3A_18] : memref<1x1x512xf32, #tpu.memory_space<vmem>>, vector<1x1x512xf32>
    tpu.vector_store %arg4[%swap3A, %swap3A_17, %swap3A_18], %reshape3A_16 {strides = array<i32>} : memref<1x1x512xf32, #tpu.memory_space<vmem>>, vector<1x1x512xf32>,
    return
  }
  func.func @transform_0(%arg0: i32, %arg1: i32) -> (i32, i32) {
    %c0_i32 = arith.constant 0 : i32
    %c0_i32_0 = arith.constant 0 : i32
    %c0_i32_1 = arith.constant 0 : i32
    return %c0_i32, %c0_i32_0 : i32, i32
  }
  func.func @transform_1(%arg0: i32, %arg1: i32) -> (i32, i32, i32) {
    %add3A = arith.constant 17 : i32
    %add3A_0 = arith.addi %arg1, %add3A : i32
    %c0_i32 = arith.constant 0 : i32
    %c0_i32_1 = arith.constant 0 : i32
    return %arg0, %c0_i32, %add3A_0 : i32, i32, i32
  }
  func.func @transform_2(%arg0: i32, %arg1: i32) -> (i32, i32, i32) {
    %mul3A = arith.constant 15 : i32
    %mul3A_0 = arith.muli %arg0, %mul3A : i32
    %add3A = arith.addi %mul3A_0, %arg1 : i32
    %c0_i32 = arith.constant 0 : i32
    %c0_i32_1 = arith.constant 0 : i32
    %c0_i32_2 = arith.constant 0 : i32
    return %add3A, %c0_i32, %c0_i32_1 : i32, i32, i32
  }
}

</mosaic_0001>

<sc_bundles>
// kernel: kernel.4.cloned.1.call-start
scs
__scs_entry_jumppad:
0x0: {  	(pc) =	sbr.rel $0x88, $3  }
0x1: {  	(tag) =	ssettag $0x0;
	lr =	simm.s32 $0x1  }
0x2: {  	[smem:$0x3F9F] =	sst lr;
	_ =	strace $0xD0000000  }
0x3: {  	_ = 	snop  }
0x4: {  	_ = 	snop  }
0x5: {  	_ = 	snop  }
0x6: {  	_ = 	snop  }
0x7: {  	_ = 	snop  }
__scs_overlays_trampoline_lowered:
0x8: {  	[smem:$0x3FAE] =	sst s0  }
0x9: {  	[smem:$0x3FAF] =	sst s1  }
0xa: {  	[smem:$0x3FB0] =	sst s2  }
0xb: {  	[smem:$0x3FB1] =	sst s3  }
0xc: {  	[smem:$0x3FB2] =	sst s4  }
0xd: {  	[smem:$0x3FB3] =	sst s5  }
0xe: {  	[smem:$0x3FB4] =	sst s6  }
0xf: {  	[smem:$0x3FB5] =	sst s7  }
0x10: {  	[smem:$0x3FB6] =	sst s8  }
0x11: {  	[smem:$0x3FB7] =	sst s9;
	s0 =	simm.s32 @!p0 $0x0  }
0x12: {  	s1 =	sld [smem:$0x3F9D];
	s0 =	simm.s32 @p0 $0x1  }
0x13: {  	[smem:$0x3FB8] =	sst s0;
	s0 =	simm.s32 @!p1 $0x0  }
0x14: {  	s2 =	sld [smem:$0x3F9C];
	s0 =	simm.s32 @p1 $0x1  }
0x15: {  	[smem:$0x3FB9] =	sst s0;
	s0 =	simm.s32 @!p2 $0x0  }
0x16: {  	s3 =	sld [smem:$0x3FDB];
	s0 =	simm.s32 @p2 $0x1  }
0x17: {  	s4 =	simm.s32 $0x1BF5;
	[smem:$0x3FBB] =	sst s0  }
0x18: {  	s0 =	sld [smem:$0x3F9E];
	_ =	swait.ge [sflag:s4], $0x0  }
0x19: {  	s7 =	sld [smem:$0x3F9F]  }
0x1a: {  	s8 =	sadd.s32 $0xFFFFE003, lr  }
0x1b: {  	s9 =	sadd.s32 $0xFFFFFEF7, lr;
	s5 =	simm.s32 $0xFFFFFFFF;
	p2 =	slt.u32 s8, $0xFFFFF086  }
0x1c: {  	p1 =	slt.u32 s9, $0xF7A;
	s5 =	simm.s32 @!p2 $0x0  }
0x1d: {  	s5 =	simm.s32 @p1 $0x1;
	p0 =	seq.s32 s7, s2  }
0x1e: {  	s7 =	smul.u32 @!p0 $0xF7A, s2;
	p2 =	seq.s32 @!p0 s5, $0x0  }
0x1f: {  	s9 =	smul.u32 $0xF7A, s1;
	s8 =	simm.s32 @!p0 $0x1BF5;
	p2 =	por !p2, p0  }
0x20: {  	[sflag:s8] =	ssyncset.s32 @!p0 $0xFFFFF086;
	s6 =	sadd.s32 @!p0 s3, s7;
	s7 =	simm.s32 @!p0 $0x108  }
0x21: {  	s3 =	sadd.s32 s3, s9;
	s6 =	sadd.s32 @!p0 $0x88, s6;
	s7 =	simm.s32 @p2 $0x1082  }
0x22: {  	[simem:s7], [sflag:s8] =	dma.local @!p0 [hbm:s6], $0xF7A  }
0x23: {  	s9 =	sor.u32 $0xD0000000, s2;
	s6 =	simm.s32 $0x108;
	_ =	swait.ge @!p0 [sflag:s8], $0x0  }
0x24: {  	s3 =	sadd.s32 $0x88, s3;
	s6 =	simm.s32 @!p1 $0x1082;
	[sflag:s4] =	ssyncset.s32 $0xFFFFF086  }
0x25: {  	[simem:s6], [sflag:s4] =	dma.local [hbm:s3], $0xF7A  }
0x26: {  	[smem:$0x3F9F] =	sst s1;
	(tag) =	ssettag s2;
	_ =	strace s9  }
0x27: {  	s1 =	sld [smem:$0x3FAF]  }
0x28: {  	s2 =	sld [smem:$0x3FB0]  }
0x29: {  	s4 =	sld [smem:$0x3FB2]  }
0x2a: {  	p0 =	seq.s32 s5, $0x0;
	s5 =	sld [smem:$0x3FB3]  }
0x2b: {  	s6 =	sld [smem:$0x3FB4]  }
0x2c: {  	s7 =	sld [smem:$0x3FB5]  }
0x2d: {  	s3 =	simm.s32 $0x108;
	s8 =	sld [smem:$0x3FB6]  }
0x2e: {  	s3 =	simm.s32 @!p0 $0x1082;
	s9 =	sld [smem:$0x3FB7]  }
0x2f: {  	lr =	sadd.s32 s0, s3;
	s0 =	sld [smem:$0x3FAE]  }
0x30: {  	s3 =	sld [smem:$0x3FB1]  }
0x31: {  	[smem:$0x3FBA] =	sst s10  }
0x32: {  	s10 =	sld [smem:$0x3FB8];
	_ =	sdelay $0x3  }
0x33: {  	p0 =	seq.s32 s10, $0x1;
	s10 =	sld [smem:$0x3FBA];
	_ =	sdelay $0x3  }
0x34: {  	[smem:$0x3FBA] =	sst s10  }
0x35: {  	s10 =	sld [smem:$0x3FB9];
	_ =	sdelay $0x3  }
0x36: {  	p1 =	seq.s32 s10, $0x1;
	s10 =	sld [smem:$0x3FBA];
	_ =	sdelay $0x3  }
0x37: {  	[smem:$0x3FBA] =	sst s10  }
0x38: {  	s10 =	sld [smem:$0x3FBB]  }
0x39: {  	_ = 	snop;
	(pc) =	sbr.ind lr, $3  }
0x3a: {  	_ = 	snop  }
0x3b: {  	_ = 	snop  }
0x3c: {  	p2 =	seq.s32 s10, $0x1;
	s10 =	sld [smem:$0x3FBA]  }
0x3d: {  	_ =	shalt  }
0x3e: {  	_ =	shalt  }
0x3f: {  	_ =	shalt  }
0x40: {  	_ =	shalt  }
0x41: {  	_ =	shalt  }
0x42: {  	_ =	shalt  }
0x43: {  	_ =	shalt  }
0x44: {  	_ =	shalt  }
0x45: {  	_ =	shalt  }
0x46: {  	_ =	shalt  }
0x47: {  	_ =	shalt  }
0x48: {  	_ =	shalt  }
0x49: {  	_ =	shalt  }
0x4a: {  	_ =	shalt  }
0x4b: {  	_ =	shalt  }
0x4c: {  	_ =	shalt  }
0x4d: {  	_ =	shalt  }
0x4e: {  	_ =	shalt  }
0x4f: {  	_ =	shalt  }
0x50: {  	_ =	shalt  }
0x51: {  	_ =	shalt  }
0x52: {  	_ =	shalt  }
0x53: {  	_ =	shalt  }
0x54: {  	_ =	shalt  }
0x55: {  	_ =	shalt  }
0x56: {  	_ =	shalt  }
0x57: {  	_ =	shalt  }
0x58: {  	_ =	shalt  }
0x59: {  	_ =	shalt  }
0x5a: {  	_ =	shalt  }
0x5b: {  	_ =	shalt  }
0x5c: {  	_ =	shalt  }
0x5d: {  	_ =	shalt  }
0x5e: {  	_ =	shalt  }
0x5f: {  	_ =	shalt  }
0x60: {  	_ =	shalt  }
0x61: {  	_ =	shalt  }
0x62: {  	_ =	shalt  }
0x63: {  	_ =	shalt  }
0x64: {  	_ =	shalt  }
0x65: {  	_ =	shalt  }
0x66: {  	_ =	shalt  }
0x67: {  	_ =	shalt  }
0x68: {  	_ =	shalt  }
0x69: {  	_ =	shalt  }
0x6a: {  	_ =	shalt  }
0x6b: {  	_ =	shalt  }
0x6c: {  	_ =	shalt  }
0x6d: {  	_ =	shalt  }
0x6e: {  	_ =	shalt  }
0x6f: {  	_ =	shalt  }
0x70: {  	_ =	shalt  }
0x71: {  	_ =	shalt  }
0x72: {  	_ =	shalt  }
0x73: {  	_ =	shalt  }
0x74: {  	_ =	shalt  }
0x75: {  	_ =	shalt  }
0x76: {  	_ =	shalt  }
0x77: {  	_ =	shalt  }
0x78: {  	_ =	shalt  }
0x79: {  	_ =	shalt  }
0x7a: {  	_ =	shalt  }
0x7b: {  	_ =	shalt  }
0x7c: {  	_ =	shalt  }
0x7d: {  	_ =	shalt  }
0x7e: {  	_ =	shalt  }
0x7f: {  	_ =	shalt  }
0x80: {  	_ =	shalt  }
0x81: {  	_ =	shalt  }
0x82: {  	_ =	shalt  }
0x83: {  	_ =	shalt  }
0x84: {  	_ =	shalt  }
0x85: {  	_ =	shalt  }
0x86: {  	_ =	shalt  }
0x87: {  	_ =	shalt  }
.Lfunc_end0:
.L_simem_size_0:
called_computation_lowered:
.L_overlay_start_0:
0x88: {  	s2 =	sld [smem:$0x3FD9]  }
0x89: {  	s3 =	sld [smem:$0x3FFE];
	_ =	sdelay $0x1  }
0x8a: {  	s1 =	srdreg.scid  }
0x8b: {  	s0 =	sand.u32 $0x1, s1  }
0x8c: {  	s17 =	sshll.u32 s0, $0xA;
	s2 =	sadd.s32 s3, s2  }
0x8d: {  	s2 =	sadd.s32 s2, s17  }
0x8e: {  	[smem:$0x3FC6] =	sst s2  }
0x8f: {  	_ = 	snop  }
0x90: {  	s2 =	sld [smem:$0x3FC9]  }
0x91: {  	s18 =	sld [smem:$0x3FD0];
	(tm) =	ssettm $0x1  }
0x92: {  	s4 =	sld [smem:$0x3FFB];
	_ =	sdelay $0x3  }
0x93: {  	_ =	strace s4  }
0x94: {  	s4 =	sld [smem:$0x3FFC];
	_ =	sdelay $0x3  }
0x95: {  	_ =	strace s4  }
0x96: {  	s4 =	sld [smem:$0x3FFD];
	_ =	sdelay $0x3  }
0x97: {  	_ =	strace s4  }
0x98: {  	_ =	strace $0x8FFFFFFF  }
0x99: {  	s19 =	sld [smem:$0x3FDB];
	_ =	sdelay $0x1  }
0x9a: {  	s5 =	simm.s32 $_scs_section_size  }
0x9b: {  	s6 =	simm.s32 $_size__tile_overlayer_lowered;
	s7 =	simm.s32 $_tile_overlayer_lowered  }
0x9c: {  	s22 =	simm.s32 $0x1BFF;
	s21 =	sshll.u32 s7, $0x1;
	s4 =	sadd.s32 s5, s19  }
0x9d: {  	s8 =	simm.s32 $0x0;
	s20 =	sshll.u32 s6, $0x1;
	s6 =	sadd.s32 s21, s4  }
0x9e: {  	[timem:s8], [sflag:s22] =	dma.local [hbm:s6], s20  }
0x9f: {  	_ =	swait.ge [sflag:s22], s20  }
0xa0: {  	s5 =	ssub.s32 $0x0, s20;
	[sflag:s22] =	ssyncset.done $0x0  }
0xa1: {  	[sflag:s22] =	ssyncadd.s32 s5;
	_ =	sdelay $0x1  }
0xa2: {  	s23 =	simm.s32 $0x1B8B  }
0xa3: {  	_ =	swait.ge [sflag:s23], $0x1  }
0xa4: {  	[sflag:s23] =	ssyncset.done $0x0  }
0xa5: {  	s25 =	simm.s32 $0x1B8E;
	s24 =	sld [smem:$0x3FFE];
	[sflag:s23] =	ssyncadd.s32 $0xFFFFFFFF  }
0xa6: {  	s26 =	simm.s32 $execute0_lowered;
	[smem:$0x3FD2] =	sst s25  }
0xa7: {  	s6 =	sshll.u32 s26, $0x1;
	_ =	strace $0x80000046;
	[dreg:$0x1] =	wrdreg $0xFFFFFFFF  }
0xa8: {  	s28 =	simm.s32 $_size_execute0_lowered;
	s4 =	sadd.s32 s4, s6;
	[dreg:$0x0] =	wrdreg $0x0  }
0xa9: {  	s6 =	sshll.u32 s28, $0x1;
	[dreg:$0x2] =	wrdreg s4  }
0xaa: {  	[dreg:$0x3] =	wrdreg s6  }
0xab: {  	[dreg:$0x4] =	wrdreg $0xC0  }
0xac: {  	_ =	task [dreg:s8], $0x5FFFF  }
0xad: {  	[dreg:$0x1] =	wrdreg $0xFFFFFFFF  }
0xae: {  	[dreg:$0x0] =	wrdreg $0x60  }
0xaf: {  	[dreg:$0x2] =	wrdreg s24  }
0xb0: {  	[dreg:$0x3] =	wrdreg s2  }
0xb1: {  	[dreg:$0x4] =	wrdreg s18  }
0xb2: {  	[dreg:$0x5] =	wrdreg $0x9  }
0xb3: {  	_ =	task.clear_ibuf [dreg:s8], $0x6FFFF;
	_ =	strace $0x90000046  }
0xb4: {  	s29 =	simm.s32 $0x9;
	_ =	strace $0x80000048  }
0xb5: {  	_ =	swait.ge [sflag:s29], $0x1  }
0xb6: {  	[sflag:s29] =	ssyncadd.s32 $0xFFFFFFFF  }
0xb7: {  	_ =	strace $0x90000048  }
0xb8: {  	_ =	sfence  }
0xb9: {  	s30 =	sld [smem:$0x0];
	_ =	sdelay $0x2  }
0xba: {  	s31 =	sshll.u32 s1, $0xD;
	s1 =	sshrl.u32 s1, $0x2  }
0xbb: {  	s3 =	sand.u32 $0x4000, s31;
	s1 =	sadd.s32 s1, s30  }
0xbc: {  	s0 =	sor.u32 s3, s0;
	s1 =	sshll.u32 s1, $0x11  }
0xbd: {  	s0 =	sor.u32 s1, s0  }
0xbe: {  	s0 =	sadd.s32 $0x8F2B, s0  }
0xbf: {  	[sflag:s0] =	ssyncadd.remote.s32 $0x1  }
0xc0: {  	_ =	sfence.sel $0xFFFF  }
0xc1: {  	[dreg:$0x0] =	wrdreg $0xFFFFFFFF;
	(pc) =	sbr.abs _section_cstart, $3  }
0xc2: {  	[dreg:$0x1] =	wrdreg $0xFFFFFFFF  }
0xc3: {  	_ =	task.clear_ibuf [dreg:s8], $0x2FFFF;
	_ =	strace $0x9FFFFFFF  }
0xc4: {  	(tm) =	ssettm $0x7FFFFFFF  }
0xc5: {  	_ =	shalt  }
tec
execute0_lowered:
.L_overlay_start_1:
0x0: {  	(tag) =	ssettag $0x1  }
0x1: {  	s4 =	rddreg [dreg:$0x0]  }
0x2: {  	s1 =	srdreg.scid;
	s2 =	rddreg [dreg:$0x1]  }
0x3: {  	s0 =	stileid.u32;
	s10 =	rddreg [dreg:$0x2]  }
0x4: {  	s3 =	simm.s32 $0x0;
	s14 =	simm.s32 $0x7000;
	s15 =	simm.s32 $0x1  }
0x5: {  	s16 =	simm.s32 $0x2;
	s17 =	simm.s32 $0xB400;
	s18 =	simm.s32 $0x0  }
0x6: {  	s5 =	sand.u32 $0x1, s1;
	s28 =	sshll.u32 s0, $0x1;
	s6 =	sshrl.u32 s0, $0x1  }
0x7: {  	s1 =	rddreg [dreg:$0x3];
	s7 =	sor.u32 s5, s28;
	s11 =	smul.u32 $0xC80, s6  }
0x8: {  	[smem:$0x7FF] =	sst s3;
	s12 =	smul.u32 $0x19, s6;
	s8 =	sand.u32 $0x3, s7  }
0x9: {  	s4 =	sadd.s32 $0x200, s4;
	s29 =	ssub.s32 $0x2, s5;
	s9 =	smul.u32 $0x11, s8  }
0xa: {  	_ =	strace $0x80000047;
	s31 =	sshrl.u32 s29, $0x1;
	s13 =	smul.u32 $0x110, s7  }
0xb: {  	s7 =	sadd.s32 $0x2, s12;
	s8 =	smul.u32 $0x4400, s8;
	s9 =	sor.u32 s11, s9  }
0xc: {  	s10 =	sadd.s32 s10, s13;
	s13 =	simm.s32 $0x2C00;
	s30 =	sshll.u32 s9, $0x7  }
0xd: {  	s11 =	ssub.s32 s29, s31;
	s9 =	sadd.s32 $0x3, s12;
	s5 =	sadd.s32 s2, s30  }
0xe: {  	v0 =	vimm.f32 $0.0e+00;
	v1 =	vlaneseq.u32;
	s11 =	smax.u32 s11, $0x1;
	s12 =	simm.s32 $0x3;
	s6 =	sadd.s32 $0x4000, s5  }
.LBB2_1:
0xf: {  	[tilespmem:s3], [sflag:$0x3] =	stream.linear.gather [hbm4b:s4+s3], $0x2C00, $0x38;
	[tilespmem:$0xBC80] =	vst v63  }
0x10: {  	_ =	swait.ge [sflag:s12], $0x2C00  }
0x11: {  	[sflag:s12] =	ssyncset.done $0x0  }
0x12: {  	s19 =	simm.s32 $0x40;
	s20 =	simm.s32 $0x0;
	[sflag:s12] =	ssyncadd.s32 $0xFFFFD400  }
.LBB2_2:
0x13: {  	p0 =	sne.s32 s19, $0x21C0;
	[tilespmem:s20+$0xB400] =	vst v0;
	s20 =	smov.u32 s19;
	s19 =	sadd.s32 $0x40, s19  }
.Ltmp0:
0x14: {  	(pc) =	sbr.rel @p0 .LBB2_2-.Ltmp0, $2  }
0x15: {  	_ =	sdelay $0x2  }
0x16: {  	s20 =	sshra.s32 s20, $0x2  }
0x17: {  	[tilespmem:s20+$0xB400] =	vst v0;
	s19 =	simm.s32 $0x0  }
0x18: {  	[tilespmem:s13], [sflag:$0x1] =	stream.linear.gather [hbm4b:s5+s19], $0x4400, $0x38;
	[tilespmem:$0xBC80] =	vst v63  }
0x19: {  	_ = 	snop  }
0x1a: {  	[tilespmem:s14], [sflag:$0x2] =	stream.linear.gather [hbm4b:s6+s19], $0x4400, $0x38;
	[tilespmem:$0xBC80] =	vst v63  }
.LBB2_4:
0x1b: {  	_ =	swait.ge [sflag:s15], $0x4400  }
0x1c: {  	[sflag:s15] =	ssyncset.done $0x0  }
0x1d: {  	s20 =	simm.s32 $0x2E00;
	s21 =	simm.s32 $0x0;
	[sflag:s15] =	ssyncadd.s32 $0xFFFFBC00  }
.LBB2_5:
0x1e: {  	v2 =	vld [tilespmem:s20+$0xFFFFFE00]  }
0x1f: {  	v3 =	vld [tilespmem:s20+$0xFFFFFE80]  }
0x20: {  	v4 =	vld [tilespmem:s20+$0xFFFFFF00]  }
0x21: {  	v5 =	vld [tilespmem:s20+$0xFFFFFF80]  }
0x22: {  	v6 =	vld [tilespmem:s20+$0x0]  }
0x23: {  	v7 =	vld [tilespmem:s20+$0x80];
	_ =	sdelay $0x1  }
0x24: {  	v8 =	vld [tilespmem:s20+$0x100];
	v2 =	vshll.u32 v2, $0x9  }
0x25: {  	v3 =	vshll.u32 v3, $0x4;
	v4 =	vshll.u32 v4, $0x9;
	v5 =	vshll.u32 v5, $0x4  }
0x26: {  	v9 =	vld [tilespmem:s20+$0x180];
	v58 =	vshll.u32 v6, $0x9;
	v2 =	vadd.s32 v2, v3;
	v3 =	vor.u32 v1, v3  }
0x27: {  	v59 =	vshll.u32 v7, $0x4;
	v2 =	vand.u32 $0xFFFFFF80, v2;
	v3 =	vand.u32 $0x7F, v3  }
0x28: {  	v57 =	vor.u32 v1, v5;
	v2 =	vor.u32 v3, v2;
	v3 =	vadd.s32 v4, v5  }
0x29: {  	v61 =	vshll.u32 v8, $0x9;
	v4 =	vand.u32 $0x7F, v57;
	v3 =	vand.u32 $0xFFFFFF80, v3  }
0x2a: {  	v60 =	vor.u32 v1, v59;
	v5 =	vadd.s32 v58, v59;
	v3 =	vor.u32 v4, v3  }
0x2b: {  	s22 =	sshra.s32 s21, $0x2;
	v62 =	vshll.u32 v9, $0x4;
	v5 =	vand.u32 $0xFFFFFF80, v5;
	v4 =	vand.u32 $0x7F, v60  }
0x2c: {  	v63 =	vld [tilespmem:s22+$0xB400];
	v11 =	vadd.s32 v61, v62;
	v12 =	vor.u32 v1, v62;
	v4 =	vor.u32 v4, v5  }
0x2d: {  	v6 =	vand.u32 $0x7F, v12;
	v5 =	vand.u32 $0xFFFFFF80, v11;
	v2 =	vld.idx.msk [tilespmem:v2+s3+$0x0], $0xffff  }
0x2e: {  	v5 =	vor.u32 v6, v5  }
0x2f: {  	v3 =	vld.idx.msk [tilespmem:v3+s3+$0x0], $0xffff;
	_ =	sdelay $0x1  }
0x30: {  	v4 =	vld.idx.msk [tilespmem:v4+s3+$0x0], $0xffff  }
0x31: {  	v2 =	vadd.f32 v2, v63  }
0x32: {  	v5 =	vld.idx.msk [tilespmem:v5+s3+$0x0], $0xffff  }
0x33: {  	v2 =	vadd.f32 v3, v2;
	_ =	sdelay $0x1  }
0x34: {  	v2 =	vadd.f32 v4, v2;
	_ =	sdelay $0x1  }
0x35: {  	v2 =	vadd.f32 v5, v2;
	_ =	sdelay $0x1  }
0x36: {  	[tilespmem:s22+$0xB400] =	vst v2  }
0x37: {  	v2 =	vld [tilespmem:s20+$0xFFFFFE10]  }
0x38: {  	v3 =	vld [tilespmem:s20+$0xFFFFFE90]  }
0x39: {  	v13 =	vld [tilespmem:s20+$0xFFFFFF10]  }
0x3a: {  	v14 =	vld [tilespmem:s20+$0xFFFFFF90]  }
0x3b: {  	v15 =	vld [tilespmem:s20+$0x10]  }
0x3c: {  	v16 =	vld [tilespmem:s20+$0x90];
	_ =	sdelay $0x1  }
0x3d: {  	v17 =	vld [tilespmem:s20+$0x110];
	v2 =	vshll.u32 v2, $0x9  }
0x3e: {  	v3 =	vshll.u32 v3, $0x4;
	v4 =	vshll.u32 v13, $0x9;
	v5 =	vshll.u32 v14, $0x4  }
0x3f: {  	v18 =	vld [tilespmem:s20+$0x190];
	v20 =	vshll.u32 v15, $0x9;
	v2 =	vadd.s32 v2, v3;
	v3 =	vor.u32 v1, v3  }
0x40: {  	v21 =	vshll.u32 v16, $0x4;
	v2 =	vand.u32 $0xFFFFFF80, v2;
	v3 =	vand.u32 $0x7F, v3  }
0x41: {  	v19 =	vor.u32 v1, v5;
	v2 =	vor.u32 v3, v2;
	v3 =	vadd.s32 v4, v5  }
0x42: {  	v23 =	vshll.u32 v17, $0x9;
	v4 =	vand.u32 $0x7F, v19;
	v3 =	vand.u32 $0xFFFFFF80, v3  }
0x43: {  	v22 =	vor.u32 v1, v21;
	v5 =	vadd.s32 v20, v21;
	v3 =	vor.u32 v4, v3  }
0x44: {  	v24 =	vshll.u32 v18, $0x4;
	v5 =	vand.u32 $0xFFFFFF80, v5;
	v4 =	vand.u32 $0x7F, v22  }
0x45: {  	v25 =	vld [tilespmem:s22+$0xB410];
	v26 =	vadd.s32 v23, v24;
	v27 =	vor.u32 v1, v24;
	v4 =	vor.u32 v4, v5  }
0x46: {  	v6 =	vand.u32 $0x7F, v27;
	v5 =	vand.u32 $0xFFFFFF80, v26;
	v2 =	vld.idx.msk [tilespmem:v2+s3+$0x0], $0xffff  }
0x47: {  	v5 =	vor.u32 v6, v5  }
0x48: {  	v3 =	vld.idx.msk [tilespmem:v3+s3+$0x0], $0xffff;
	_ =	sdelay $0x1  }
0x49: {  	v4 =	vld.idx.msk [tilespmem:v4+s3+$0x0], $0xffff  }
0x4a: {  	v2 =	vadd.f32 v2, v25  }
0x4b: {  	v5 =	vld.idx.msk [tilespmem:v5+s3+$0x0], $0xffff  }
0x4c: {  	v2 =	vadd.f32 v3, v2;
	_ =	sdelay $0x1  }
0x4d: {  	v2 =	vadd.f32 v4, v2;
	_ =	sdelay $0x1  }
0x4e: {  	v2 =	vadd.f32 v5, v2;
	_ =	sdelay $0x1  }
0x4f: {  	[tilespmem:s22+$0xB410] =	vst v2  }
0x50: {  	v2 =	vld [tilespmem:s20+$0xFFFFFE20]  }
0x51: {  	v3 =	vld [tilespmem:s20+$0xFFFFFEA0]  }
0x52: {  	v28 =	vld [tilespmem:s20+$0xFFFFFF20]  }
0x53: {  	v29 =	vld [tilespmem:s20+$0xFFFFFFA0]  }
0x54: {  	v30 =	vld [tilespmem:s20+$0x20]  }
0x55: {  	v31 =	vld [tilespmem:s20+$0xA0];
	_ =	sdelay $0x1  }
0x56: {  	v32 =	vld [tilespmem:s20+$0x120];
	v2 =	vshll.u32 v2, $0x9  }
0x57: {  	v3 =	vshll.u32 v3, $0x4;
	v4 =	vshll.u32 v28, $0x9;
	v5 =	vshll.u32 v29, $0x4  }
0x58: {  	v33 =	vld [tilespmem:s20+$0x1A0];
	v35 =	vshll.u32 v30, $0x9;
	v2 =	vadd.s32 v2, v3;
	v3 =	vor.u32 v1, v3  }
0x59: {  	v36 =	vshll.u32 v31, $0x4;
	v2 =	vand.u32 $0xFFFFFF80, v2;
	v3 =	vand.u32 $0x7F, v3  }
0x5a: {  	v34 =	vor.u32 v1, v5;
	v2 =	vor.u32 v3, v2;
	v3 =	vadd.s32 v4, v5  }
0x5b: {  	v38 =	vshll.u32 v32, $0x9;
	v4 =	vand.u32 $0x7F, v34;
	v3 =	vand.u32 $0xFFFFFF80, v3  }
0x5c: {  	v37 =	vor.u32 v1, v36;
	v5 =	vadd.s32 v35, v36;
	v3 =	vor.u32 v4, v3  }
0x5d: {  	v39 =	vshll.u32 v33, $0x4;
	v5 =	vand.u32 $0xFFFFFF80, v5;
	v4 =	vand.u32 $0x7F, v37  }
0x5e: {  	v40 =	vld [tilespmem:s22+$0xB420];
	v41 =	vadd.s32 v38, v39;
	v42 =	vor.u32 v1, v39;
	v4 =	vor.u32 v4, v5  }
0x5f: {  	v6 =	vand.u32 $0x7F, v42;
	v5 =	vand.u32 $0xFFFFFF80, v41;
	v2 =	vld.idx.msk [tilespmem:v2+s3+$0x0], $0xffff  }
0x60: {  	v5 =	vor.u32 v6, v5  }
0x61: {  	v3 =	vld.idx.msk [tilespmem:v3+s3+$0x0], $0xffff;
	_ =	sdelay $0x1  }
0x62: {  	v4 =	vld.idx.msk [tilespmem:v4+s3+$0x0], $0xffff  }
0x63: {  	v2 =	vadd.f32 v2, v40  }
0x64: {  	v5 =	vld.idx.msk [tilespmem:v5+s3+$0x0], $0xffff  }
0x65: {  	v2 =	vadd.f32 v3, v2;
	_ =	sdelay $0x1  }
0x66: {  	v2 =	vadd.f32 v4, v2;
	_ =	sdelay $0x1  }
0x67: {  	v2 =	vadd.f32 v5, v2;
	_ =	sdelay $0x1  }
0x68: {  	[tilespmem:s22+$0xB420] =	vst v2  }
0x69: {  	v2 =	vld [tilespmem:s20+$0xFFFFFE30]  }
0x6a: {  	v3 =	vld [tilespmem:s20+$0xFFFFFEB0]  }
0x6b: {  	v43 =	vld [tilespmem:s20+$0xFFFFFF30]  }
0x6c: {  	v44 =	vld [tilespmem:s20+$0xFFFFFFB0]  }
0x6d: {  	v45 =	vld [tilespmem:s20+$0x30]  }
0x6e: {  	v46 =	vld [tilespmem:s20+$0xB0];
	_ =	sdelay $0x1  }
0x6f: {  	v47 =	vld [tilespmem:s20+$0x130];
	v2 =	vshll.u32 v2, $0x9  }
0x70: {  	v3 =	vshll.u32 v3, $0x4;
	v4 =	vshll.u32 v43, $0x9;
	v5 =	vshll.u32 v44, $0x4  }
0x71: {  	v48 =	vld [tilespmem:s20+$0x1B0];
	v50 =	vshll.u32 v45, $0x9;
	v2 =	vadd.s32 v2, v3;
	v3 =	vor.u32 v1, v3  }
0x72: {  	v51 =	vshll.u32 v46, $0x4;
	v2 =	vand.u32 $0xFFFFFF80, v2;
	v3 =	vand.u32 $0x7F, v3  }
0x73: {  	v49 =	vor.u32 v1, v5;
	v2 =	vor.u32 v3, v2;
	v3 =	vadd.s32 v4, v5  }
0x74: {  	v53 =	vshll.u32 v47, $0x9;
	v4 =	vand.u32 $0x7F, v49;
	v3 =	vand.u32 $0xFFFFFF80, v3  }
0x75: {  	v52 =	vor.u32 v1, v51;
	v5 =	vadd.s32 v50, v51;
	v3 =	vor.u32 v4, v3  }
0x76: {  	v54 =	vshll.u32 v48, $0x4;
	v5 =	vand.u32 $0xFFFFFF80, v5;
	v4 =	vand.u32 $0x7F, v52  }
0x77: {  	v55 =	vld [tilespmem:s22+$0xB430];
	v56 =	vadd.s32 v53, v54;
	v57 =	vor.u32 v1, v54;
	v4 =	vor.u32 v4, v5  }
0x78: {  	v6 =	vand.u32 $0x7F, v57;
	v5 =	vand.u32 $0xFFFFFF80, v56;
	v2 =	vld.idx.msk [tilespmem:v2+s3+$0x0], $0xffff  }
0x79: {  	v5 =	vor.u32 v6, v5  }
0x7a: {  	v3 =	vld.idx.msk [tilespmem:v3+s3+$0x0], $0xffff;
	_ =	sdelay $0x1  }
0x7b: {  	v4 =	vld.idx.msk [tilespmem:v4+s3+$0x0], $0xffff  }
0x7c: {  	v2 =	vadd.f32 v2, v55  }
0x7d: {  	v5 =	vld.idx.msk [tilespmem:v5+s3+$0x0], $0xffff  }
0x7e: {  	v2 =	vadd.f32 v3, v2;
	_ =	sdelay $0x1  }
0x7f: {  	v2 =	vadd.f32 v4, v2;
	_ =	sdelay $0x1  }
0x80: {  	v2 =	vadd.f32 v5, v2;
	_ =	sdelay $0x1  }
0x81: {  	[tilespmem:s22+$0xB430] =	vst v2  }
0x82: {  	v2 =	vld [tilespmem:s20+$0xFFFFFE40]  }
0x83: {  	v3 =	vld [tilespmem:s20+$0xFFFFFEC0]  }
0x84: {  	v58 =	vld [tilespmem:s20+$0xFFFFFF40]  }
0x85: {  	v59 =	vld [tilespmem:s20+$0xFFFFFFC0]  }
0x86: {  	v60 =	vld [tilespmem:s20+$0x40]  }
0x87: {  	v61 =	vld [tilespmem:s20+$0xC0];
	_ =	sdelay $0x1  }
0x88: {  	v62 =	vld [tilespmem:s20+$0x140];
	v2 =	vshll.u32 v2, $0x9  }
0x89: {  	v3 =	vshll.u32 v3, $0x4;
	v4 =	vshll.u32 v58, $0x9;
	v5 =	vshll.u32 v59, $0x4  }
0x8a: {  	v63 =	vld [tilespmem:s20+$0x1C0];
	v12 =	vshll.u32 v60, $0x9;
	v2 =	vadd.s32 v2, v3;
	v3 =	vor.u32 v1, v3  }
0x8b: {  	v13 =	vshll.u32 v61, $0x4;
	v2 =	vand.u32 $0xFFFFFF80, v2;
	v3 =	vand.u32 $0x7F, v3  }
0x8c: {  	v11 =	vor.u32 v1, v5;
	v2 =	vor.u32 v3, v2;
	v3 =	vadd.s32 v4, v5  }
0x8d: {  	v15 =	vshll.u32 v62, $0x9;
	v4 =	vand.u32 $0x7F, v11;
	v3 =	vand.u32 $0xFFFFFF80, v3  }
0x8e: {  	v14 =	vor.u32 v1, v13;
	v5 =	vadd.s32 v12, v13;
	v3 =	vor.u32 v4, v3  }
0x8f: {  	v16 =	vshll.u32 v63, $0x4;
	v5 =	vand.u32 $0xFFFFFF80, v5;
	v4 =	vand.u32 $0x7F, v14  }
0x90: {  	v17 =	vld [tilespmem:s22+$0xB440];
	v18 =	vadd.s32 v15, v16;
	v19 =	vor.u32 v1, v16;
	v4 =	vor.u32 v4, v5  }
0x91: {  	v6 =	vand.u32 $0x7F, v19;
	v5 =	vand.u32 $0xFFFFFF80, v18;
	v2 =	vld.idx.msk [tilespmem:v2+s3+$0x0], $0xffff  }
0x92: {  	v5 =	vor.u32 v6, v5  }
0x93: {  	v3 =	vld.idx.msk [tilespmem:v3+s3+$0x0], $0xffff;
	_ =	sdelay $0x1  }
0x94: {  	v4 =	vld.idx.msk [tilespmem:v4+s3+$0x0], $0xffff  }
0x95: {  	v2 =	vadd.f32 v2, v17  }
0x96: {  	v5 =	vld.idx.msk [tilespmem:v5+s3+$0x0], $0xffff  }
0x97: {  	v2 =	vadd.f32 v3, v2;
	_ =	sdelay $0x1  }
0x98: {  	v2 =	vadd.f32 v4, v2;
	_ =	sdelay $0x1  }
0x99: {  	v2 =	vadd.f32 v5, v2;
	_ =	sdelay $0x1  }
0x9a: {  	[tilespmem:s22+$0xB440] =	vst v2  }
0x9b: {  	v2 =	vld [tilespmem:s20+$0xFFFFFE50]  }
0x9c: {  	v3 =	vld [tilespmem:s20+$0xFFFFFED0]  }
0x9d: {  	v20 =	vld [tilespmem:s20+$0xFFFFFF50]  }
0x9e: {  	v21 =	vld [tilespmem:s20+$0xFFFFFFD0]  }
0x9f: {  	v22 =	vld [tilespmem:s20+$0x50]  }
0xa0: {  	v23 =	vld [tilespmem:s20+$0xD0];
	_ =	sdelay $0x1  }
0xa1: {  	v24 =	vld [tilespmem:s20+$0x150];
	v2 =	vshll.u32 v2, $0x9  }
0xa2: {  	v3 =	vshll.u32 v3, $0x4;
	v4 =	vshll.u32 v20, $0x9;
	v5 =	vshll.u32 v21, $0x4  }
0xa3: {  	v25 =	vld [tilespmem:s20+$0x1D0];
	v27 =	vshll.u32 v22, $0x9;
	v2 =	vadd.s32 v2, v3;
	v3 =	vor.u32 v1, v3  }
0xa4: {  	v28 =	vshll.u32 v23, $0x4;
	v2 =	vand.u32 $0xFFFFFF80, v2;
	v3 =	vand.u32 $0x7F, v3  }
0xa5: {  	v26 =	vor.u32 v1, v5;
	v2 =	vor.u32 v3, v2;
	v3 =	vadd.s32 v4, v5  }
0xa6: {  	v30 =	vshll.u32 v24, $0x9;
	v4 =	vand.u32 $0x7F, v26;
	v3 =	vand.u32 $0xFFFFFF80, v3  }
0xa7: {  	v29 =	vor.u32 v1, v28;
	v5 =	vadd.s32 v27, v28;
	v3 =	vor.u32 v4, v3  }
0xa8: {  	v31 =	vshll.u32 v25, $0x4;
	v5 =	vand.u32 $0xFFFFFF80, v5;
	v4 =	vand.u32 $0x7F, v29  }
0xa9: {  	v32 =	vld [tilespmem:s22+$0xB450];
	v33 =	vadd.s32 v30, v31;
	v34 =	vor.u32 v1, v31;
	v4 =	vor.u32 v4, v5  }
0xaa: {  	v6 =	vand.u32 $0x7F, v34;
	v5 =	vand.u32 $0xFFFFFF80, v33;
	v2 =	vld.idx.msk [tilespmem:v2+s3+$0x0], $0xffff  }
0xab: {  	v5 =	vor.u32 v6, v5  }
0xac: {  	v3 =	vld.idx.msk [tilespmem:v3+s3+$0x0], $0xffff;
	_ =	sdelay $0x1  }
0xad: {  	v4 =	vld.idx.msk [tilespmem:v4+s3+$0x0], $0xffff  }
0xae: {  	v2 =	vadd.f32 v2, v32  }
0xaf: {  	v5 =	vld.idx.msk [tilespmem:v5+s3+$0x0], $0xffff  }
0xb0: {  	v2 =	vadd.f32 v3, v2;
	_ =	sdelay $0x1  }
0xb1: {  	v2 =	vadd.f32 v4, v2;
	_ =	sdelay $0x1  }
0xb2: {  	v2 =	vadd.f32 v5, v2;
	_ =	sdelay $0x1  }
0xb3: {  	[tilespmem:s22+$0xB450] =	vst v2  }
0xb4: {  	v2 =	vld [tilespmem:s20+$0xFFFFFE60]  }
0xb5: {  	v3 =	vld [tilespmem:s20+$0xFFFFFEE0]  }
0xb6: {  	v35 =	vld [tilespmem:s20+$0xFFFFFF60]  }
0xb7: {  	v36 =	vld [tilespmem:s20+$0xFFFFFFE0]  }
0xb8: {  	v37 =	vld [tilespmem:s20+$0x60]  }
0xb9: {  	v38 =	vld [tilespmem:s20+$0xE0];
	_ =	sdelay $0x1  }
0xba: {  	v39 =	vld [tilespmem:s20+$0x160];
	v2 =	vshll.u32 v2, $0x9  }
0xbb: {  	v3 =	vshll.u32 v3, $0x4;
	v4 =	vshll.u32 v35, $0x9;
	v5 =	vshll.u32 v36, $0x4  }
0xbc: {  	v40 =	vld [tilespmem:s20+$0x1E0];
	v42 =	vshll.u32 v37, $0x9;
	v2 =	vadd.s32 v2, v3;
	v3 =	vor.u32 v1, v3  }
0xbd: {  	v43 =	vshll.u32 v38, $0x4;
	v2 =	vand.u32 $0xFFFFFF80, v2;
	v3 =	vand.u32 $0x7F, v3  }
0xbe: {  	v41 =	vor.u32 v1, v5;
	v2 =	vor.u32 v3, v2;
	v3 =	vadd.s32 v4, v5  }
0xbf: {  	v45 =	vshll.u32 v39, $0x9;
	v4 =	vand.u32 $0x7F, v41;
	v3 =	vand.u32 $0xFFFFFF80, v3  }
0xc0: {  	v44 =	vor.u32 v1, v43;
	v5 =	vadd.s32 v42, v43;
	v3 =	vor.u32 v4, v3  }
0xc1: {  	v46 =	vshll.u32 v40, $0x4;
	v5 =	vand.u32 $0xFFFFFF80, v5;
	v4 =	vand.u32 $0x7F, v44  }
0xc2: {  	v47 =	vld [tilespmem:s22+$0xB460];
	v48 =	vadd.s32 v45, v46;
	v49 =	vor.u32 v1, v46;
	v4 =	vor.u32 v4, v5  }
0xc3: {  	v6 =	vand.u32 $0x7F, v49;
	v5 =	vand.u32 $0xFFFFFF80, v48;
	v2 =	vld.idx.msk [tilespmem:v2+s3+$0x0], $0xffff  }
0xc4: {  	v5 =	vor.u32 v6, v5  }
0xc5: {  	v3 =	vld.idx.msk [tilespmem:v3+s3+$0x0], $0xffff;
	_ =	sdelay $0x1  }
0xc6: {  	v4 =	vld.idx.msk [tilespmem:v4+s3+$0x0], $0xffff  }
0xc7: {  	v2 =	vadd.f32 v2, v47  }
0xc8: {  	v5 =	vld.idx.msk [tilespmem:v5+s3+$0x0], $0xffff  }
0xc9: {  	v2 =	vadd.f32 v3, v2;
	_ =	sdelay $0x1  }
0xca: {  	v2 =	vadd.f32 v4, v2;
	_ =	sdelay $0x1  }
0xcb: {  	v2 =	vadd.f32 v5, v2;
	_ =	sdelay $0x1  }
0xcc: {  	[tilespmem:s22+$0xB460] =	vst v2  }
0xcd: {  	v2 =	vld [tilespmem:s20+$0xFFFFFE70]  }
0xce: {  	v3 =	vld [tilespmem:s20+$0xFFFFFEF0]  }
0xcf: {  	v50 =	vld [tilespmem:s20+$0xFFFFFF70]  }
0xd0: {  	v51 =	vld [tilespmem:s20+$0xFFFFFFF0]  }
0xd1: {  	v52 =	vld [tilespmem:s20+$0x70]  }
0xd2: {  	v53 =	vld [tilespmem:s20+$0xF0];
	_ =	sdelay $0x1  }
0xd3: {  	v54 =	vld [tilespmem:s20+$0x170];
	v2 =	vshll.u32 v2, $0x9  }
0xd4: {  	v3 =	vshll.u32 v3, $0x4;
	v4 =	vshll.u32 v50, $0x9;
	v5 =	vshll.u32 v51, $0x4  }
0xd5: {  	v55 =	vld [tilespmem:s20+$0x1F0];
	v57 =	vshll.u32 v52, $0x9;
	v2 =	vadd.s32 v2, v3;
	v3 =	vor.u32 v1, v3  }
0xd6: {  	v58 =	vshll.u32 v53, $0x4;
	v2 =	vand.u32 $0xFFFFFF80, v2;
	v3 =	vand.u32 $0x7F, v3  }
0xd7: {  	v56 =	vor.u32 v1, v5;
	v2 =	vor.u32 v3, v2;
	v3 =	vadd.s32 v4, v5  }
0xd8: {  	v60 =	vshll.u32 v54, $0x9;
	v4 =	vand.u32 $0x7F, v56;
	v3 =	vand.u32 $0xFFFFFF80, v3  }
0xd9: {  	v59 =	vor.u32 v1, v58;
	v5 =	vadd.s32 v57, v58;
	v3 =	vor.u32 v4, v3  }
0xda: {  	v61 =	vshll.u32 v55, $0x4;
	v5 =	vand.u32 $0xFFFFFF80, v5;
	v4 =	vand.u32 $0x7F, v59  }
0xdb: {  	v62 =	vld [tilespmem:s22+$0xB470];
	v6 =	vadd.s32 v60, v61;
	v7 =	vor.u32 v1, v61;
	v4 =	vor.u32 v4, v5  }
0xdc: {  	v6 =	vand.u32 $0xFFFFFF80, v6;
	v7 =	vand.u32 $0x7F, v7;
	v2 =	vld.idx.msk [tilespmem:v2+s3+$0x0], $0xffff  }
0xdd: {  	v6 =	vor.u32 v7, v6  }
0xde: {  	v3 =	vld.idx.msk [tilespmem:v3+s3+$0x0], $0xffff;
	_ =	sdelay $0x1  }
0xdf: {  	v4 =	vld.idx.msk [tilespmem:v4+s3+$0x0], $0xffff  }
0xe0: {  	v2 =	vadd.f32 v2, v62  }
0xe1: {  	v63 =	vld.idx.msk [tilespmem:v6+s3+$0x0], $0xffff  }
0xe2: {  	v2 =	vadd.f32 v3, v2  }
0xe3: {  	p0 =	sne.s32 s21, $0x2000  }
.Ltmp1:
0xe4: {  	v2 =	vadd.f32 v4, v2;
	(pc) =	sbr.rel @p0 .LBB2_5-.Ltmp1, $3  }
0xe5: {  	_ = 	snop  }
0xe6: {  	v2 =	vadd.f32 v63, v2;
	_ =	sdelay $0x1  }
0xe7: {  	s21 =	sadd.s32 $0x200, s21;
	s20 =	sadd.s32 $0x400, s20;
	[tilespmem:s22+$0xB470] =	vst v2  }
0xe8: {  	s20 =	sshll.u32 s19, $0x1  }
0xe9: {  	s21 =	sadd.s32 s20, s7  }
0xea: {  	s21 =	sshll.u32 s21, $0x11  }
0xeb: {  	s21 =	sor.u32 s8, s21  }
0xec: {  	s21 =	sshrl.u32 s21, $0x3  }
0xed: {  	s22 =	sadd.s32 s2, s21;
	s21 =	simm.s32 $0x0  }
0xee: {  	[tilespmem:s13], [sflag:$0x1] =	stream.linear.gather [hbm4b:s22+s21], $0x4400, $0x38;
	[tilespmem:$0xBC80] =	vst v63  }
0xef: {  	_ =	swait.ge [sflag:s16], $0x4400  }
0xf0: {  	[sflag:s16] =	ssyncset.done $0x0  }
0xf1: {  	s22 =	simm.s32 $0x7200;
	[sflag:s16] =	ssyncadd.s32 $0xFFFFBC00  }
.LBB2_7:
0xf2: {  	v2 =	vld [tilespmem:s22+$0xFFFFFE00]  }
0xf3: {  	v3 =	vld [tilespmem:s22+$0xFFFFFE80]  }
0xf4: {  	v4 =	vld [tilespmem:s22+$0xFFFFFF00]  }
0xf5: {  	v5 =	vld [tilespmem:s22+$0xFFFFFF80]  }
0xf6: {  	v6 =	vld [tilespmem:s22+$0x0]  }
0xf7: {  	v7 =	vld [tilespmem:s22+$0x80];
	_ =	sdelay $0x1  }
0xf8: {  	v8 =	vld [tilespmem:s22+$0x100];
	v2 =	vshll.u32 v2, $0x9  }
0xf9: {  	v3 =	vshll.u32 v3, $0x4;
	v4 =	vshll.u32 v4, $0x9;
	v5 =	vshll.u32 v5, $0x4  }
0xfa: {  	v9 =	vld [tilespmem:s22+$0x180];
	v58 =	vshll.u32 v6, $0x9;
	v2 =	vadd.s32 v2, v3;
	v3 =	vor.u32 v1, v3  }
0xfb: {  	v59 =	vshll.u32 v7, $0x4;
	v2 =	vand.u32 $0xFFFFFF80, v2;
	v3 =	vand.u32 $0x7F, v3  }
0xfc: {  	v57 =	vor.u32 v1, v5;
	v2 =	vor.u32 v3, v2;
	v3 =	vadd.s32 v4, v5  }
0xfd: {  	v61 =	vshll.u32 v8, $0x9;
	v4 =	vand.u32 $0x7F, v57;
	v3 =	vand.u32 $0xFFFFFF80, v3  }
0xfe: {  	v60 =	vor.u32 v1, v59;
	v5 =	vadd.s32 v58, v59;
	v3 =	vor.u32 v4, v3  }
0xff: {  	s23 =	sshra.s32 s21, $0x2;
	v62 =	vshll.u32 v9, $0x4;
	v5 =	vand.u32 $0xFFFFFF80, v5;
	v4 =	vand.u32 $0x7F, v60  }
0x100: {  	v63 =	vld [tilespmem:s23+$0xB400];
	v11 =	vadd.s32 v61, v62;
	v12 =	vor.u32 v1, v62;
	v4 =	vor.u32 v4, v5  }
0x101: {  	v6 =	vand.u32 $0x7F, v12;
	v5 =	vand.u32 $0xFFFFFF80, v11;
	v2 =	vld.idx.msk [tilespmem:v2+s3+$0x0], $0xffff  }
0x102: {  	v5 =	vor.u32 v6, v5  }
0x103: {  	v3 =	vld.idx.msk [tilespmem:v3+s3+$0x0], $0xffff;
	_ =	sdelay $0x1  }
0x104: {  	v4 =	vld.idx.msk [tilespmem:v4+s3+$0x0], $0xffff  }
0x105: {  	v2 =	vadd.f32 v2, v63  }
0x106: {  	v5 =	vld.idx.msk [tilespmem:v5+s3+$0x0], $0xffff  }
0x107: {  	v2 =	vadd.f32 v3, v2;
	_ =	sdelay $0x1  }
0x108: {  	v2 =	vadd.f32 v4, v2;
	_ =	sdelay $0x1  }
0x109: {  	v2 =	vadd.f32 v5, v2;
	_ =	sdelay $0x1  }
0x10a: {  	[tilespmem:s23+$0xB400] =	vst v2  }
0x10b: {  	v2 =	vld [tilespmem:s22+$0xFFFFFE10]  }
0x10c: {  	v3 =	vld [tilespmem:s22+$0xFFFFFE90]  }
0x10d: {  	v13 =	vld [tilespmem:s22+$0xFFFFFF10]  }
0x10e: {  	v14 =	vld [tilespmem:s22+$0xFFFFFF90]  }
0x10f: {  	v15 =	vld [tilespmem:s22+$0x10]  }
0x110: {  	v16 =	vld [tilespmem:s22+$0x90];
	_ =	sdelay $0x1  }
0x111: {  	v17 =	vld [tilespmem:s22+$0x110];
	v2 =	vshll.u32 v2, $0x9  }
0x112: {  	v3 =	vshll.u32 v3, $0x4;
	v4 =	vshll.u32 v13, $0x9;
	v5 =	vshll.u32 v14, $0x4  }
0x113: {  	v18 =	vld [tilespmem:s22+$0x190];
	v20 =	vshll.u32 v15, $0x9;
	v2 =	vadd.s32 v2, v3;
	v3 =	vor.u32 v1, v3  }
0x114: {  	v21 =	vshll.u32 v16, $0x4;
	v2 =	vand.u32 $0xFFFFFF80, v2;
	v3 =	vand.u32 $0x7F, v3  }
0x115: {  	v19 =	vor.u32 v1, v5;
	v2 =	vor.u32 v3, v2;
	v3 =	vadd.s32 v4, v5  }
0x116: {  	v23 =	vshll.u32 v17, $0x9;
	v4 =	vand.u32 $0x7F, v19;
	v3 =	vand.u32 $0xFFFFFF80, v3  }
0x117: {  	v22 =	vor.u32 v1, v21;
	v5 =	vadd.s32 v20, v21;
	v3 =	vor.u32 v4, v3  }
0x118: {  	v24 =	vshll.u32 v18, $0x4;
	v5 =	vand.u32 $0xFFFFFF80, v5;
	v4 =	vand.u32 $0x7F, v22  }
0x119: {  	v25 =	vld [tilespmem:s23+$0xB410];
	v26 =	vadd.s32 v23, v24;
	v27 =	vor.u32 v1, v24;
	v4 =	vor.u32 v4, v5  }
0x11a: {  	v6 =	vand.u32 $0x7F, v27;
	v5 =	vand.u32 $0xFFFFFF80, v26;
	v2 =	vld.idx.msk [tilespmem:v2+s3+$0x0], $0xffff  }
0x11b: {  	v5 =	vor.u32 v6, v5  }
0x11c: {  	v3 =	vld.idx.msk [tilespmem:v3+s3+$0x0], $0xffff;
	_ =	sdelay $0x1  }
0x11d: {  	v4 =	vld.idx.msk [tilespmem:v4+s3+$0x0], $0xffff  }
0x11e: {  	v2 =	vadd.f32 v2, v25  }
0x11f: {  	v5 =	vld.idx.msk [tilespmem:v5+s3+$0x0], $0xffff  }
0x120: {  	v2 =	vadd.f32 v3, v2;
	_ =	sdelay $0x1  }
0x121: {  	v2 =	vadd.f32 v4, v2;
	_ =	sdelay $0x1  }
0x122: {  	v2 =	vadd.f32 v5, v2;
	_ =	sdelay $0x1  }
0x123: {  	[tilespmem:s23+$0xB410] =	vst v2  }
0x124: {  	v2 =	vld [tilespmem:s22+$0xFFFFFE20]  }
0x125: {  	v3 =	vld [tilespmem:s22+$0xFFFFFEA0]  }
0x126: {  	v28 =	vld [tilespmem:s22+$0xFFFFFF20]  }
0x127: {  	v29 =	vld [tilespmem:s22+$0xFFFFFFA0]  }
0x128: {  	v30 =	vld [tilespmem:s22+$0x20]  }
0x129: {  	v31 =	vld [tilespmem:s22+$0xA0];
	_ =	sdelay $0x1  }
0x12a: {  	v32 =	vld [tilespmem:s22+$0x120];
	v2 =	vshll.u32 v2, $0x9  }
0x12b: {  	v3 =	vshll.u32 v3, $0x4;
	v4 =	vshll.u32 v28, $0x9;
	v5 =	vshll.u32 v29, $0x4  }
0x12c: {  	v33 =	vld [tilespmem:s22+$0x1A0];
	v35 =	vshll.u32 v30, $0x9;
	v2 =	vadd.s32 v2, v3;
	v3 =	vor.u32 v1, v3  }
0x12d: {  	v36 =	vshll.u32 v31, $0x4;
	v2 =	vand.u32 $0xFFFFFF80, v2;
	v3 =	vand.u32 $0x7F, v3  }
0x12e: {  	v34 =	vor.u32 v1, v5;
	v2 =	vor.u32 v3, v2;
	v3 =	vadd.s32 v4, v5  }
0x12f: {  	v38 =	vshll.u32 v32, $0x9;
	v4 =	vand.u32 $0x7F, v34;
	v3 =	vand.u32 $0xFFFFFF80, v3  }
0x130: {  	v37 =	vor.u32 v1, v36;
	v5 =	vadd.s32 v35, v36;
	v3 =	vor.u32 v4, v3  }
0x131: {  	v39 =	vshll.u32 v33, $0x4;
	v5 =	vand.u32 $0xFFFFFF80, v5;
	v4 =	vand.u32 $0x7F, v37  }
0x132: {  	v40 =	vld [tilespmem:s23+$0xB420];
	v41 =	vadd.s32 v38, v39;
	v42 =	vor.u32 v1, v39;
	v4 =	vor.u32 v4, v5  }
0x133: {  	v6 =	vand.u32 $0x7F, v42;
	v5 =	vand.u32 $0xFFFFFF80, v41;
	v2 =	vld.idx.msk [tilespmem:v2+s3+$0x0], $0xffff  }
0x134: {  	v5 =	vor.u32 v6, v5  }
0x135: {  	v3 =	vld.idx.msk [tilespmem:v3+s3+$0x0], $0xffff;
	_ =	sdelay $0x1  }
0x136: {  	v4 =	vld.idx.msk [tilespmem:v4+s3+$0x0], $0xffff  }
0x137: {  	v2 =	vadd.f32 v2, v40  }
0x138: {  	v5 =	vld.idx.msk [tilespmem:v5+s3+$0x0], $0xffff  }
0x139: {  	v2 =	vadd.f32 v3, v2;
	_ =	sdelay $0x1  }
0x13a: {  	v2 =	vadd.f32 v4, v2;
	_ =	sdelay $0x1  }
0x13b: {  	v2 =	vadd.f32 v5, v2;
	_ =	sdelay $0x1  }
0x13c: {  	[tilespmem:s23+$0xB420] =	vst v2  }
0x13d: {  	v2 =	vld [tilespmem:s22+$0xFFFFFE30]  }
0x13e: {  	v3 =	vld [tilespmem:s22+$0xFFFFFEB0]  }
0x13f: {  	v43 =	vld [tilespmem:s22+$0xFFFFFF30]  }
0x140: {  	v44 =	vld [tilespmem:s22+$0xFFFFFFB0]  }
0x141: {  	v45 =	vld [tilespmem:s22+$0x30]  }
0x142: {  	v46 =	vld [tilespmem:s22+$0xB0];
	_ =	sdelay $0x1  }
0x143: {  	v47 =	vld [tilespmem:s22+$0x130];
	v2 =	vshll.u32 v2, $0x9  }
0x144: {  	v3 =	vshll.u32 v3, $0x4;
	v4 =	vshll.u32 v43, $0x9;
	v5 =	vshll.u32 v44, $0x4  }
0x145: {  	v48 =	vld [tilespmem:s22+$0x1B0];
	v50 =	vshll.u32 v45, $0x9;
	v2 =	vadd.s32 v2, v3;
	v3 =	vor.u32 v1, v3  }
0x146: {  	v51 =	vshll.u32 v46, $0x4;
	v2 =	vand.u32 $0xFFFFFF80, v2;
	v3 =	vand.u32 $0x7F, v3  }
0x147: {  	v49 =	vor.u32 v1, v5;
	v2 =	vor.u32 v3, v2;
	v3 =	vadd.s32 v4, v5  }
0x148: {  	v53 =	vshll.u32 v47, $0x9;
	v4 =	vand.u32 $0x7F, v49;
	v3 =	vand.u32 $0xFFFFFF80, v3  }
0x149: {  	v52 =	vor.u32 v1, v51;
	v5 =	vadd.s32 v50, v51;
	v3 =	vor.u32 v4, v3  }
0x14a: {  	v54 =	vshll.u32 v48, $0x4;
	v5 =	vand.u32 $0xFFFFFF80, v5;
	v4 =	vand.u32 $0x7F, v52  }
0x14b: {  	v55 =	vld [tilespmem:s23+$0xB430];
	v56 =	vadd.s32 v53, v54;
	v57 =	vor.u32 v1, v54;
	v4 =	vor.u32 v4, v5  }
0x14c: {  	v6 =	vand.u32 $0x7F, v57;
	v5 =	vand.u32 $0xFFFFFF80, v56;
	v2 =	vld.idx.msk [tilespmem:v2+s3+$0x0], $0xffff  }
0x14d: {  	v5 =	vor.u32 v6, v5  }
0x14e: {  	v3 =	vld.idx.msk [tilespmem:v3+s3+$0x0], $0xffff;
	_ =	sdelay $0x1  }
0x14f: {  	v4 =	vld.idx.msk [tilespmem:v4+s3+$0x0], $0xffff  }
0x150: {  	v2 =	vadd.f32 v2, v55  }
0x151: {  	v5 =	vld.idx.msk [tilespmem:v5+s3+$0x0], $0xffff  }
0x152: {  	v2 =	vadd.f32 v3, v2;
	_ =	sdelay $0x1  }
0x153: {  	v2 =	vadd.f32 v4, v2;
	_ =	sdelay $0x1  }
0x154: {  	v2 =	vadd.f32 v5, v2;
	_ =	sdelay $0x1  }
0x155: {  	[tilespmem:s23+$0xB430] =	vst v2  }
0x156: {  	v2 =	vld [tilespmem:s22+$0xFFFFFE40]  }
0x157: {  	v3 =	vld [tilespmem:s22+$0xFFFFFEC0]  }
0x158: {  	v58 =	vld [tilespmem:s22+$0xFFFFFF40]  }
0x159: {  	v59 =	vld [tilespmem:s22+$0xFFFFFFC0]  }
0x15a: {  	v60 =	vld [tilespmem:s22+$0x40]  }
0x15b: {  	v61 =	vld [tilespmem:s22+$0xC0];
	_ =	sdelay $0x1  }
0x15c: {  	v62 =	vld [tilespmem:s22+$0x140];
	v2 =	vshll.u32 v2, $0x9  }
0x15d: {  	v3 =	vshll.u32 v3, $0x4;
	v4 =	vshll.u32 v58, $0x9;
	v5 =	vshll.u32 v59, $0x4  }
0x15e: {  	v63 =	vld [tilespmem:s22+$0x1C0];
	v12 =	vshll.u32 v60, $0x9;
	v2 =	vadd.s32 v2, v3;
	v3 =	vor.u32 v1, v3  }
0x15f: {  	v13 =	vshll.u32 v61, $0x4;
	v2 =	vand.u32 $0xFFFFFF80, v2;
	v3 =	vand.u32 $0x7F, v3  }
0x160: {  	v11 =	vor.u32 v1, v5;
	v2 =	vor.u32 v3, v2;
	v3 =	vadd.s32 v4, v5  }
0x161: {  	v15 =	vshll.u32 v62, $0x9;
	v4 =	vand.u32 $0x7F, v11;
	v3 =	vand.u32 $0xFFFFFF80, v3  }
0x162: {  	v14 =	vor.u32 v1, v13;
	v5 =	vadd.s32 v12, v13;
	v3 =	vor.u32 v4, v3  }
0x163: {  	v16 =	vshll.u32 v63, $0x4;
	v5 =	vand.u32 $0xFFFFFF80, v5;
	v4 =	vand.u32 $0x7F, v14  }
0x164: {  	v17 =	vld [tilespmem:s23+$0xB440];
	v18 =	vadd.s32 v15, v16;
	v19 =	vor.u32 v1, v16;
	v4 =	vor.u32 v4, v5  }
0x165: {  	v6 =	vand.u32 $0x7F, v19;
	v5 =	vand.u32 $0xFFFFFF80, v18;
	v2 =	vld.idx.msk [tilespmem:v2+s3+$0x0], $0xffff  }
0x166: {  	v5 =	vor.u32 v6, v5  }
0x167: {  	v3 =	vld.idx.msk [tilespmem:v3+s3+$0x0], $0xffff;
	_ =	sdelay $0x1  }
0x168: {  	v4 =	vld.idx.msk [tilespmem:v4+s3+$0x0], $0xffff  }
0x169: {  	v2 =	vadd.f32 v2, v17  }
0x16a: {  	v5 =	vld.idx.msk [tilespmem:v5+s3+$0x0], $0xffff  }
0x16b: {  	v2 =	vadd.f32 v3, v2;
	_ =	sdelay $0x1  }
0x16c: {  	v2 =	vadd.f32 v4, v2;
	_ =	sdelay $0x1  }
0x16d: {  	v2 =	vadd.f32 v5, v2;
	_ =	sdelay $0x1  }
0x16e: {  	[tilespmem:s23+$0xB440] =	vst v2  }
0x16f: {  	v2 =	vld [tilespmem:s22+$0xFFFFFE50]  }
0x170: {  	v3 =	vld [tilespmem:s22+$0xFFFFFED0]  }
0x171: {  	v20 =	vld [tilespmem:s22+$0xFFFFFF50]  }
0x172: {  	v21 =	vld [tilespmem:s22+$0xFFFFFFD0]  }
0x173: {  	v22 =	vld [tilespmem:s22+$0x50]  }
0x174: {  	v23 =	vld [tilespmem:s22+$0xD0];
	_ =	sdelay $0x1  }
0x175: {  	v24 =	vld [tilespmem:s22+$0x150];
	v2 =	vshll.u32 v2, $0x9  }
0x176: {  	v3 =	vshll.u32 v3, $0x4;
	v4 =	vshll.u32 v20, $0x9;
	v5 =	vshll.u32 v21, $0x4  }
0x177: {  	v25 =	vld [tilespmem:s22+$0x1D0];
	v27 =	vshll.u32 v22, $0x9;
	v2 =	vadd.s32 v2, v3;
	v3 =	vor.u32 v1, v3  }
0x178: {  	v28 =	vshll.u32 v23, $0x4;
	v2 =	vand.u32 $0xFFFFFF80, v2;
	v3 =	vand.u32 $0x7F, v3  }
0x179: {  	v26 =	vor.u32 v1, v5;
	v2 =	vor.u32 v3, v2;
	v3 =	vadd.s32 v4, v5  }
0x17a: {  	v30 =	vshll.u32 v24, $0x9;
	v4 =	vand.u32 $0x7F, v26;
	v3 =	vand.u32 $0xFFFFFF80, v3  }
0x17b: {  	v29 =	vor.u32 v1, v28;
	v5 =	vadd.s32 v27, v28;
	v3 =	vor.u32 v4, v3  }
0x17c: {  	v31 =	vshll.u32 v25, $0x4;
	v5 =	vand.u32 $0xFFFFFF80, v5;
	v4 =	vand.u32 $0x7F, v29  }
0x17d: {  	v32 =	vld [tilespmem:s23+$0xB450];
	v33 =	vadd.s32 v30, v31;
	v34 =	vor.u32 v1, v31;
	v4 =	vor.u32 v4, v5  }
0x17e: {  	v6 =	vand.u32 $0x7F, v34;
	v5 =	vand.u32 $0xFFFFFF80, v33;
	v2 =	vld.idx.msk [tilespmem:v2+s3+$0x0], $0xffff  }
0x17f: {  	v5 =	vor.u32 v6, v5  }
0x180: {  	v3 =	vld.idx.msk [tilespmem:v3+s3+$0x0], $0xffff;
	_ =	sdelay $0x1  }
0x181: {  	v4 =	vld.idx.msk [tilespmem:v4+s3+$0x0], $0xffff  }
0x182: {  	v2 =	vadd.f32 v2, v32  }
0x183: {  	v5 =	vld.idx.msk [tilespmem:v5+s3+$0x0], $0xffff  }
0x184: {  	v2 =	vadd.f32 v3, v2;
	_ =	sdelay $0x1  }
0x185: {  	v2 =	vadd.f32 v4, v2;
	_ =	sdelay $0x1  }
0x186: {  	v2 =	vadd.f32 v5, v2;
	_ =	sdelay $0x1  }
0x187: {  	[tilespmem:s23+$0xB450] =	vst v2  }
0x188: {  	v2 =	vld [tilespmem:s22+$0xFFFFFE60]  }
0x189: {  	v3 =	vld [tilespmem:s22+$0xFFFFFEE0]  }
0x18a: {  	v35 =	vld [tilespmem:s22+$0xFFFFFF60]  }
0x18b: {  	v36 =	vld [tilespmem:s22+$0xFFFFFFE0]  }
0x18c: {  	v37 =	vld [tilespmem:s22+$0x60]  }
0x18d: {  	v38 =	vld [tilespmem:s22+$0xE0];
	_ =	sdelay $0x1  }
0x18e: {  	v39 =	vld [tilespmem:s22+$0x160];
	v2 =	vshll.u32 v2, $0x9  }
0x18f: {  	v3 =	vshll.u32 v3, $0x4;
	v4 =	vshll.u32 v35, $0x9;
	v5 =	vshll.u32 v36, $0x4  }
0x190: {  	v40 =	vld [tilespmem:s22+$0x1E0];
	v42 =	vshll.u32 v37, $0x9;
	v2 =	vadd.s32 v2, v3;
	v3 =	vor.u32 v1, v3  }
0x191: {  	v43 =	vshll.u32 v38, $0x4;
	v2 =	vand.u32 $0xFFFFFF80, v2;
	v3 =	vand.u32 $0x7F, v3  }
0x192: {  	v41 =	vor.u32 v1, v5;
	v2 =	vor.u32 v3, v2;
	v3 =	vadd.s32 v4, v5  }
0x193: {  	v45 =	vshll.u32 v39, $0x9;
	v4 =	vand.u32 $0x7F, v41;
	v3 =	vand.u32 $0xFFFFFF80, v3  }
0x194: {  	v44 =	vor.u32 v1, v43;
	v5 =	vadd.s32 v42, v43;
	v3 =	vor.u32 v4, v3  }
0x195: {  	v46 =	vshll.u32 v40, $0x4;
	v5 =	vand.u32 $0xFFFFFF80, v5;
	v4 =	vand.u32 $0x7F, v44  }
0x196: {  	v47 =	vld [tilespmem:s23+$0xB460];
	v48 =	vadd.s32 v45, v46;
	v49 =	vor.u32 v1, v46;
	v4 =	vor.u32 v4, v5  }
0x197: {  	v6 =	vand.u32 $0x7F, v49;
	v5 =	vand.u32 $0xFFFFFF80, v48;
	v2 =	vld.idx.msk [tilespmem:v2+s3+$0x0], $0xffff  }
0x198: {  	v5 =	vor.u32 v6, v5  }
0x199: {  	v3 =	vld.idx.msk [tilespmem:v3+s3+$0x0], $0xffff;
	_ =	sdelay $0x1  }
0x19a: {  	v4 =	vld.idx.msk [tilespmem:v4+s3+$0x0], $0xffff  }
0x19b: {  	v2 =	vadd.f32 v2, v47  }
0x19c: {  	v5 =	vld.idx.msk [tilespmem:v5+s3+$0x0], $0xffff  }
0x19d: {  	v2 =	vadd.f32 v3, v2;
	_ =	sdelay $0x1  }
0x19e: {  	v2 =	vadd.f32 v4, v2;
	_ =	sdelay $0x1  }
0x19f: {  	v2 =	vadd.f32 v5, v2;
	_ =	sdelay $0x1  }
0x1a0: {  	[tilespmem:s23+$0xB460] =	vst v2  }
0x1a1: {  	v2 =	vld [tilespmem:s22+$0xFFFFFE70]  }
0x1a2: {  	v3 =	vld [tilespmem:s22+$0xFFFFFEF0]  }
0x1a3: {  	v50 =	vld [tilespmem:s22+$0xFFFFFF70]  }
0x1a4: {  	v51 =	vld [tilespmem:s22+$0xFFFFFFF0]  }
0x1a5: {  	v52 =	vld [tilespmem:s22+$0x70]  }
0x1a6: {  	v53 =	vld [tilespmem:s22+$0xF0];
	_ =	sdelay $0x1  }
0x1a7: {  	v54 =	vld [tilespmem:s22+$0x170];
	v2 =	vshll.u32 v2, $0x9  }
0x1a8: {  	v3 =	vshll.u32 v3, $0x4;
	v4 =	vshll.u32 v50, $0x9;
	v5 =	vshll.u32 v51, $0x4  }
0x1a9: {  	v55 =	vld [tilespmem:s22+$0x1F0];
	v57 =	vshll.u32 v52, $0x9;
	v2 =	vadd.s32 v2, v3;
	v3 =	vor.u32 v1, v3  }
0x1aa: {  	v58 =	vshll.u32 v53, $0x4;
	v2 =	vand.u32 $0xFFFFFF80, v2;
	v3 =	vand.u32 $0x7F, v3  }
0x1ab: {  	v56 =	vor.u32 v1, v5;
	v2 =	vor.u32 v3, v2;
	v3 =	vadd.s32 v4, v5  }
0x1ac: {  	v60 =	vshll.u32 v54, $0x9;
	v4 =	vand.u32 $0x7F, v56;
	v3 =	vand.u32 $0xFFFFFF80, v3  }
0x1ad: {  	v59 =	vor.u32 v1, v58;
	v5 =	vadd.s32 v57, v58;
	v3 =	vor.u32 v4, v3  }
0x1ae: {  	v61 =	vshll.u32 v55, $0x4;
	v5 =	vand.u32 $0xFFFFFF80, v5;
	v4 =	vand.u32 $0x7F, v59  }
0x1af: {  	v62 =	vld [tilespmem:s23+$0xB470];
	v6 =	vadd.s32 v60, v61;
	v7 =	vor.u32 v1, v61;
	v4 =	vor.u32 v4, v5  }
0x1b0: {  	v6 =	vand.u32 $0xFFFFFF80, v6;
	v7 =	vand.u32 $0x7F, v7;
	v2 =	vld.idx.msk [tilespmem:v2+s3+$0x0], $0xffff  }
0x1b1: {  	v6 =	vor.u32 v7, v6  }
0x1b2: {  	v3 =	vld.idx.msk [tilespmem:v3+s3+$0x0], $0xffff;
	_ =	sdelay $0x1  }
0x1b3: {  	v4 =	vld.idx.msk [tilespmem:v4+s3+$0x0], $0xffff  }
0x1b4: {  	v2 =	vadd.f32 v2, v62  }
0x1b5: {  	v63 =	vld.idx.msk [tilespmem:v6+s3+$0x0], $0xffff  }
0x1b6: {  	v2 =	vadd.f32 v3, v2  }
0x1b7: {  	p0 =	sne.s32 s21, $0x2000  }
.Ltmp2:
0x1b8: {  	v2 =	vadd.f32 v4, v2;
	(pc) =	sbr.rel @p0 .LBB2_7-.Ltmp2, $3  }
0x1b9: {  	_ = 	snop  }
0x1ba: {  	v2 =	vadd.f32 v63, v2;
	_ =	sdelay $0x1  }
0x1bb: {  	s21 =	sadd.s32 $0x200, s21;
	s22 =	sadd.s32 $0x400, s22;
	[tilespmem:s23+$0xB470] =	vst v2  }
0x1bc: {  	p0 =	seq.s32 s19, $0xB  }
.Ltmp3:
0x1bd: {  	_ = 	snop;
	(pc) =	sbr.rel @p0 .LBB2_10-.Ltmp3, $1  }
0x1be: {  	_ =	sdelay $0x3  }
0x1bf: {  	s20 =	sadd.s32 s20, s9  }
.Ltmp4:
0x1c0: {  	s20 =	sshll.u32 s20, $0x11;
	(pc) =	sbr.rel .LBB2_4-.Ltmp4, $4  }
0x1c1: {  	s20 =	sor.u32 s8, s20  }
0x1c2: {  	s20 =	sshrl.u32 s20, $0x3  }
0x1c3: {  	s19 =	sadd.s32 $0x1, s19;
	s20 =	sadd.s32 s2, s20  }
0x1c4: {  	[tilespmem:s14], [sflag:$0x2] =	stream.linear.gather [hbm4b:s20+s3], $0x4400, $0x38;
	[tilespmem:$0xBC80] =	vst v63  }
.LBB2_10:
0x1c5: {  	_ =	swait.ge [sflag:s15], $0x4400  }
0x1c6: {  	s19 =	simm.s32 $0x0;
	[sflag:s15] =	ssyncset.done $0x0  }
0x1c7: {  	s20 =	simm.s32 $0x2E00;
	s21 =	simm.s32 $0x0;
	[sflag:s15] =	ssyncadd.s32 $0xFFFFBC00  }
.LBB2_11:
0x1c8: {  	v2 =	vld [tilespmem:s20+$0xFFFFFE00]  }
0x1c9: {  	v3 =	vld [tilespmem:s20+$0xFFFFFE80]  }
0x1ca: {  	v4 =	vld [tilespmem:s20+$0xFFFFFF00]  }
0x1cb: {  	v5 =	vld [tilespmem:s20+$0xFFFFFF80]  }
0x1cc: {  	v6 =	vld [tilespmem:s20+$0x0]  }
0x1cd: {  	v7 =	vld [tilespmem:s20+$0x80];
	_ =	sdelay $0x1  }
0x1ce: {  	v8 =	vld [tilespmem:s20+$0x100];
	v2 =	vshll.u32 v2, $0x9  }
0x1cf: {  	v3 =	vshll.u32 v3, $0x4;
	v4 =	vshll.u32 v4, $0x9;
	v5 =	vshll.u32 v5, $0x4  }
0x1d0: {  	v9 =	vld [tilespmem:s20+$0x180];
	v58 =	vshll.u32 v6, $0x9;
	v2 =	vadd.s32 v2, v3;
	v3 =	vor.u32 v1, v3  }
0x1d1: {  	v59 =	vshll.u32 v7, $0x4;
	v2 =	vand.u32 $0xFFFFFF80, v2;
	v3 =	vand.u32 $0x7F, v3  }
0x1d2: {  	v57 =	vor.u32 v1, v5;
	v2 =	vor.u32 v3, v2;
	v3 =	vadd.s32 v4, v5  }
0x1d3: {  	v61 =	vshll.u32 v8, $0x9;
	v4 =	vand.u32 $0x7F, v57;
	v3 =	vand.u32 $0xFFFFFF80, v3  }
0x1d4: {  	v60 =	vor.u32 v1, v59;
	v5 =	vadd.s32 v58, v59;
	v3 =	vor.u32 v4, v3  }
0x1d5: {  	s22 =	sshra.s32 s21, $0x2;
	v62 =	vshll.u32 v9, $0x4;
	v5 =	vand.u32 $0xFFFFFF80, v5;
	v4 =	vand.u32 $0x7F, v60  }
0x1d6: {  	v63 =	vld [tilespmem:s22+$0xB400];
	v11 =	vadd.s32 v61, v62;
	v12 =	vor.u32 v1, v62;
	v4 =	vor.u32 v4, v5  }
0x1d7: {  	v6 =	vand.u32 $0x7F, v12;
	v5 =	vand.u32 $0xFFFFFF80, v11;
	v2 =	vld.idx.msk [tilespmem:v2+s19+$0x0], $0xffff  }
0x1d8: {  	v5 =	vor.u32 v6, v5  }
0x1d9: {  	v3 =	vld.idx.msk [tilespmem:v3+s19+$0x0], $0xffff;
	_ =	sdelay $0x1  }
0x1da: {  	v4 =	vld.idx.msk [tilespmem:v4+s19+$0x0], $0xffff  }
0x1db: {  	v2 =	vadd.f32 v2, v63  }
0x1dc: {  	v5 =	vld.idx.msk [tilespmem:v5+s19+$0x0], $0xffff  }
0x1dd: {  	v2 =	vadd.f32 v3, v2;
	_ =	sdelay $0x1  }
0x1de: {  	v2 =	vadd.f32 v4, v2;
	_ =	sdelay $0x1  }
0x1df: {  	v2 =	vadd.f32 v5, v2;
	_ =	sdelay $0x1  }
0x1e0: {  	[tilespmem:s22+$0xB400] =	vst v2  }
0x1e1: {  	v2 =	vld [tilespmem:s20+$0xFFFFFE10]  }
0x1e2: {  	v3 =	vld [tilespmem:s20+$0xFFFFFE90]  }
0x1e3: {  	v13 =	vld [tilespmem:s20+$0xFFFFFF10]  }
0x1e4: {  	v14 =	vld [tilespmem:s20+$0xFFFFFF90]  }
0x1e5: {  	v15 =	vld [tilespmem:s20+$0x10]  }
0x1e6: {  	v16 =	vld [tilespmem:s20+$0x90];
	_ =	sdelay $0x1  }
0x1e7: {  	v17 =	vld [tilespmem:s20+$0x110];
	v2 =	vshll.u32 v2, $0x9  }
0x1e8: {  	v3 =	vshll.u32 v3, $0x4;
	v4 =	vshll.u32 v13, $0x9;
	v5 =	vshll.u32 v14, $0x4  }
0x1e9: {  	v18 =	vld [tilespmem:s20+$0x190];
	v20 =	vshll.u32 v15, $0x9;
	v2 =	vadd.s32 v2, v3;
	v3 =	vor.u32 v1, v3  }
0x1ea: {  	v21 =	vshll.u32 v16, $0x4;
	v2 =	vand.u32 $0xFFFFFF80, v2;
	v3 =	vand.u32 $0x7F, v3  }
0x1eb: {  	v19 =	vor.u32 v1, v5;
	v2 =	vor.u32 v3, v2;
	v3 =	vadd.s32 v4, v5  }
0x1ec: {  	v23 =	vshll.u32 v17, $0x9;
	v4 =	vand.u32 $0x7F, v19;
	v3 =	vand.u32 $0xFFFFFF80, v3  }
0x1ed: {  	v22 =	vor.u32 v1, v21;
	v5 =	vadd.s32 v20, v21;
	v3 =	vor.u32 v4, v3  }
0x1ee: {  	v24 =	vshll.u32 v18, $0x4;
	v5 =	vand.u32 $0xFFFFFF80, v5;
	v4 =	vand.u32 $0x7F, v22  }
0x1ef: {  	v25 =	vld [tilespmem:s22+$0xB410];
	v26 =	vadd.s32 v23, v24;
	v27 =	vor.u32 v1, v24;
	v4 =	vor.u32 v4, v5  }
0x1f0: {  	v6 =	vand.u32 $0x7F, v27;
	v5 =	vand.u32 $0xFFFFFF80, v26;
	v2 =	vld.idx.msk [tilespmem:v2+s19+$0x0], $0xffff  }
0x1f1: {  	v5 =	vor.u32 v6, v5  }
0x1f2: {  	v3 =	vld.idx.msk [tilespmem:v3+s19+$0x0], $0xffff;
	_ =	sdelay $0x1  }
0x1f3: {  	v4 =	vld.idx.msk [tilespmem:v4+s19+$0x0], $0xffff  }
0x1f4: {  	v2 =	vadd.f32 v2, v25  }
0x1f5: {  	v5 =	vld.idx.msk [tilespmem:v5+s19+$0x0], $0xffff  }
0x1f6: {  	v2 =	vadd.f32 v3, v2;
	_ =	sdelay $0x1  }
0x1f7: {  	v2 =	vadd.f32 v4, v2;
	_ =	sdelay $0x1  }
0x1f8: {  	v2 =	vadd.f32 v5, v2;
	_ =	sdelay $0x1  }
0x1f9: {  	[tilespmem:s22+$0xB410] =	vst v2  }
0x1fa: {  	v2 =	vld [tilespmem:s20+$0xFFFFFE20]  }
0x1fb: {  	v3 =	vld [tilespmem:s20+$0xFFFFFEA0]  }
0x1fc: {  	v28 =	vld [tilespmem:s20+$0xFFFFFF20]  }
0x1fd: {  	v29 =	vld [tilespmem:s20+$0xFFFFFFA0]  }
0x1fe: {  	v30 =	vld [tilespmem:s20+$0x20]  }
0x1ff: {  	v31 =	vld [tilespmem:s20+$0xA0];
	_ =	sdelay $0x1  }
0x200: {  	v32 =	vld [tilespmem:s20+$0x120];
	v2 =	vshll.u32 v2, $0x9  }
0x201: {  	v3 =	vshll.u32 v3, $0x4;
	v4 =	vshll.u32 v28, $0x9;
	v5 =	vshll.u32 v29, $0x4  }
0x202: {  	v33 =	vld [tilespmem:s20+$0x1A0];
	v35 =	vshll.u32 v30, $0x9;
	v2 =	vadd.s32 v2, v3;
	v3 =	vor.u32 v1, v3  }
0x203: {  	v36 =	vshll.u32 v31, $0x4;
	v2 =	vand.u32 $0xFFFFFF80, v2;
	v3 =	vand.u32 $0x7F, v3  }
0x204: {  	v34 =	vor.u32 v1, v5;
	v2 =	vor.u32 v3, v2;
	v3 =	vadd.s32 v4, v5  }
0x205: {  	v38 =	vshll.u32 v32, $0x9;
	v4 =	vand.u32 $0x7F, v34;
	v3 =	vand.u32 $0xFFFFFF80, v3  }
0x206: {  	v37 =	vor.u32 v1, v36;
	v5 =	vadd.s32 v35, v36;
	v3 =	vor.u32 v4, v3  }
0x207: {  	v39 =	vshll.u32 v33, $0x4;
	v5 =	vand.u32 $0xFFFFFF80, v5;
	v4 =	vand.u32 $0x7F, v37  }
0x208: {  	v40 =	vld [tilespmem:s22+$0xB420];
	v41 =	vadd.s32 v38, v39;
	v42 =	vor.u32 v1, v39;
	v4 =	vor.u32 v4, v5  }
0x209: {  	v6 =	vand.u32 $0x7F, v42;
	v5 =	vand.u32 $0xFFFFFF80, v41;
	v2 =	vld.idx.msk [tilespmem:v2+s19+$0x0], $0xffff  }
0x20a: {  	v5 =	vor.u32 v6, v5  }
0x20b: {  	v3 =	vld.idx.msk [tilespmem:v3+s19+$0x0], $0xffff;
	_ =	sdelay $0x1  }
0x20c: {  	v4 =	vld.idx.msk [tilespmem:v4+s19+$0x0], $0xffff  }
0x20d: {  	v2 =	vadd.f32 v2, v40  }
0x20e: {  	v5 =	vld.idx.msk [tilespmem:v5+s19+$0x0], $0xffff  }
0x20f: {  	v2 =	vadd.f32 v3, v2;
	_ =	sdelay $0x1  }
0x210: {  	v2 =	vadd.f32 v4, v2;
	_ =	sdelay $0x1  }
0x211: {  	v2 =	vadd.f32 v5, v2;
	_ =	sdelay $0x1  }
0x212: {  	[tilespmem:s22+$0xB420] =	vst v2  }
0x213: {  	v2 =	vld [tilespmem:s20+$0xFFFFFE30]  }
0x214: {  	v3 =	vld [tilespmem:s20+$0xFFFFFEB0]  }
0x215: {  	v43 =	vld [tilespmem:s20+$0xFFFFFF30]  }
0x216: {  	v44 =	vld [tilespmem:s20+$0xFFFFFFB0]  }
0x217: {  	v45 =	vld [tilespmem:s20+$0x30]  }
0x218: {  	v46 =	vld [tilespmem:s20+$0xB0];
	_ =	sdelay $0x1  }
0x219: {  	v47 =	vld [tilespmem:s20+$0x130];
	v2 =	vshll.u32 v2, $0x9  }
0x21a: {  	v3 =	vshll.u32 v3, $0x4;
	v4 =	vshll.u32 v43, $0x9;
	v5 =	vshll.u32 v44, $0x4  }
0x21b: {  	v48 =	vld [tilespmem:s20+$0x1B0];
	v50 =	vshll.u32 v45, $0x9;
	v2 =	vadd.s32 v2, v3;
	v3 =	vor.u32 v1, v3  }
0x21c: {  	v51 =	vshll.u32 v46, $0x4;
	v2 =	vand.u32 $0xFFFFFF80, v2;
	v3 =	vand.u32 $0x7F, v3  }
0x21d: {  	v49 =	vor.u32 v1, v5;
	v2 =	vor.u32 v3, v2;
	v3 =	vadd.s32 v4, v5  }
0x21e: {  	v53 =	vshll.u32 v47, $0x9;
	v4 =	vand.u32 $0x7F, v49;
	v3 =	vand.u32 $0xFFFFFF80, v3  }
0x21f: {  	v52 =	vor.u32 v1, v51;
	v5 =	vadd.s32 v50, v51;
	v3 =	vor.u32 v4, v3  }
0x220: {  	v54 =	vshll.u32 v48, $0x4;
	v5 =	vand.u32 $0xFFFFFF80, v5;
	v4 =	vand.u32 $0x7F, v52  }
0x221: {  	v55 =	vld [tilespmem:s22+$0xB430];
	v56 =	vadd.s32 v53, v54;
	v57 =	vor.u32 v1, v54;
	v4 =	vor.u32 v4, v5  }
0x222: {  	v6 =	vand.u32 $0x7F, v57;
	v5 =	vand.u32 $0xFFFFFF80, v56;
	v2 =	vld.idx.msk [tilespmem:v2+s19+$0x0], $0xffff  }
0x223: {  	v5 =	vor.u32 v6, v5  }
0x224: {  	v3 =	vld.idx.msk [tilespmem:v3+s19+$0x0], $0xffff;
	_ =	sdelay $0x1  }
0x225: {  	v4 =	vld.idx.msk [tilespmem:v4+s19+$0x0], $0xffff  }
0x226: {  	v2 =	vadd.f32 v2, v55  }
0x227: {  	v5 =	vld.idx.msk [tilespmem:v5+s19+$0x0], $0xffff  }
0x228: {  	v2 =	vadd.f32 v3, v2;
	_ =	sdelay $0x1  }
0x229: {  	v2 =	vadd.f32 v4, v2;
	_ =	sdelay $0x1  }
0x22a: {  	v2 =	vadd.f32 v5, v2;
	_ =	sdelay $0x1  }
0x22b: {  	[tilespmem:s22+$0xB430] =	vst v2  }
0x22c: {  	v2 =	vld [tilespmem:s20+$0xFFFFFE40]  }
0x22d: {  	v3 =	vld [tilespmem:s20+$0xFFFFFEC0]  }
0x22e: {  	v58 =	vld [tilespmem:s20+$0xFFFFFF40]  }
0x22f: {  	v59 =	vld [tilespmem:s20+$0xFFFFFFC0]  }
0x230: {  	v60 =	vld [tilespmem:s20+$0x40]  }
0x231: {  	v61 =	vld [tilespmem:s20+$0xC0];
	_ =	sdelay $0x1  }
0x232: {  	v62 =	vld [tilespmem:s20+$0x140];
	v2 =	vshll.u32 v2, $0x9  }
0x233: {  	v3 =	vshll.u32 v3, $0x4;
	v4 =	vshll.u32 v58, $0x9;
	v5 =	vshll.u32 v59, $0x4  }
0x234: {  	v63 =	vld [tilespmem:s20+$0x1C0];
	v12 =	vshll.u32 v60, $0x9;
	v2 =	vadd.s32 v2, v3;
	v3 =	vor.u32 v1, v3  }
0x235: {  	v13 =	vshll.u32 v61, $0x4;
	v2 =	vand.u32 $0xFFFFFF80, v2;
	v3 =	vand.u32 $0x7F, v3  }
0x236: {  	v11 =	vor.u32 v1, v5;
	v2 =	vor.u32 v3, v2;
	v3 =	vadd.s32 v4, v5  }
0x237: {  	v15 =	vshll.u32 v62, $0x9;
	v4 =	vand.u32 $0x7F, v11;
	v3 =	vand.u32 $0xFFFFFF80, v3  }
0x238: {  	v14 =	vor.u32 v1, v13;
	v5 =	vadd.s32 v12, v13;
	v3 =	vor.u32 v4, v3  }
0x239: {  	v16 =	vshll.u32 v63, $0x4;
	v5 =	vand.u32 $0xFFFFFF80, v5;
	v4 =	vand.u32 $0x7F, v14  }
0x23a: {  	v17 =	vld [tilespmem:s22+$0xB440];
	v18 =	vadd.s32 v15, v16;
	v19 =	vor.u32 v1, v16;
	v4 =	vor.u32 v4, v5  }
0x23b: {  	v6 =	vand.u32 $0x7F, v19;
	v5 =	vand.u32 $0xFFFFFF80, v18;
	v2 =	vld.idx.msk [tilespmem:v2+s19+$0x0], $0xffff  }
0x23c: {  	v5 =	vor.u32 v6, v5  }
0x23d: {  	v3 =	vld.idx.msk [tilespmem:v3+s19+$0x0], $0xffff;
	_ =	sdelay $0x1  }
0x23e: {  	v4 =	vld.idx.msk [tilespmem:v4+s19+$0x0], $0xffff  }
0x23f: {  	v2 =	vadd.f32 v2, v17  }
0x240: {  	v5 =	vld.idx.msk [tilespmem:v5+s19+$0x0], $0xffff  }
0x241: {  	v2 =	vadd.f32 v3, v2;
	_ =	sdelay $0x1  }
0x242: {  	v2 =	vadd.f32 v4, v2;
	_ =	sdelay $0x1  }
0x243: {  	v2 =	vadd.f32 v5, v2;
	_ =	sdelay $0x1  }
0x244: {  	[tilespmem:s22+$0xB440] =	vst v2  }
0x245: {  	v2 =	vld [tilespmem:s20+$0xFFFFFE50]  }
0x246: {  	v3 =	vld [tilespmem:s20+$0xFFFFFED0]  }
0x247: {  	v20 =	vld [tilespmem:s20+$0xFFFFFF50]  }
0x248: {  	v21 =	vld [tilespmem:s20+$0xFFFFFFD0]  }
0x249: {  	v22 =	vld [tilespmem:s20+$0x50]  }
0x24a: {  	v23 =	vld [tilespmem:s20+$0xD0];
	_ =	sdelay $0x1  }
0x24b: {  	v24 =	vld [tilespmem:s20+$0x150];
	v2 =	vshll.u32 v2, $0x9  }
0x24c: {  	v3 =	vshll.u32 v3, $0x4;
	v4 =	vshll.u32 v20, $0x9;
	v5 =	vshll.u32 v21, $0x4  }
0x24d: {  	v25 =	vld [tilespmem:s20+$0x1D0];
	v27 =	vshll.u32 v22, $0x9;
	v2 =	vadd.s32 v2, v3;
	v3 =	vor.u32 v1, v3  }
0x24e: {  	v28 =	vshll.u32 v23, $0x4;
	v2 =	vand.u32 $0xFFFFFF80, v2;
	v3 =	vand.u32 $0x7F, v3  }
0x24f: {  	v26 =	vor.u32 v1, v5;
	v2 =	vor.u32 v3, v2;
	v3 =	vadd.s32 v4, v5  }
0x250: {  	v30 =	vshll.u32 v24, $0x9;
	v4 =	vand.u32 $0x7F, v26;
	v3 =	vand.u32 $0xFFFFFF80, v3  }
0x251: {  	v29 =	vor.u32 v1, v28;
	v5 =	vadd.s32 v27, v28;
	v3 =	vor.u32 v4, v3  }
0x252: {  	v31 =	vshll.u32 v25, $0x4;
	v5 =	vand.u32 $0xFFFFFF80, v5;
	v4 =	vand.u32 $0x7F, v29  }
0x253: {  	v32 =	vld [tilespmem:s22+$0xB450];
	v33 =	vadd.s32 v30, v31;
	v34 =	vor.u32 v1, v31;
	v4 =	vor.u32 v4, v5  }
0x254: {  	v6 =	vand.u32 $0x7F, v34;
	v5 =	vand.u32 $0xFFFFFF80, v33;
	v2 =	vld.idx.msk [tilespmem:v2+s19+$0x0], $0xffff  }
0x255: {  	v5 =	vor.u32 v6, v5  }
0x256: {  	v3 =	vld.idx.msk [tilespmem:v3+s19+$0x0], $0xffff;
	_ =	sdelay $0x1  }
0x257: {  	v4 =	vld.idx.msk [tilespmem:v4+s19+$0x0], $0xffff  }
0x258: {  	v2 =	vadd.f32 v2, v32  }
0x259: {  	v5 =	vld.idx.msk [tilespmem:v5+s19+$0x0], $0xffff  }
0x25a: {  	v2 =	vadd.f32 v3, v2;
	_ =	sdelay $0x1  }
0x25b: {  	v2 =	vadd.f32 v4, v2;
	_ =	sdelay $0x1  }
0x25c: {  	v2 =	vadd.f32 v5, v2;
	_ =	sdelay $0x1  }
0x25d: {  	[tilespmem:s22+$0xB450] =	vst v2  }
0x25e: {  	v2 =	vld [tilespmem:s20+$0xFFFFFE60]  }
0x25f: {  	v3 =	vld [tilespmem:s20+$0xFFFFFEE0]  }
0x260: {  	v35 =	vld [tilespmem:s20+$0xFFFFFF60]  }
0x261: {  	v36 =	vld [tilespmem:s20+$0xFFFFFFE0]  }
0x262: {  	v37 =	vld [tilespmem:s20+$0x60]  }
0x263: {  	v38 =	vld [tilespmem:s20+$0xE0];
	_ =	sdelay $0x1  }
0x264: {  	v39 =	vld [tilespmem:s20+$0x160];
	v2 =	vshll.u32 v2, $0x9  }
0x265: {  	v3 =	vshll.u32 v3, $0x4;
	v4 =	vshll.u32 v35, $0x9;
	v5 =	vshll.u32 v36, $0x4  }
0x266: {  	v40 =	vld [tilespmem:s20+$0x1E0];
	v42 =	vshll.u32 v37, $0x9;
	v2 =	vadd.s32 v2, v3;
	v3 =	vor.u32 v1, v3  }
0x267: {  	v43 =	vshll.u32 v38, $0x4;
	v2 =	vand.u32 $0xFFFFFF80, v2;
	v3 =	vand.u32 $0x7F, v3  }
0x268: {  	v41 =	vor.u32 v1, v5;
	v2 =	vor.u32 v3, v2;
	v3 =	vadd.s32 v4, v5  }
0x269: {  	v45 =	vshll.u32 v39, $0x9;
	v4 =	vand.u32 $0x7F, v41;
	v3 =	vand.u32 $0xFFFFFF80, v3  }
0x26a: {  	v44 =	vor.u32 v1, v43;
	v5 =	vadd.s32 v42, v43;
	v3 =	vor.u32 v4, v3  }
0x26b: {  	v46 =	vshll.u32 v40, $0x4;
	v5 =	vand.u32 $0xFFFFFF80, v5;
	v4 =	vand.u32 $0x7F, v44  }
0x26c: {  	v47 =	vld [tilespmem:s22+$0xB460];
	v48 =	vadd.s32 v45, v46;
	v49 =	vor.u32 v1, v46;
	v4 =	vor.u32 v4, v5  }
0x26d: {  	v6 =	vand.u32 $0x7F, v49;
	v5 =	vand.u32 $0xFFFFFF80, v48;
	v2 =	vld.idx.msk [tilespmem:v2+s19+$0x0], $0xffff  }
0x26e: {  	v5 =	vor.u32 v6, v5  }
0x26f: {  	v3 =	vld.idx.msk [tilespmem:v3+s19+$0x0], $0xffff;
	_ =	sdelay $0x1  }
0x270: {  	v4 =	vld.idx.msk [tilespmem:v4+s19+$0x0], $0xffff  }
0x271: {  	v2 =	vadd.f32 v2, v47  }
0x272: {  	v5 =	vld.idx.msk [tilespmem:v5+s19+$0x0], $0xffff  }
0x273: {  	v2 =	vadd.f32 v3, v2;
	_ =	sdelay $0x1  }
0x274: {  	v2 =	vadd.f32 v4, v2;
	_ =	sdelay $0x1  }
0x275: {  	v2 =	vadd.f32 v5, v2;
	_ =	sdelay $0x1  }
0x276: {  	[tilespmem:s22+$0xB460] =	vst v2  }
0x277: {  	v2 =	vld [tilespmem:s20+$0xFFFFFE70]  }
0x278: {  	v3 =	vld [tilespmem:s20+$0xFFFFFEF0]  }
0x279: {  	v50 =	vld [tilespmem:s20+$0xFFFFFF70]  }
0x27a: {  	v51 =	vld [tilespmem:s20+$0xFFFFFFF0]  }
0x27b: {  	v52 =	vld [tilespmem:s20+$0x70]  }
0x27c: {  	v53 =	vld [tilespmem:s20+$0xF0];
	_ =	sdelay $0x1  }
0x27d: {  	v54 =	vld [tilespmem:s20+$0x170];
	v2 =	vshll.u32 v2, $0x9  }
0x27e: {  	v3 =	vshll.u32 v3, $0x4;
	v4 =	vshll.u32 v50, $0x9;
	v5 =	vshll.u32 v51, $0x4  }
0x27f: {  	v55 =	vld [tilespmem:s20+$0x1F0];
	v57 =	vshll.u32 v52, $0x9;
	v2 =	vadd.s32 v2, v3;
	v3 =	vor.u32 v1, v3  }
0x280: {  	v58 =	vshll.u32 v53, $0x4;
	v2 =	vand.u32 $0xFFFFFF80, v2;
	v3 =	vand.u32 $0x7F, v3  }
0x281: {  	v56 =	vor.u32 v1, v5;
	v2 =	vor.u32 v3, v2;
	v3 =	vadd.s32 v4, v5  }
0x282: {  	v60 =	vshll.u32 v54, $0x9;
	v4 =	vand.u32 $0x7F, v56;
	v3 =	vand.u32 $0xFFFFFF80, v3  }
0x283: {  	v59 =	vor.u32 v1, v58;
	v5 =	vadd.s32 v57, v58;
	v3 =	vor.u32 v4, v3  }
0x284: {  	v61 =	vshll.u32 v55, $0x4;
	v5 =	vand.u32 $0xFFFFFF80, v5;
	v4 =	vand.u32 $0x7F, v59  }
0x285: {  	v62 =	vld [tilespmem:s22+$0xB470];
	v6 =	vadd.s32 v60, v61;
	v7 =	vor.u32 v1, v61;
	v4 =	vor.u32 v4, v5  }
0x286: {  	v6 =	vand.u32 $0xFFFFFF80, v6;
	v7 =	vand.u32 $0x7F, v7;
	v2 =	vld.idx.msk [tilespmem:v2+s19+$0x0], $0xffff  }
0x287: {  	v6 =	vor.u32 v7, v6  }
0x288: {  	v3 =	vld.idx.msk [tilespmem:v3+s19+$0x0], $0xffff;
	_ =	sdelay $0x1  }
0x289: {  	v4 =	vld.idx.msk [tilespmem:v4+s19+$0x0], $0xffff  }
0x28a: {  	v2 =	vadd.f32 v2, v62  }
0x28b: {  	v63 =	vld.idx.msk [tilespmem:v6+s19+$0x0], $0xffff  }
0x28c: {  	v2 =	vadd.f32 v3, v2  }
0x28d: {  	p0 =	sne.s32 s21, $0x2000  }
.Ltmp5:
0x28e: {  	v2 =	vadd.f32 v4, v2;
	(pc) =	sbr.rel @p0 .LBB2_11-.Ltmp5, $3  }
0x28f: {  	_ = 	snop  }
0x290: {  	v2 =	vadd.f32 v63, v2;
	_ =	sdelay $0x1  }
0x291: {  	s21 =	sadd.s32 $0x200, s21;
	s20 =	sadd.s32 $0x400, s20;
	[tilespmem:s22+$0xB470] =	vst v2  }
0x292: {  	s20 =	sshra.s32 s19, $0x2;
	s19 =	sadd.s32 $0x40, s19  }
.LBB2_13:
0x293: {  	p0 =	sne.s32 s19, $0x21C0;
	v2 =	vld [tilespmem:s20+$0xB400];
	_ =	sdelay $0x2  }
.Ltmp6:
0x294: {  	(pc) =	sbr.rel @p0 .LBB2_13-.Ltmp6, $3  }
0x295: {  	_ = 	snop  }
0x296: {  	v2 =	vmul.f32 $4.999999890e-03, v2;
	_ =	sdelay $0x1  }
0x297: {  	[tilespmem:s20+$0xB400] =	vst v2;
	s20 =	sshra.s32 s19, $0x2;
	s19 =	sadd.s32 $0x40, s19  }
0x298: {  	v2 =	vld [tilespmem:s20+$0xB400];
	_ =	sdelay $0x4  }
0x299: {  	s18 =	sadd.s32 $0x1, s18;
	v2 =	vmul.f32 $4.999999890e-03, v2  }
0x29a: {  	p0 =	sne.s32 s18, s11  }
.Ltmp7:
0x29b: {  	[tilespmem:s20+$0xB400] =	vst v2;
	(pc) =	sbr.rel @p0 .LBB2_1-.Ltmp7, $4  }
0x29c: {  	[hbm4b:s10+s3] =	stream.linear.scatter [tilespmem:s17], [sflag:$0x3], $0x880, $0x38;
	[tilespmem:$0xBC80] =	vst v63  }
0x29d: {  	_ =	swait.ge [sflag:s12], $0x880  }
0x29e: {  	[sflag:s12] =	ssyncset.done $0x0  }
0x29f: {  	[sflag:s12] =	ssyncadd.s32 $0xFFFFF780  }
0x2a0: {  	_ =	sfence.sel $0x180000  }
0x2a1: {  	[bflag:$0x0] =	sbarrier.arrive $0xFFFF  }
0x2a2: {  	p0 =	sne.s32 s0, $0x0;
	_ =	strace $0x90000047  }
0x2a3: {  	s0 =	sadd.s32 @!p0 $0x100000, s1;
	[bflag:$0x2] =	sbarrier.arrive $0xFFFF  }
0x2a4: {  	[sflag:s0] =	ssyncadd.tile.s32 @!p0 $0x1;
	_ =	shalt  }
.Lfunc_end2:
_tile_overlayer_lowered:
.L_overlay_start_2:
0x2a5: {  	(tag) =	ssettag $0x2  }
0x2a6: {  	s0 =	rddreg [dreg:$0x0];
	s2 =	stileid.u32  }
0x2a7: {  	s1 =	rddreg [dreg:$0x1];
	p0 =	sne.s32 s2, $0x0  }
0x2a8: {  	s3 =	rddreg [dreg:$0x2];
	[bflag:$0x3] =	sbarrier.arrive $0xFFFF;
	s2 =	simm.s32 @!p0 $0x1C03  }
0x2a9: {  	[timem:s3], [sflag:s2] =	dma.local @!p0 [hbm:s0], s1  }
0x2aa: {  	s0 =	simm.s32 @!p0 $0x3  }
0x2ab: {  	_ =	swait.ge @!p0 [sflag:s0], s1  }
0x2ac: {  	s1 =	ssub.s32 @!p0 $0x0, s1;
	[sflag:s0] =	ssyncset.done @!p0 $0x0  }
0x2ad: {  	[sflag:s0] =	ssyncadd.s32 @!p0 s1  }
0x2ae: {  	[bflag:$0x3] =	sbarrier.arrive $0xFFFF  }
0x2af: {  	_ =	shalt  }

</sc_bundles>
